<compile_context>
chip_gen: v7x
topology: tpu7x:2x2x1
jax: 0.10.2.dev20260603
libtpu: 0.0.44.dev20260713+nightly
codegen_flags: <defaults>
</compile_context>

<pallas_src>
import functools

import jax
import jax.numpy as jnp
from jax import lax
from jax.experimental import pallas as pl
from jax.experimental.pallas import tpu as pltpu
from jax.experimental.pallas import tpu_sc as plsc

_PAIR_I = (0, 0, 0, 1, 1, 2)
_PAIR_J = (1, 2, 3, 2, 3, 3)
_NP = len(_PAIR_I)
_N = 8192
_ROWS = 8192
_CHUNKS = 12
_CSC = 1088
_UNROLL = 2
_NTC = _N - _CSC
_NSUB = 32
_QPW = _N // _NSUB
_QV = 16
_QBLK = 8


def _tc_body(pa_ref, pb_ref, a_ref, b_ref, out_ref, baug_ref):
    p = pl.program_id(0)
    r = pl.program_id(1)

    @pl.when(r == 0)
    def _build_b():
        bx = b_ref[0, 0:1, :]
        by = b_ref[0, 1:2, :]
        bz = b_ref[0, 2:3, :]
        wbx = pb_ref[p, 0] * bx + pb_ref[p, 1] * by + pb_ref[p, 2] * bz + pb_ref[p, 3]
        wby = pb_ref[p, 4] * bx + pb_ref[p, 5] * by + pb_ref[p, 6] * bz + pb_ref[p, 7]
        wbz = pb_ref[p, 8] * bx + pb_ref[p, 9] * by + pb_ref[p, 10] * bz + pb_ref[p, 11]
        baug_ref[0:1, :] = -2.0 * wbx
        baug_ref[1:2, :] = -2.0 * wby
        baug_ref[2:3, :] = -2.0 * wbz
        baug_ref[3:4, :] = wbx * wbx + wby * wby + wbz * wbz

    ax = a_ref[0, 0:1, :]
    ay = a_ref[0, 1:2, :]
    az = a_ref[0, 2:3, :]
    wax = pa_ref[p, 0] * ax + pa_ref[p, 1] * ay + pa_ref[p, 2] * az + pa_ref[p, 3]
    way = pa_ref[p, 4] * ax + pa_ref[p, 5] * ay + pa_ref[p, 6] * az + pa_ref[p, 7]
    waz = pa_ref[p, 8] * ax + pa_ref[p, 9] * ay + pa_ref[p, 10] * az + pa_ref[p, 11]
    a2 = wax * wax + way * way + waz * waz
    aaug = jnp.concatenate([wax, way, waz, jnp.ones_like(wax)], axis=0)

    chunk = _NTC // _CHUNKS
    m = None
    for k in range(_CHUNKS):
        ht = jax.lax.dot_general(
            baug_ref[:, k * chunk:(k + 1) * chunk], aaug,
            dimension_numbers=(((0,), (0,)), ((), ())),
            preferred_element_type=jnp.float32,
        )
        mk = jnp.min(ht, axis=0, keepdims=True)
        m = mk if m is None else jnp.minimum(m, mk)

    out_ref[pl.ds(p, 1), pl.ds(r * _ROWS, _ROWS)] = m + a2


def _sc_body(a_hbm, b_hbm, pa_hbm, pb_hbm, out_hbm,
             pav, pbv, ar0, ar1, ar2, br0, br1, br2,
             bgx, bgy, bgz, bg2, waxv, wayv, wazv, wa2v, tout):
    wid = lax.axis_index("s") * 2 + lax.axis_index("c")
    base = wid * _QPW
    pltpu.sync_copy(pa_hbm, pav)
    pltpu.sync_copy(pb_hbm, pbv)

    def _pair(p, carry):
        pltpu.sync_copy(b_hbm.at[pl.ds((p * 3 + 0) * _CSC, _CSC)], br0)
        pltpu.sync_copy(b_hbm.at[pl.ds((p * 3 + 1) * _CSC, _CSC)], br1)
        pltpu.sync_copy(b_hbm.at[pl.ds((p * 3 + 2) * _CSC, _CSC)], br2)
        pltpu.sync_copy(a_hbm.at[pl.ds((p * 3 + 0) * _N + base, _QPW)], ar0)
        pltpu.sync_copy(a_hbm.at[pl.ds((p * 3 + 1) * _N + base, _QPW)], ar1)
        pltpu.sync_copy(a_hbm.at[pl.ds((p * 3 + 2) * _N + base, _QPW)], ar2)
        pa_vec = pav[pl.ds(p * 16, 16)]
        pb_vec = pbv[pl.ds(p * 16, 16)]

        def _bbuild(i, c2):
            s = pl.ds(i * _QV, _QV)
            bx = br0[s]
            by = br1[s]
            bz = br2[s]
            wbx = pb_vec[0] * bx + pb_vec[1] * by + pb_vec[2] * bz + pb_vec[3]
            wby = pb_vec[4] * bx + pb_vec[5] * by + pb_vec[6] * bz + pb_vec[7]
            wbz = pb_vec[8] * bx + pb_vec[9] * by + pb_vec[10] * bz + pb_vec[11]
            bgx[s] = -2.0 * wbx
            bgy[s] = -2.0 * wby
            bgz[s] = -2.0 * wbz
            bg2[s] = wbx * wbx + wby * wby + wbz * wbz
            return c2

        lax.fori_loop(0, _CSC // _QV, _bbuild, 0)

        def _qbuild(i, c2):
            s = pl.ds(i * _QV, _QV)
            ax = ar0[s]
            ay = ar1[s]
            az = ar2[s]
            wax = pa_vec[0] * ax + pa_vec[1] * ay + pa_vec[2] * az + pa_vec[3]
            way = pa_vec[4] * ax + pa_vec[5] * ay + pa_vec[6] * az + pa_vec[7]
            waz = pa_vec[8] * ax + pa_vec[9] * ay + pa_vec[10] * az + pa_vec[11]
            waxv[s] = wax
            wayv[s] = way
            wazv[s] = waz
            wa2v[s] = wax * wax + way * way + waz * waz
            return c2

        lax.fori_loop(0, _QPW // _QV, _qbuild, 0)

        big = jnp.full((_QV,), 3.0e38, dtype=jnp.float32)
        lane_iota = jnp.arange(_QV, dtype=jnp.int32)

        def _qvloop(qv, c2):
            s = pl.ds(qv * _QV, _QV)
            qxv = waxv[s]
            qyv = wayv[s]
            qzv = wazv[s]
            qa2 = wa2v[s]
            res = jnp.zeros((_QV,), dtype=jnp.float32)
            for half in range(_QV // _QBLK):
                lanes = [half * _QBLK + j for j in range(_QBLK)]
                xs = [qxv[l] for l in lanes]
                ys = [qyv[l] for l in lanes]
                zs = [qzv[l] for l in lanes]

                def _cols(cv, mv):
                    for u in range(_UNROLL):
                        cs = pl.ds((cv * _UNROLL + u) * _QV, _QV)
                        bxv = bgx[cs]
                        byv = bgy[cs]
                        bzv = bgz[cs]
                        b2v = bg2[cs]
                        mv = tuple(
                            jnp.minimum(mv[j], (b2v + xs[j] * bxv) + (ys[j] * byv + zs[j] * bzv))
                            for j in range(_QBLK)
                        )
                    return mv

                mv = lax.fori_loop(0, _CSC // (_QV * _UNROLL), _cols, (big,) * _QBLK)
                for j in range(_QBLK):
                    m = mv[j]
                    for sh in (8, 4, 2, 1):
                        idx = lane_iota ^ sh
                        m = jnp.minimum(m, m.at[idx].get(mode="promise_in_bounds"))
                    res = jnp.where(lane_iota == lanes[j], m + qa2[lanes[j]], res)
            tout[s] = res
            return c2

        lax.fori_loop(0, _QPW // _QV, _qvloop, 0)
        pltpu.sync_copy(tout, out_hbm.at[pl.ds(p * _N + base, _QPW)])
        return carry

    lax.fori_loop(0, _NP, _pair, 0)


def _combine_body(ttc_ref, tsc_ref, out_ref):
    m = jnp.minimum(ttc_ref[...], tsc_ref[...])
    d = jnp.sqrt(jnp.maximum(m, 1e-12))
    out_ref[0, 0] = jnp.sum(d) * (1.0 / (6.0 * _N))


def kernel(point_clouds, camera_poses):
    idx_i = jnp.array(_PAIR_I)
    idx_j = jnp.array(_PAIR_J)
    pc_t = jnp.transpose(point_clouds, (0, 2, 1))
    a_in = pc_t[idx_i]
    b_in = pc_t[idx_j]
    b_tc = b_in[:, :, :_NTC]
    b_sc = b_in[:, :, _NTC:]
    rot = camera_poses[:, :3, :3]
    trans = camera_poses[:, :3, 3]
    mu_w = jnp.einsum("vij,vj->vi", rot, jnp.mean(point_clouds, axis=1)) + trans
    mu_pair = 0.5 * (mu_w[idx_i] + mu_w[idx_j])
    pose_rows = camera_poses[:, :3, :].reshape(4, 12)
    pa = pose_rows[idx_i].reshape(6, 3, 4).at[:, :, 3].add(-mu_pair).reshape(6, 12)
    pb = pose_rows[idx_j].reshape(6, 3, 4).at[:, :, 3].add(-mu_pair).reshape(6, 12)
    pa_flat = jnp.pad(pa, ((0, 0), (0, 4))).reshape(_NP * 16)
    pb_flat = jnp.pad(pb, ((0, 0), (0, 4))).reshape(_NP * 16)

    nr = _N // _ROWS
    t_tc = pl.pallas_call(
        _tc_body,
        grid=(_NP, nr),
        in_specs=[
            pl.BlockSpec(memory_space=pltpu.SMEM),
            pl.BlockSpec(memory_space=pltpu.SMEM),
            pl.BlockSpec((1, 3, _ROWS), lambda p, r: (p, 0, r)),
            pl.BlockSpec((1, 3, _NTC), lambda p, r: (p, 0, 0)),
        ],
        out_specs=pl.BlockSpec((_NP, _N), lambda p, r: (0, 0)),
        out_shape=jax.ShapeDtypeStruct((_NP, _N), jnp.float32),
        scratch_shapes=[pltpu.VMEM((4, _NTC), jnp.float32)],
    )(pa, pb, a_in, b_tc)

    sc_kernel = functools.partial(
        pl.kernel,
        mesh=plsc.VectorSubcoreMesh(core_axis_name="c", subcore_axis_name="s"),
        out_type=jax.ShapeDtypeStruct((_NP * _N,), jnp.float32),
        scratch_types=[
            pltpu.VMEM((_NP * 16,), jnp.float32),
            pltpu.VMEM((_NP * 16,), jnp.float32),
            pltpu.VMEM((_QPW,), jnp.float32),
            pltpu.VMEM((_QPW,), jnp.float32),
            pltpu.VMEM((_QPW,), jnp.float32),
            pltpu.VMEM((_CSC,), jnp.float32),
            pltpu.VMEM((_CSC,), jnp.float32),
            pltpu.VMEM((_CSC,), jnp.float32),
            pltpu.VMEM((_CSC,), jnp.float32),
            pltpu.VMEM((_CSC,), jnp.float32),
            pltpu.VMEM((_CSC,), jnp.float32),
            pltpu.VMEM((_CSC,), jnp.float32),
            pltpu.VMEM((_QPW,), jnp.float32),
            pltpu.VMEM((_QPW,), jnp.float32),
            pltpu.VMEM((_QPW,), jnp.float32),
            pltpu.VMEM((_QPW,), jnp.float32),
            pltpu.VMEM((_QPW,), jnp.float32),
        ],
    )(_sc_body)
    t_sc = sc_kernel(a_in.reshape(-1), b_sc.reshape(-1), pa_flat, pb_flat)

    out = pl.pallas_call(
        _combine_body,
        out_specs=pl.BlockSpec(memory_space=pltpu.SMEM),
        out_shape=jax.ShapeDtypeStruct((1, 1), jnp.float32),
    )(t_tc, t_sc.reshape(_NP, _N))
    return out[0, 0]

# --- scband reference (transcript-rebuilt; emitter-appended) ---
"""Pipeline reference for scband-multi-view-consistency-loss-11931419148402 (READ-ONLY COPY).

The authoritative reference and input builder live on the scoring server;
editing this copy changes nothing except your own understanding.
"""

import jax, jax.numpy as jnp
import numpy as np


def setup_inputs(seed: int = 0) -> dict:
    key = jax.random.key(seed)
    k1, k2 = jax.random.split(key)
    point_clouds = jax.random.normal(k1, (4, 8192, 3), dtype=jnp.float32)
    camera_poses = jax.random.normal(k2, (4, 4, 4), dtype=jnp.float32)
    return {"point_clouds": point_clouds, "camera_poses": camera_poses}


def _transform_points(points, transform):
    ones = jnp.ones((points.shape[0], 1), dtype=points.dtype)
    points_homo = jnp.concatenate([points, ones], axis=1)
    return (transform[:3, :4] @ points_homo.T).T


def _cdist(a, b):
    # Euclidean pairwise distance (torch.cdist p=2 equivalent)
    a2 = jnp.sum(a * a, axis=1)[:, None]
    b2 = jnp.sum(b * b, axis=1)[None, :]
    d2 = a2 + b2 - 2.0 * (a @ b.T)
    return jnp.sqrt(jnp.maximum(d2, 1e-12))


def _chamfer(pred, target):
    dist = _cdist(pred, target)
    return jnp.mean(jnp.min(dist, axis=1))


def reference(point_clouds, camera_poses):
    V = point_clouds.shape[0]
    consistency_loss = 0.0
    num_pairs = 0
    for i in range(V):
        for j in range(i + 1, V):
            pred_i_world = _transform_points(point_clouds[i], camera_poses[i])
            pred_j_world = _transform_points(point_clouds[j], camera_poses[j])
            consistency_loss = consistency_loss + _chamfer(pred_i_world, pred_j_world)
            num_pairs += 1
    return consistency_loss / max(num_pairs, 1)

if __name__ == "__main__":
    import jax
    _d = setup_inputs()
    print(jax.jit(kernel)(*tuple(_d.values())))

</pallas_src>

<mosaic_0001>
#map = affine_map<(d0, d1) -> (0)>
module attributes {stable_mosaic.version = 14 : i64} {
  func.func @_sc_body(%arg0: i32, %arg1: i32, %arg2: memref<147456xf32, #tpu.memory_space<hbm>>, %arg3: memref<19584xf32, #tpu.memory_space<hbm>>, %arg4: memref<96xf32, #tpu.memory_space<hbm>>, %arg5: memref<96xf32, #tpu.memory_space<hbm>>, %arg6: memref<49152xf32, #tpu.memory_space<hbm>>, %arg7: memref<96xf32, #tpu.memory_space<vmem>>, %arg8: memref<96xf32, #tpu.memory_space<vmem>>, %arg9: memref<256xf32, #tpu.memory_space<vmem>>, %arg10: memref<256xf32, #tpu.memory_space<vmem>>, %arg11: memref<256xf32, #tpu.memory_space<vmem>>, %arg12: memref<1088xf32, #tpu.memory_space<vmem>>, %arg13: memref<1088xf32, #tpu.memory_space<vmem>>, %arg14: memref<1088xf32, #tpu.memory_space<vmem>>, %arg15: memref<1088xf32, #tpu.memory_space<vmem>>, %arg16: memref<1088xf32, #tpu.memory_space<vmem>>, %arg17: memref<1088xf32, #tpu.memory_space<vmem>>, %arg18: memref<1088xf32, #tpu.memory_space<vmem>>, %arg19: memref<256xf32, #tpu.memory_space<vmem>>, %arg20: memref<256xf32, #tpu.memory_space<vmem>>, %arg21: memref<256xf32, #tpu.memory_space<vmem>>, %arg22: memref<256xf32, #tpu.memory_space<vmem>>, %arg23: memref<256xf32, #tpu.memory_space<vmem>>) attributes {dimension_semantics = [#tpu.dimension_semantics<core_parallel>, #tpu.dimension_semantics<subcore_parallel>], iteration_bounds = array<i64: 2, 16>, scalar_prefetch = 0 : i64, scratch_operands = 17 : i64, tpu.core_type = #tpu.core_type<sc_vector_subcore>, window_params = [{transform_indices = #map}, {transform_indices = #map}, {transform_indices = #map}, {transform_indices = #map}, {transform_indices = #map}]} {
    %mul3A = arith.constant 2 : i32
    %mul3A_0 = arith.muli %arg1, %mul3A : i32
    %add3A = arith.addi %mul3A_0, %arg0 : i32
    %mul3A_1 = arith.constant 256 : i32
    %mul3A_2 = arith.muli %add3A, %mul3A_1 : i32
    "tpu.region"() ({
      %run_scoped3A = tpu.sem_alloc : memref<!tpu.dma_semaphore, #tpu.memory_space<semaphore_mem>>
      tpu.enqueue_dma source(%arg4 : memref<96xf32, #tpu.memory_space<hbm>>) target(%arg7 : memref<96xf32, #tpu.memory_space<vmem>>) target_semaphore(%run_scoped3A : memref<!tpu.dma_semaphore, #tpu.memory_space<semaphore_mem>>)
      tpu.wait_dma2 semaphore(%run_scoped3A : memref<!tpu.dma_semaphore, #tpu.memory_space<semaphore_mem>>) src(%arg4 : memref<96xf32, #tpu.memory_space<hbm>>) dst(%arg7 : memref<96xf32, #tpu.memory_space<vmem>>)
      tpu.yield
    }) : () -> ()
    "tpu.region"() ({
      %run_scoped3A = tpu.sem_alloc : memref<!tpu.dma_semaphore, #tpu.memory_space<semaphore_mem>>
      tpu.enqueue_dma source(%arg5 : memref<96xf32, #tpu.memory_space<hbm>>) target(%arg8 : memref<96xf32, #tpu.memory_space<vmem>>) target_semaphore(%run_scoped3A : memref<!tpu.dma_semaphore, #tpu.memory_space<semaphore_mem>>)
      tpu.wait_dma2 semaphore(%run_scoped3A : memref<!tpu.dma_semaphore, #tpu.memory_space<semaphore_mem>>) src(%arg5 : memref<96xf32, #tpu.memory_space<hbm>>) dst(%arg8 : memref<96xf32, #tpu.memory_space<vmem>>)
      tpu.yield
    }) : () -> ()
    %scan3A = arith.constant 0 : i32
    %scan3A_3 = arith.constant 0 : i32
    %scan3A_4 = arith.constant 6 : i32
    %scan3A_5 = arith.addi %scan3A_3, %scan3A_4 : i32
    %scan3A_6 = arith.constant 1 : i32
    scf.for %scan3A_8 = %scan3A_3 to %scan3A_5 step %scan3A_6  : i32 {
      %mul3A_9 = arith.constant 3 : i32
      %mul3A_10 = arith.muli %scan3A_8, %mul3A_9 : i32
      %add3A_11 = arith.constant 0 : i32
      %add3A_12 = arith.addi %mul3A_10, %add3A_11 : i32
      %mul3A_13 = arith.constant 1088 : i32
      %mul3A_14 = arith.muli %add3A_12, %mul3A_13 : i32
      "tpu.region"() ({
        %run_scoped3A = tpu.sem_alloc : memref<!tpu.dma_semaphore, #tpu.memory_space<semaphore_mem>>
        %dma_start3A = tpu.memref_slice %arg3[%mul3A_14] : memref<19584xf32, #tpu.memory_space<hbm>> -> memref<1088xf32, #tpu.memory_space<hbm>>
        %dma_start3A_79 = tpu.memref_slice %arg3[%mul3A_14] : memref<19584xf32, #tpu.memory_space<hbm>> -> memref<1088xf32, #tpu.memory_space<hbm>>
        tpu.enqueue_dma source(%dma_start3A_79 : memref<1088xf32, #tpu.memory_space<hbm>>) target(%arg12 : memref<1088xf32, #tpu.memory_space<vmem>>) target_semaphore(%run_scoped3A : memref<!tpu.dma_semaphore, #tpu.memory_space<semaphore_mem>>)
        %dma_wait3A = tpu.memref_slice %arg3[%mul3A_14] : memref<19584xf32, #tpu.memory_space<hbm>> -> memref<1088xf32, #tpu.memory_space<hbm>>
        %dma_wait3A_80 = tpu.memref_slice %arg3[%mul3A_14] : memref<19584xf32, #tpu.memory_space<hbm>> -> memref<1088xf32, #tpu.memory_space<hbm>>
        tpu.wait_dma2 semaphore(%run_scoped3A : memref<!tpu.dma_semaphore, #tpu.memory_space<semaphore_mem>>) src(%dma_wait3A_80 : memref<1088xf32, #tpu.memory_space<hbm>>) dst(%arg12 : memref<1088xf32, #tpu.memory_space<vmem>>)
        tpu.yield
      }) : () -> ()
      %mul3A_15 = arith.constant 3 : i32
      %mul3A_16 = arith.muli %scan3A_8, %mul3A_15 : i32
      %add3A_17 = arith.constant 1 : i32
      %add3A_18 = arith.addi %mul3A_16, %add3A_17 : i32
      %mul3A_19 = arith.constant 1088 : i32
      %mul3A_20 = arith.muli %add3A_18, %mul3A_19 : i32
      "tpu.region"() ({
        %run_scoped3A = tpu.sem_alloc : memref<!tpu.dma_semaphore, #tpu.memory_space<semaphore_mem>>
        %dma_start3A = tpu.memref_slice %arg3[%mul3A_20] : memref<19584xf32, #tpu.memory_space<hbm>> -> memref<1088xf32, #tpu.memory_space<hbm>>
        %dma_start3A_79 = tpu.memref_slice %arg3[%mul3A_20] : memref<19584xf32, #tpu.memory_space<hbm>> -> memref<1088xf32, #tpu.memory_space<hbm>>
        tpu.enqueue_dma source(%dma_start3A_79 : memref<1088xf32, #tpu.memory_space<hbm>>) target(%arg13 : memref<1088xf32, #tpu.memory_space<vmem>>) target_semaphore(%run_scoped3A : memref<!tpu.dma_semaphore, #tpu.memory_space<semaphore_mem>>)
        %dma_wait3A = tpu.memref_slice %arg3[%mul3A_20] : memref<19584xf32, #tpu.memory_space<hbm>> -> memref<1088xf32, #tpu.memory_space<hbm>>
        %dma_wait3A_80 = tpu.memref_slice %arg3[%mul3A_20] : memref<19584xf32, #tpu.memory_space<hbm>> -> memref<1088xf32, #tpu.memory_space<hbm>>
        tpu.wait_dma2 semaphore(%run_scoped3A : memref<!tpu.dma_semaphore, #tpu.memory_space<semaphore_mem>>) src(%dma_wait3A_80 : memref<1088xf32, #tpu.memory_space<hbm>>) dst(%arg13 : memref<1088xf32, #tpu.memory_space<vmem>>)
        tpu.yield
      }) : () -> ()
      %mul3A_21 = arith.constant 3 : i32
      %mul3A_22 = arith.muli %scan3A_8, %mul3A_21 : i32
      %add3A_23 = arith.constant 2 : i32
      %add3A_24 = arith.addi %mul3A_22, %add3A_23 : i32
      %mul3A_25 = arith.constant 1088 : i32
      %mul3A_26 = arith.muli %add3A_24, %mul3A_25 : i32
      "tpu.region"() ({
        %run_scoped3A = tpu.sem_alloc : memref<!tpu.dma_semaphore, #tpu.memory_space<semaphore_mem>>
        %dma_start3A = tpu.memref_slice %arg3[%mul3A_26] : memref<19584xf32, #tpu.memory_space<hbm>> -> memref<1088xf32, #tpu.memory_space<hbm>>
        %dma_start3A_79 = tpu.memref_slice %arg3[%mul3A_26] : memref<19584xf32, #tpu.memory_space<hbm>> -> memref<1088xf32, #tpu.memory_space<hbm>>
        tpu.enqueue_dma source(%dma_start3A_79 : memref<1088xf32, #tpu.memory_space<hbm>>) target(%arg14 : memref<1088xf32, #tpu.memory_space<vmem>>) target_semaphore(%run_scoped3A : memref<!tpu.dma_semaphore, #tpu.memory_space<semaphore_mem>>)
        %dma_wait3A = tpu.memref_slice %arg3[%mul3A_26] : memref<19584xf32, #tpu.memory_space<hbm>> -> memref<1088xf32, #tpu.memory_space<hbm>>
        %dma_wait3A_80 = tpu.memref_slice %arg3[%mul3A_26] : memref<19584xf32, #tpu.memory_space<hbm>> -> memref<1088xf32, #tpu.memory_space<hbm>>
        tpu.wait_dma2 semaphore(%run_scoped3A : memref<!tpu.dma_semaphore, #tpu.memory_space<semaphore_mem>>) src(%dma_wait3A_80 : memref<1088xf32, #tpu.memory_space<hbm>>) dst(%arg14 : memref<1088xf32, #tpu.memory_space<vmem>>)
        tpu.yield
      }) : () -> ()
      %mul3A_27 = arith.constant 3 : i32
      %mul3A_28 = arith.muli %scan3A_8, %mul3A_27 : i32
      %add3A_29 = arith.constant 0 : i32
      %add3A_30 = arith.addi %mul3A_28, %add3A_29 : i32
      %mul3A_31 = arith.constant 8192 : i32
      %mul3A_32 = arith.muli %add3A_30, %mul3A_31 : i32
      %add3A_33 = arith.addi %mul3A_32, %mul3A_2 : i32
      "tpu.region"() ({
        %run_scoped3A = tpu.sem_alloc : memref<!tpu.dma_semaphore, #tpu.memory_space<semaphore_mem>>
        %dma_start3A = tpu.memref_slice %arg2[%add3A_33] : memref<147456xf32, #tpu.memory_space<hbm>> -> memref<256xf32, #tpu.memory_space<hbm>>
        %dma_start3A_79 = tpu.memref_slice %arg2[%add3A_33] : memref<147456xf32, #tpu.memory_space<hbm>> -> memref<256xf32, #tpu.memory_space<hbm>>
        tpu.enqueue_dma source(%dma_start3A_79 : memref<256xf32, #tpu.memory_space<hbm>>) target(%arg9 : memref<256xf32, #tpu.memory_space<vmem>>) target_semaphore(%run_scoped3A : memref<!tpu.dma_semaphore, #tpu.memory_space<semaphore_mem>>)
        %dma_wait3A = tpu.memref_slice %arg2[%add3A_33] : memref<147456xf32, #tpu.memory_space<hbm>> -> memref<256xf32, #tpu.memory_space<hbm>>
        %dma_wait3A_80 = tpu.memref_slice %arg2[%add3A_33] : memref<147456xf32, #tpu.memory_space<hbm>> -> memref<256xf32, #tpu.memory_space<hbm>>
        tpu.wait_dma2 semaphore(%run_scoped3A : memref<!tpu.dma_semaphore, #tpu.memory_space<semaphore_mem>>) src(%dma_wait3A_80 : memref<256xf32, #tpu.memory_space<hbm>>) dst(%arg9 : memref<256xf32, #tpu.memory_space<vmem>>)
        tpu.yield
      }) : () -> ()
      %mul3A_34 = arith.constant 3 : i32
      %mul3A_35 = arith.muli %scan3A_8, %mul3A_34 : i32
      %add3A_36 = arith.constant 1 : i32
      %add3A_37 = arith.addi %mul3A_35, %add3A_36 : i32
      %mul3A_38 = arith.constant 8192 : i32
      %mul3A_39 = arith.muli %add3A_37, %mul3A_38 : i32
      %add3A_40 = arith.addi %mul3A_39, %mul3A_2 : i32
      "tpu.region"() ({
        %run_scoped3A = tpu.sem_alloc : memref<!tpu.dma_semaphore, #tpu.memory_space<semaphore_mem>>
        %dma_start3A = tpu.memref_slice %arg2[%add3A_40] : memref<147456xf32, #tpu.memory_space<hbm>> -> memref<256xf32, #tpu.memory_space<hbm>>
        %dma_start3A_79 = tpu.memref_slice %arg2[%add3A_40] : memref<147456xf32, #tpu.memory_space<hbm>> -> memref<256xf32, #tpu.memory_space<hbm>>
        tpu.enqueue_dma source(%dma_start3A_79 : memref<256xf32, #tpu.memory_space<hbm>>) target(%arg10 : memref<256xf32, #tpu.memory_space<vmem>>) target_semaphore(%run_scoped3A : memref<!tpu.dma_semaphore, #tpu.memory_space<semaphore_mem>>)
        %dma_wait3A = tpu.memref_slice %arg2[%add3A_40] : memref<147456xf32, #tpu.memory_space<hbm>> -> memref<256xf32, #tpu.memory_space<hbm>>
        %dma_wait3A_80 = tpu.memref_slice %arg2[%add3A_40] : memref<147456xf32, #tpu.memory_space<hbm>> -> memref<256xf32, #tpu.memory_space<hbm>>
        tpu.wait_dma2 semaphore(%run_scoped3A : memref<!tpu.dma_semaphore, #tpu.memory_space<semaphore_mem>>) src(%dma_wait3A_80 : memref<256xf32, #tpu.memory_space<hbm>>) dst(%arg10 : memref<256xf32, #tpu.memory_space<vmem>>)
        tpu.yield
      }) : () -> ()
      %mul3A_41 = arith.constant 3 : i32
      %mul3A_42 = arith.muli %scan3A_8, %mul3A_41 : i32
      %add3A_43 = arith.constant 2 : i32
      %add3A_44 = arith.addi %mul3A_42, %add3A_43 : i32
      %mul3A_45 = arith.constant 8192 : i32
      %mul3A_46 = arith.muli %add3A_44, %mul3A_45 : i32
      %add3A_47 = arith.addi %mul3A_46, %mul3A_2 : i32
      "tpu.region"() ({
        %run_scoped3A = tpu.sem_alloc : memref<!tpu.dma_semaphore, #tpu.memory_space<semaphore_mem>>
        %dma_start3A = tpu.memref_slice %arg2[%add3A_47] : memref<147456xf32, #tpu.memory_space<hbm>> -> memref<256xf32, #tpu.memory_space<hbm>>
        %dma_start3A_79 = tpu.memref_slice %arg2[%add3A_47] : memref<147456xf32, #tpu.memory_space<hbm>> -> memref<256xf32, #tpu.memory_space<hbm>>
        tpu.enqueue_dma source(%dma_start3A_79 : memref<256xf32, #tpu.memory_space<hbm>>) target(%arg11 : memref<256xf32, #tpu.memory_space<vmem>>) target_semaphore(%run_scoped3A : memref<!tpu.dma_semaphore, #tpu.memory_space<semaphore_mem>>)
        %dma_wait3A = tpu.memref_slice %arg2[%add3A_47] : memref<147456xf32, #tpu.memory_space<hbm>> -> memref<256xf32, #tpu.memory_space<hbm>>
        %dma_wait3A_80 = tpu.memref_slice %arg2[%add3A_47] : memref<147456xf32, #tpu.memory_space<hbm>> -> memref<256xf32, #tpu.memory_space<hbm>>
        tpu.wait_dma2 semaphore(%run_scoped3A : memref<!tpu.dma_semaphore, #tpu.memory_space<semaphore_mem>>) src(%dma_wait3A_80 : memref<256xf32, #tpu.memory_space<hbm>>) dst(%arg11 : memref<256xf32, #tpu.memory_space<vmem>>)
        tpu.yield
      }) : () -> ()
      %mul3A_48 = arith.constant 16 : i32
      %mul3A_49 = arith.muli %scan3A_8, %mul3A_48 : i32
      %get3A = arith.index_cast %mul3A_49 : i32 to index
      %get3A_50 = tpu.vector_load %arg7[%get3A] {strides = array<i32>} : memref<96xf32, #tpu.memory_space<vmem>>, vector<16xf32>,
      %get3A_51 = vector.shape_cast %get3A_50 : vector<16xf32> to vector<16xf32>
      %mul3A_52 = arith.constant 16 : i32
      %mul3A_53 = arith.muli %scan3A_8, %mul3A_52 : i32
      %get3A_54 = arith.index_cast %mul3A_53 : i32 to index
      %get3A_55 = tpu.vector_load %arg8[%get3A_54] {strides = array<i32>} : memref<96xf32, #tpu.memory_space<vmem>>, vector<16xf32>,
      %get3A_56 = vector.shape_cast %get3A_55 : vector<16xf32> to vector<16xf32>
      %scan3A_57 = arith.constant 0 : i32
      %scan3A_58 = arith.constant 0 : i32
      %scan3A_59 = arith.constant 68 : i32
      %scan3A_60 = arith.addi %scan3A_58, %scan3A_59 : i32
      %scan3A_61 = arith.constant 1 : i32
      scf.for %scan3A_79 = %scan3A_58 to %scan3A_60 step %scan3A_61  : i32 {
        %mul3A_80 = arith.constant 16 : i32
        %mul3A_81 = arith.muli %scan3A_79, %mul3A_80 : i32
        %get3A_82 = arith.index_cast %mul3A_81 : i32 to index
        %get3A_83 = tpu.vector_load %arg12[%get3A_82] {strides = array<i32>} : memref<1088xf32, #tpu.memory_space<vmem>>, vector<16xf32>,
        %get3A_84 = vector.shape_cast %get3A_83 : vector<16xf32> to vector<16xf32>
        %get3A_85 = arith.index_cast %mul3A_81 : i32 to index
        %get3A_86 = tpu.vector_load %arg13[%get3A_85] {strides = array<i32>} : memref<1088xf32, #tpu.memory_space<vmem>>, vector<16xf32>,
        %get3A_87 = vector.shape_cast %get3A_86 : vector<16xf32> to vector<16xf32>
        %get3A_88 = arith.index_cast %mul3A_81 : i32 to index
        %get3A_89 = tpu.vector_load %arg14[%get3A_88] {strides = array<i32>} : memref<1088xf32, #tpu.memory_space<vmem>>, vector<16xf32>,
        %get3A_90 = vector.shape_cast %get3A_89 : vector<16xf32> to vector<16xf32>
        %slice3A = vector.extract_strided_slice %get3A_56 {offsets = [0], sizes = [1], strides = [1]} : vector<16xf32> to vector<1xf32>
        %squeeze3A = vector.extract %slice3A[0] : f32 from vector<1xf32>
        %mul3A_91 = vector.broadcast %squeeze3A : f32 to vector<16xf32>
        %mul3A_92 = arith.mulf %mul3A_91, %get3A_84 : vector<16xf32>
        %slice3A_93 = vector.extract_strided_slice %get3A_56 {offsets = [1], sizes = [1], strides = [1]} : vector<16xf32> to vector<1xf32>
        %squeeze3A_94 = vector.extract %slice3A_93[0] : f32 from vector<1xf32>
        %mul3A_95 = vector.broadcast %squeeze3A_94 : f32 to vector<16xf32>
        %mul3A_96 = arith.mulf %mul3A_95, %get3A_87 : vector<16xf32>
        %add3A_97 = arith.addf %mul3A_92, %mul3A_96 : vector<16xf32>
        %slice3A_98 = vector.extract_strided_slice %get3A_56 {offsets = [2], sizes = [1], strides = [1]} : vector<16xf32> to vector<1xf32>
        %squeeze3A_99 = vector.extract %slice3A_98[0] : f32 from vector<1xf32>
        %mul3A_100 = vector.broadcast %squeeze3A_99 : f32 to vector<16xf32>
        %mul3A_101 = arith.mulf %mul3A_100, %get3A_90 : vector<16xf32>
        %add3A_102 = arith.addf %add3A_97, %mul3A_101 : vector<16xf32>
        %slice3A_103 = vector.extract_strided_slice %get3A_56 {offsets = [3], sizes = [1], strides = [1]} : vector<16xf32> to vector<1xf32>
        %squeeze3A_104 = vector.extract %slice3A_103[0] : f32 from vector<1xf32>
        %add3A_105 = vector.broadcast %squeeze3A_104 : f32 to vector<16xf32>
        %add3A_106 = arith.addf %add3A_102, %add3A_105 : vector<16xf32>
        %slice3A_107 = vector.extract_strided_slice %get3A_56 {offsets = [4], sizes = [1], strides = [1]} : vector<16xf32> to vector<1xf32>
        %squeeze3A_108 = vector.extract %slice3A_107[0] : f32 from vector<1xf32>
        %mul3A_109 = vector.broadcast %squeeze3A_108 : f32 to vector<16xf32>
        %mul3A_110 = arith.mulf %mul3A_109, %get3A_84 : vector<16xf32>
        %slice3A_111 = vector.extract_strided_slice %get3A_56 {offsets = [5], sizes = [1], strides = [1]} : vector<16xf32> to vector<1xf32>
        %squeeze3A_112 = vector.extract %slice3A_111[0] : f32 from vector<1xf32>
        %mul3A_113 = vector.broadcast %squeeze3A_112 : f32 to vector<16xf32>
        %mul3A_114 = arith.mulf %mul3A_113, %get3A_87 : vector<16xf32>
        %add3A_115 = arith.addf %mul3A_110, %mul3A_114 : vector<16xf32>
        %slice3A_116 = vector.extract_strided_slice %get3A_56 {offsets = [6], sizes = [1], strides = [1]} : vector<16xf32> to vector<1xf32>
        %squeeze3A_117 = vector.extract %slice3A_116[0] : f32 from vector<1xf32>
        %mul3A_118 = vector.broadcast %squeeze3A_117 : f32 to vector<16xf32>
        %mul3A_119 = arith.mulf %mul3A_118, %get3A_90 : vector<16xf32>
        %add3A_120 = arith.addf %add3A_115, %mul3A_119 : vector<16xf32>
        %slice3A_121 = vector.extract_strided_slice %get3A_56 {offsets = [7], sizes = [1], strides = [1]} : vector<16xf32> to vector<1xf32>
        %squeeze3A_122 = vector.extract %slice3A_121[0] : f32 from vector<1xf32>
        %add3A_123 = vector.broadcast %squeeze3A_122 : f32 to vector<16xf32>
        %add3A_124 = arith.addf %add3A_120, %add3A_123 : vector<16xf32>
        %slice3A_125 = vector.extract_strided_slice %get3A_56 {offsets = [8], sizes = [1], strides = [1]} : vector<16xf32> to vector<1xf32>
        %squeeze3A_126 = vector.extract %slice3A_125[0] : f32 from vector<1xf32>
        %mul3A_127 = vector.broadcast %squeeze3A_126 : f32 to vector<16xf32>
        %mul3A_128 = arith.mulf %mul3A_127, %get3A_84 : vector<16xf32>
        %slice3A_129 = vector.extract_strided_slice %get3A_56 {offsets = [9], sizes = [1], strides = [1]} : vector<16xf32> to vector<1xf32>
        %squeeze3A_130 = vector.extract %slice3A_129[0] : f32 from vector<1xf32>
        %mul3A_131 = vector.broadcast %squeeze3A_130 : f32 to vector<16xf32>
        %mul3A_132 = arith.mulf %mul3A_131, %get3A_87 : vector<16xf32>
        %add3A_133 = arith.addf %mul3A_128, %mul3A_132 : vector<16xf32>
        %slice3A_134 = vector.extract_strided_slice %get3A_56 {offsets = [10], sizes = [1], strides = [1]} : vector<16xf32> to vector<1xf32>
        %squeeze3A_135 = vector.extract %slice3A_134[0] : f32 from vector<1xf32>
        %mul3A_136 = vector.broadcast %squeeze3A_135 : f32 to vector<16xf32>
        %mul3A_137 = arith.mulf %mul3A_136, %get3A_90 : vector<16xf32>
        %add3A_138 = arith.addf %add3A_133, %mul3A_137 : vector<16xf32>
        %slice3A_139 = vector.extract_strided_slice %get3A_56 {offsets = [11], sizes = [1], strides = [1]} : vector<16xf32> to vector<1xf32>
        %squeeze3A_140 = vector.extract %slice3A_139[0] : f32 from vector<1xf32>
        %add3A_141 = vector.broadcast %squeeze3A_140 : f32 to vector<16xf32>
        %add3A_142 = arith.addf %add3A_138, %add3A_141 : vector<16xf32>
        %mul3A_143 = arith.constant -2.000000e+00 : f32
        %mul3A_144 = vector.broadcast %mul3A_143 : f32 to vector<16xf32>
        %mul3A_145 = arith.mulf %mul3A_144, %add3A_106 : vector<16xf32>
        %swap3A = arith.index_cast %mul3A_81 : i32 to index
        %swap3A_146 = tpu.vector_load %arg15[%swap3A] {strides = array<i32>} : memref<1088xf32, #tpu.memory_space<vmem>>, vector<16xf32>,
        %swap3A_147 = vector.shape_cast %swap3A_146 : vector<16xf32> to vector<16xf32>
        %swap3A_148 = vector.shape_cast %mul3A_145 : vector<16xf32> to vector<16xf32>
        tpu.vector_store %arg15[%swap3A], %swap3A_148 {strides = array<i32>} : memref<1088xf32, #tpu.memory_space<vmem>>, vector<16xf32>,
        %mul3A_149 = arith.constant -2.000000e+00 : f32
        %mul3A_150 = vector.broadcast %mul3A_149 : f32 to vector<16xf32>
        %mul3A_151 = arith.mulf %mul3A_150, %add3A_124 : vector<16xf32>
        %swap3A_152 = arith.index_cast %mul3A_81 : i32 to index
        %swap3A_153 = tpu.vector_load %arg16[%swap3A_152] {strides = array<i32>} : memref<1088xf32, #tpu.memory_space<vmem>>, vector<16xf32>,
        %swap3A_154 = vector.shape_cast %swap3A_153 : vector<16xf32> to vector<16xf32>
        %swap3A_155 = vector.shape_cast %mul3A_151 : vector<16xf32> to vector<16xf32>
        tpu.vector_store %arg16[%swap3A_152], %swap3A_155 {strides = array<i32>} : memref<1088xf32, #tpu.memory_space<vmem>>, vector<16xf32>,
        %mul3A_156 = arith.constant -2.000000e+00 : f32
        %mul3A_157 = vector.broadcast %mul3A_156 : f32 to vector<16xf32>
        %mul3A_158 = arith.mulf %mul3A_157, %add3A_142 : vector<16xf32>
        %swap3A_159 = arith.index_cast %mul3A_81 : i32 to index
        %swap3A_160 = tpu.vector_load %arg17[%swap3A_159] {strides = array<i32>} : memref<1088xf32, #tpu.memory_space<vmem>>, vector<16xf32>,
        %swap3A_161 = vector.shape_cast %swap3A_160 : vector<16xf32> to vector<16xf32>
        %swap3A_162 = vector.shape_cast %mul3A_158 : vector<16xf32> to vector<16xf32>
        tpu.vector_store %arg17[%swap3A_159], %swap3A_162 {strides = array<i32>} : memref<1088xf32, #tpu.memory_space<vmem>>, vector<16xf32>,
        %mul3A_163 = arith.mulf %add3A_106, %add3A_106 : vector<16xf32>
        %mul3A_164 = arith.mulf %add3A_124, %add3A_124 : vector<16xf32>
        %add3A_165 = arith.addf %mul3A_163, %mul3A_164 : vector<16xf32>
        %mul3A_166 = arith.mulf %add3A_142, %add3A_142 : vector<16xf32>
        %add3A_167 = arith.addf %add3A_165, %mul3A_166 : vector<16xf32>
        %swap3A_168 = arith.index_cast %mul3A_81 : i32 to index
        %swap3A_169 = tpu.vector_load %arg18[%swap3A_168] {strides = array<i32>} : memref<1088xf32, #tpu.memory_space<vmem>>, vector<16xf32>,
        %swap3A_170 = vector.shape_cast %swap3A_169 : vector<16xf32> to vector<16xf32>
        %swap3A_171 = vector.shape_cast %add3A_167 : vector<16xf32> to vector<16xf32>
        tpu.vector_store %arg18[%swap3A_168], %swap3A_171 {strides = array<i32>} : memref<1088xf32, #tpu.memory_space<vmem>>, vector<16xf32>,
      }
      %scan3A_62 = arith.constant 68 : i32
      %scan3A_63 = arith.constant 0 : i32
      %scan3A_64 = arith.constant 0 : i32
      %scan3A_65 = arith.constant 16 : i32
      %scan3A_66 = arith.addi %scan3A_64, %scan3A_65 : i32
      %scan3A_67 = arith.constant 1 : i32
      scf.for %scan3A_79 = %scan3A_64 to %scan3A_66 step %scan3A_67  : i32 {
        %mul3A_80 = arith.constant 16 : i32
        %mul3A_81 = arith.muli %scan3A_79, %mul3A_80 : i32
        %get3A_82 = arith.index_cast %mul3A_81 : i32 to index
        %get3A_83 = tpu.vector_load %arg9[%get3A_82] {strides = array<i32>} : memref<256xf32, #tpu.memory_space<vmem>>, vector<16xf32>,
        %get3A_84 = vector.shape_cast %get3A_83 : vector<16xf32> to vector<16xf32>
        %get3A_85 = arith.index_cast %mul3A_81 : i32 to index
        %get3A_86 = tpu.vector_load %arg10[%get3A_85] {strides = array<i32>} : memref<256xf32, #tpu.memory_space<vmem>>, vector<16xf32>,
        %get3A_87 = vector.shape_cast %get3A_86 : vector<16xf32> to vector<16xf32>
        %get3A_88 = arith.index_cast %mul3A_81 : i32 to index
        %get3A_89 = tpu.vector_load %arg11[%get3A_88] {strides = array<i32>} : memref<256xf32, #tpu.memory_space<vmem>>, vector<16xf32>,
        %get3A_90 = vector.shape_cast %get3A_89 : vector<16xf32> to vector<16xf32>
        %slice3A = vector.extract_strided_slice %get3A_51 {offsets = [0], sizes = [1], strides = [1]} : vector<16xf32> to vector<1xf32>
        %squeeze3A = vector.extract %slice3A[0] : f32 from vector<1xf32>
        %mul3A_91 = vector.broadcast %squeeze3A : f32 to vector<16xf32>
        %mul3A_92 = arith.mulf %mul3A_91, %get3A_84 : vector<16xf32>
        %slice3A_93 = vector.extract_strided_slice %get3A_51 {offsets = [1], sizes = [1], strides = [1]} : vector<16xf32> to vector<1xf32>
        %squeeze3A_94 = vector.extract %slice3A_93[0] : f32 from vector<1xf32>
        %mul3A_95 = vector.broadcast %squeeze3A_94 : f32 to vector<16xf32>
        %mul3A_96 = arith.mulf %mul3A_95, %get3A_87 : vector<16xf32>
        %add3A_97 = arith.addf %mul3A_92, %mul3A_96 : vector<16xf32>
        %slice3A_98 = vector.extract_strided_slice %get3A_51 {offsets = [2], sizes = [1], strides = [1]} : vector<16xf32> to vector<1xf32>
        %squeeze3A_99 = vector.extract %slice3A_98[0] : f32 from vector<1xf32>
        %mul3A_100 = vector.broadcast %squeeze3A_99 : f32 to vector<16xf32>
        %mul3A_101 = arith.mulf %mul3A_100, %get3A_90 : vector<16xf32>
        %add3A_102 = arith.addf %add3A_97, %mul3A_101 : vector<16xf32>
        %slice3A_103 = vector.extract_strided_slice %get3A_51 {offsets = [3], sizes = [1], strides = [1]} : vector<16xf32> to vector<1xf32>
        %squeeze3A_104 = vector.extract %slice3A_103[0] : f32 from vector<1xf32>
        %add3A_105 = vector.broadcast %squeeze3A_104 : f32 to vector<16xf32>
        %add3A_106 = arith.addf %add3A_102, %add3A_105 : vector<16xf32>
        %slice3A_107 = vector.extract_strided_slice %get3A_51 {offsets = [4], sizes = [1], strides = [1]} : vector<16xf32> to vector<1xf32>
        %squeeze3A_108 = vector.extract %slice3A_107[0] : f32 from vector<1xf32>
        %mul3A_109 = vector.broadcast %squeeze3A_108 : f32 to vector<16xf32>
        %mul3A_110 = arith.mulf %mul3A_109, %get3A_84 : vector<16xf32>
        %slice3A_111 = vector.extract_strided_slice %get3A_51 {offsets = [5], sizes = [1], strides = [1]} : vector<16xf32> to vector<1xf32>
        %squeeze3A_112 = vector.extract %slice3A_111[0] : f32 from vector<1xf32>
        %mul3A_113 = vector.broadcast %squeeze3A_112 : f32 to vector<16xf32>
        %mul3A_114 = arith.mulf %mul3A_113, %get3A_87 : vector<16xf32>
        %add3A_115 = arith.addf %mul3A_110, %mul3A_114 : vector<16xf32>
        %slice3A_116 = vector.extract_strided_slice %get3A_51 {offsets = [6], sizes = [1], strides = [1]} : vector<16xf32> to vector<1xf32>
        %squeeze3A_117 = vector.extract %slice3A_116[0] : f32 from vector<1xf32>
        %mul3A_118 = vector.broadcast %squeeze3A_117 : f32 to vector<16xf32>
        %mul3A_119 = arith.mulf %mul3A_118, %get3A_90 : vector<16xf32>
        %add3A_120 = arith.addf %add3A_115, %mul3A_119 : vector<16xf32>
        %slice3A_121 = vector.extract_strided_slice %get3A_51 {offsets = [7], sizes = [1], strides = [1]} : vector<16xf32> to vector<1xf32>
        %squeeze3A_122 = vector.extract %slice3A_121[0] : f32 from vector<1xf32>
        %add3A_123 = vector.broadcast %squeeze3A_122 : f32 to vector<16xf32>
        %add3A_124 = arith.addf %add3A_120, %add3A_123 : vector<16xf32>
        %slice3A_125 = vector.extract_strided_slice %get3A_51 {offsets = [8], sizes = [1], strides = [1]} : vector<16xf32> to vector<1xf32>
        %squeeze3A_126 = vector.extract %slice3A_125[0] : f32 from vector<1xf32>
        %mul3A_127 = vector.broadcast %squeeze3A_126 : f32 to vector<16xf32>
        %mul3A_128 = arith.mulf %mul3A_127, %get3A_84 : vector<16xf32>
        %slice3A_129 = vector.extract_strided_slice %get3A_51 {offsets = [9], sizes = [1], strides = [1]} : vector<16xf32> to vector<1xf32>
        %squeeze3A_130 = vector.extract %slice3A_129[0] : f32 from vector<1xf32>
        %mul3A_131 = vector.broadcast %squeeze3A_130 : f32 to vector<16xf32>
        %mul3A_132 = arith.mulf %mul3A_131, %get3A_87 : vector<16xf32>
        %add3A_133 = arith.addf %mul3A_128, %mul3A_132 : vector<16xf32>
        %slice3A_134 = vector.extract_strided_slice %get3A_51 {offsets = [10], sizes = [1], strides = [1]} : vector<16xf32> to vector<1xf32>
        %squeeze3A_135 = vector.extract %slice3A_134[0] : f32 from vector<1xf32>
        %mul3A_136 = vector.broadcast %squeeze3A_135 : f32 to vector<16xf32>
        %mul3A_137 = arith.mulf %mul3A_136, %get3A_90 : vector<16xf32>
        %add3A_138 = arith.addf %add3A_133, %mul3A_137 : vector<16xf32>
        %slice3A_139 = vector.extract_strided_slice %get3A_51 {offsets = [11], sizes = [1], strides = [1]} : vector<16xf32> to vector<1xf32>
        %squeeze3A_140 = vector.extract %slice3A_139[0] : f32 from vector<1xf32>
        %add3A_141 = vector.broadcast %squeeze3A_140 : f32 to vector<16xf32>
        %add3A_142 = arith.addf %add3A_138, %add3A_141 : vector<16xf32>
        %swap3A = arith.index_cast %mul3A_81 : i32 to index
        %swap3A_143 = tpu.vector_load %arg19[%swap3A] {strides = array<i32>} : memref<256xf32, #tpu.memory_space<vmem>>, vector<16xf32>,
        %swap3A_144 = vector.shape_cast %swap3A_143 : vector<16xf32> to vector<16xf32>
        %swap3A_145 = vector.shape_cast %add3A_106 : vector<16xf32> to vector<16xf32>
        tpu.vector_store %arg19[%swap3A], %swap3A_145 {strides = array<i32>} : memref<256xf32, #tpu.memory_space<vmem>>, vector<16xf32>,
        %swap3A_146 = arith.index_cast %mul3A_81 : i32 to index
        %swap3A_147 = tpu.vector_load %arg20[%swap3A_146] {strides = array<i32>} : memref<256xf32, #tpu.memory_space<vmem>>, vector<16xf32>,
        %swap3A_148 = vector.shape_cast %swap3A_147 : vector<16xf32> to vector<16xf32>
        %swap3A_149 = vector.shape_cast %add3A_124 : vector<16xf32> to vector<16xf32>
        tpu.vector_store %arg20[%swap3A_146], %swap3A_149 {strides = array<i32>} : memref<256xf32, #tpu.memory_space<vmem>>, vector<16xf32>,
        %swap3A_150 = arith.index_cast %mul3A_81 : i32 to index
        %swap3A_151 = tpu.vector_load %arg21[%swap3A_150] {strides = array<i32>} : memref<256xf32, #tpu.memory_space<vmem>>, vector<16xf32>,
        %swap3A_152 = vector.shape_cast %swap3A_151 : vector<16xf32> to vector<16xf32>
        %swap3A_153 = vector.shape_cast %add3A_142 : vector<16xf32> to vector<16xf32>
        tpu.vector_store %arg21[%swap3A_150], %swap3A_153 {strides = array<i32>} : memref<256xf32, #tpu.memory_space<vmem>>, vector<16xf32>,
        %mul3A_154 = arith.mulf %add3A_106, %add3A_106 : vector<16xf32>
        %mul3A_155 = arith.mulf %add3A_124, %add3A_124 : vector<16xf32>
        %add3A_156 = arith.addf %mul3A_154, %mul3A_155 : vector<16xf32>
        %mul3A_157 = arith.mulf %add3A_142, %add3A_142 : vector<16xf32>
        %add3A_158 = arith.addf %add3A_156, %mul3A_157 : vector<16xf32>
        %swap3A_159 = arith.index_cast %mul3A_81 : i32 to index
        %swap3A_160 = tpu.vector_load %arg22[%swap3A_159] {strides = array<i32>} : memref<256xf32, #tpu.memory_space<vmem>>, vector<16xf32>,
        %swap3A_161 = vector.shape_cast %swap3A_160 : vector<16xf32> to vector<16xf32>
        %swap3A_162 = vector.shape_cast %add3A_158 : vector<16xf32> to vector<16xf32>
        tpu.vector_store %arg22[%swap3A_159], %swap3A_162 {strides = array<i32>} : memref<256xf32, #tpu.memory_space<vmem>>, vector<16xf32>,
      }
      %scan3A_68 = arith.constant 16 : i32
      %broadcast_in_dim3A = arith.constant 3.000000e+38 : f32
      %broadcast_in_dim3A_69 = vector.broadcast %broadcast_in_dim3A : f32 to vector<16xf32>
      %iota3A = tpu.iota {dimensions = array<i32: 0>} : vector<16xi32>
      %scan3A_70 = arith.constant 0 : i32
      %scan3A_71 = arith.constant 0 : i32
      %scan3A_72 = arith.constant 16 : i32
      %scan3A_73 = arith.addi %scan3A_71, %scan3A_72 : i32
      %scan3A_74 = arith.constant 1 : i32
      scf.for %scan3A_79 = %scan3A_71 to %scan3A_73 step %scan3A_74  : i32 {
        %mul3A_80 = arith.constant 16 : i32
        %mul3A_81 = arith.muli %scan3A_79, %mul3A_80 : i32
        %get3A_82 = arith.index_cast %mul3A_81 : i32 to index
        %get3A_83 = tpu.vector_load %arg19[%get3A_82] {strides = array<i32>} : memref<256xf32, #tpu.memory_space<vmem>>, vector<16xf32>,
        %get3A_84 = vector.shape_cast %get3A_83 : vector<16xf32> to vector<16xf32>
        %get3A_85 = arith.index_cast %mul3A_81 : i32 to index
        %get3A_86 = tpu.vector_load %arg20[%get3A_85] {strides = array<i32>} : memref<256xf32, #tpu.memory_space<vmem>>, vector<16xf32>,
        %get3A_87 = vector.shape_cast %get3A_86 : vector<16xf32> to vector<16xf32>
        %get3A_88 = arith.index_cast %mul3A_81 : i32 to index
        %get3A_89 = tpu.vector_load %arg21[%get3A_88] {strides = array<i32>} : memref<256xf32, #tpu.memory_space<vmem>>, vector<16xf32>,
        %get3A_90 = vector.shape_cast %get3A_89 : vector<16xf32> to vector<16xf32>
        %get3A_91 = arith.index_cast %mul3A_81 : i32 to index
        %get3A_92 = tpu.vector_load %arg22[%get3A_91] {strides = array<i32>} : memref<256xf32, #tpu.memory_space<vmem>>, vector<16xf32>,
        %get3A_93 = vector.shape_cast %get3A_92 : vector<16xf32> to vector<16xf32>
        %broadcast_in_dim3A_94 = arith.constant 0.000000e+00 : f32
        %broadcast_in_dim3A_95 = vector.broadcast %broadcast_in_dim3A_94 : f32 to vector<16xf32>
        %slice3A = vector.extract_strided_slice %get3A_84 {offsets = [0], sizes = [1], strides = [1]} : vector<16xf32> to vector<1xf32>
        %squeeze3A = vector.extract %slice3A[0] : f32 from vector<1xf32>
        %slice3A_96 = vector.extract_strided_slice %get3A_84 {offsets = [1], sizes = [1], strides = [1]} : vector<16xf32> to vector<1xf32>
        %squeeze3A_97 = vector.extract %slice3A_96[0] : f32 from vector<1xf32>
        %slice3A_98 = vector.extract_strided_slice %get3A_84 {offsets = [2], sizes = [1], strides = [1]} : vector<16xf32> to vector<1xf32>
        %squeeze3A_99 = vector.extract %slice3A_98[0] : f32 from vector<1xf32>
        %slice3A_100 = vector.extract_strided_slice %get3A_84 {offsets = [3], sizes = [1], strides = [1]} : vector<16xf32> to vector<1xf32>
        %squeeze3A_101 = vector.extract %slice3A_100[0] : f32 from vector<1xf32>
        %slice3A_102 = vector.extract_strided_slice %get3A_84 {offsets = [4], sizes = [1], strides = [1]} : vector<16xf32> to vector<1xf32>
        %squeeze3A_103 = vector.extract %slice3A_102[0] : f32 from vector<1xf32>
        %slice3A_104 = vector.extract_strided_slice %get3A_84 {offsets = [5], sizes = [1], strides = [1]} : vector<16xf32> to vector<1xf32>
        %squeeze3A_105 = vector.extract %slice3A_104[0] : f32 from vector<1xf32>
        %slice3A_106 = vector.extract_strided_slice %get3A_84 {offsets = [6], sizes = [1], strides = [1]} : vector<16xf32> to vector<1xf32>
        %squeeze3A_107 = vector.extract %slice3A_106[0] : f32 from vector<1xf32>
        %slice3A_108 = vector.extract_strided_slice %get3A_84 {offsets = [7], sizes = [1], strides = [1]} : vector<16xf32> to vector<1xf32>
        %squeeze3A_109 = vector.extract %slice3A_108[0] : f32 from vector<1xf32>
        %slice3A_110 = vector.extract_strided_slice %get3A_87 {offsets = [0], sizes = [1], strides = [1]} : vector<16xf32> to vector<1xf32>
        %squeeze3A_111 = vector.extract %slice3A_110[0] : f32 from vector<1xf32>
        %slice3A_112 = vector.extract_strided_slice %get3A_87 {offsets = [1], sizes = [1], strides = [1]} : vector<16xf32> to vector<1xf32>
        %squeeze3A_113 = vector.extract %slice3A_112[0] : f32 from vector<1xf32>
        %slice3A_114 = vector.extract_strided_slice %get3A_87 {offsets = [2], sizes = [1], strides = [1]} : vector<16xf32> to vector<1xf32>
        %squeeze3A_115 = vector.extract %slice3A_114[0] : f32 from vector<1xf32>
        %slice3A_116 = vector.extract_strided_slice %get3A_87 {offsets = [3], sizes = [1], strides = [1]} : vector<16xf32> to vector<1xf32>
        %squeeze3A_117 = vector.extract %slice3A_116[0] : f32 from vector<1xf32>
        %slice3A_118 = vector.extract_strided_slice %get3A_87 {offsets = [4], sizes = [1], strides = [1]} : vector<16xf32> to vector<1xf32>
        %squeeze3A_119 = vector.extract %slice3A_118[0] : f32 from vector<1xf32>
        %slice3A_120 = vector.extract_strided_slice %get3A_87 {offsets = [5], sizes = [1], strides = [1]} : vector<16xf32> to vector<1xf32>
        %squeeze3A_121 = vector.extract %slice3A_120[0] : f32 from vector<1xf32>
        %slice3A_122 = vector.extract_strided_slice %get3A_87 {offsets = [6], sizes = [1], strides = [1]} : vector<16xf32> to vector<1xf32>
        %squeeze3A_123 = vector.extract %slice3A_122[0] : f32 from vector<1xf32>
        %slice3A_124 = vector.extract_strided_slice %get3A_87 {offsets = [7], sizes = [1], strides = [1]} : vector<16xf32> to vector<1xf32>
        %squeeze3A_125 = vector.extract %slice3A_124[0] : f32 from vector<1xf32>
        %slice3A_126 = vector.extract_strided_slice %get3A_90 {offsets = [0], sizes = [1], strides = [1]} : vector<16xf32> to vector<1xf32>
        %squeeze3A_127 = vector.extract %slice3A_126[0] : f32 from vector<1xf32>
        %slice3A_128 = vector.extract_strided_slice %get3A_90 {offsets = [1], sizes = [1], strides = [1]} : vector<16xf32> to vector<1xf32>
        %squeeze3A_129 = vector.extract %slice3A_128[0] : f32 from vector<1xf32>
        %slice3A_130 = vector.extract_strided_slice %get3A_90 {offsets = [2], sizes = [1], strides = [1]} : vector<16xf32> to vector<1xf32>
        %squeeze3A_131 = vector.extract %slice3A_130[0] : f32 from vector<1xf32>
        %slice3A_132 = vector.extract_strided_slice %get3A_90 {offsets = [3], sizes = [1], strides = [1]} : vector<16xf32> to vector<1xf32>
        %squeeze3A_133 = vector.extract %slice3A_132[0] : f32 from vector<1xf32>
        %slice3A_134 = vector.extract_strided_slice %get3A_90 {offsets = [4], sizes = [1], strides = [1]} : vector<16xf32> to vector<1xf32>
        %squeeze3A_135 = vector.extract %slice3A_134[0] : f32 from vector<1xf32>
        %slice3A_136 = vector.extract_strided_slice %get3A_90 {offsets = [5], sizes = [1], strides = [1]} : vector<16xf32> to vector<1xf32>
        %squeeze3A_137 = vector.extract %slice3A_136[0] : f32 from vector<1xf32>
        %slice3A_138 = vector.extract_strided_slice %get3A_90 {offsets = [6], sizes = [1], strides = [1]} : vector<16xf32> to vector<1xf32>
        %squeeze3A_139 = vector.extract %slice3A_138[0] : f32 from vector<1xf32>
        %slice3A_140 = vector.extract_strided_slice %get3A_90 {offsets = [7], sizes = [1], strides = [1]} : vector<16xf32> to vector<1xf32>
        %squeeze3A_141 = vector.extract %slice3A_140[0] : f32 from vector<1xf32>
        %scan3A_142 = arith.constant 0 : i32
        %scan3A_143 = arith.constant 34 : i32
        %scan3A_144 = arith.addi %scan3A_142, %scan3A_143 : i32
        %scan3A_145 = arith.constant 1 : i32
        %scan3A_146:8 = scf.for %scan3A_1223 = %scan3A_142 to %scan3A_144 step %scan3A_145 iter_args(%scan3A_1224 = %broadcast_in_dim3A_69, %scan3A_1225 = %broadcast_in_dim3A_69, %scan3A_1226 = %broadcast_in_dim3A_69, %scan3A_1227 = %broadcast_in_dim3A_69, %scan3A_1228 = %broadcast_in_dim3A_69, %scan3A_1229 = %broadcast_in_dim3A_69, %scan3A_1230 = %broadcast_in_dim3A_69, %scan3A_1231 = %broadcast_in_dim3A_69) -> (vector<16xf32>, vector<16xf32>, vector<16xf32>, vector<16xf32>, vector<16xf32>, vector<16xf32>, vector<16xf32>, vector<16xf32>)  : i32 {
          %mul3A_1232 = arith.constant 2 : i32
          %mul3A_1233 = arith.muli %scan3A_1223, %mul3A_1232 : i32
          %add3A_1234 = arith.constant 0 : i32
          %add3A_1235 = arith.addi %mul3A_1233, %add3A_1234 : i32
          %mul3A_1236 = arith.constant 16 : i32
          %mul3A_1237 = arith.muli %add3A_1235, %mul3A_1236 : i32
          %get3A_1238 = arith.index_cast %mul3A_1237 : i32 to index
          %get3A_1239 = tpu.vector_load %arg15[%get3A_1238] {strides = array<i32>} : memref<1088xf32, #tpu.memory_space<vmem>>, vector<16xf32>,
          %get3A_1240 = vector.shape_cast %get3A_1239 : vector<16xf32> to vector<16xf32>
          %get3A_1241 = arith.index_cast %mul3A_1237 : i32 to index
          %get3A_1242 = tpu.vector_load %arg16[%get3A_1241] {strides = array<i32>} : memref<1088xf32, #tpu.memory_space<vmem>>, vector<16xf32>,
          %get3A_1243 = vector.shape_cast %get3A_1242 : vector<16xf32> to vector<16xf32>
          %get3A_1244 = arith.index_cast %mul3A_1237 : i32 to index
          %get3A_1245 = tpu.vector_load %arg17[%get3A_1244] {strides = array<i32>} : memref<1088xf32, #tpu.memory_space<vmem>>, vector<16xf32>,
          %get3A_1246 = vector.shape_cast %get3A_1245 : vector<16xf32> to vector<16xf32>
          %get3A_1247 = arith.index_cast %mul3A_1237 : i32 to index
          %get3A_1248 = tpu.vector_load %arg18[%get3A_1247] {strides = array<i32>} : memref<1088xf32, #tpu.memory_space<vmem>>, vector<16xf32>,
          %get3A_1249 = vector.shape_cast %get3A_1248 : vector<16xf32> to vector<16xf32>
          %mul3A_1250 = vector.broadcast %squeeze3A : f32 to vector<16xf32>
          %mul3A_1251 = arith.mulf %mul3A_1250, %get3A_1240 : vector<16xf32>
          %add3A_1252 = arith.addf %get3A_1249, %mul3A_1251 : vector<16xf32>
          %mul3A_1253 = vector.broadcast %squeeze3A_111 : f32 to vector<16xf32>
          %mul3A_1254 = arith.mulf %mul3A_1253, %get3A_1243 : vector<16xf32>
          %mul3A_1255 = vector.broadcast %squeeze3A_127 : f32 to vector<16xf32>
          %mul3A_1256 = arith.mulf %mul3A_1255, %get3A_1246 : vector<16xf32>
          %add3A_1257 = arith.addf %mul3A_1254, %mul3A_1256 : vector<16xf32>
          %add3A_1258 = arith.addf %add3A_1252, %add3A_1257 : vector<16xf32>
          %min3A_1259 = arith.minimumf %scan3A_1224, %add3A_1258 : vector<16xf32>
          %mul3A_1260 = vector.broadcast %squeeze3A_97 : f32 to vector<16xf32>
          %mul3A_1261 = arith.mulf %mul3A_1260, %get3A_1240 : vector<16xf32>
          %add3A_1262 = arith.addf %get3A_1249, %mul3A_1261 : vector<16xf32>
          %mul3A_1263 = vector.broadcast %squeeze3A_113 : f32 to vector<16xf32>
          %mul3A_1264 = arith.mulf %mul3A_1263, %get3A_1243 : vector<16xf32>
          %mul3A_1265 = vector.broadcast %squeeze3A_129 : f32 to vector<16xf32>
          %mul3A_1266 = arith.mulf %mul3A_1265, %get3A_1246 : vector<16xf32>
          %add3A_1267 = arith.addf %mul3A_1264, %mul3A_1266 : vector<16xf32>
          %add3A_1268 = arith.addf %add3A_1262, %add3A_1267 : vector<16xf32>
          %min3A_1269 = arith.minimumf %scan3A_1225, %add3A_1268 : vector<16xf32>
          %mul3A_1270 = vector.broadcast %squeeze3A_99 : f32 to vector<16xf32>
          %mul3A_1271 = arith.mulf %mul3A_1270, %get3A_1240 : vector<16xf32>
          %add3A_1272 = arith.addf %get3A_1249, %mul3A_1271 : vector<16xf32>
          %mul3A_1273 = vector.broadcast %squeeze3A_115 : f32 to vector<16xf32>
          %mul3A_1274 = arith.mulf %mul3A_1273, %get3A_1243 : vector<16xf32>
          %mul3A_1275 = vector.broadcast %squeeze3A_131 : f32 to vector<16xf32>
          %mul3A_1276 = arith.mulf %mul3A_1275, %get3A_1246 : vector<16xf32>
          %add3A_1277 = arith.addf %mul3A_1274, %mul3A_1276 : vector<16xf32>
          %add3A_1278 = arith.addf %add3A_1272, %add3A_1277 : vector<16xf32>
          %min3A_1279 = arith.minimumf %scan3A_1226, %add3A_1278 : vector<16xf32>
          %mul3A_1280 = vector.broadcast %squeeze3A_101 : f32 to vector<16xf32>
          %mul3A_1281 = arith.mulf %mul3A_1280, %get3A_1240 : vector<16xf32>
          %add3A_1282 = arith.addf %get3A_1249, %mul3A_1281 : vector<16xf32>
          %mul3A_1283 = vector.broadcast %squeeze3A_117 : f32 to vector<16xf32>
          %mul3A_1284 = arith.mulf %mul3A_1283, %get3A_1243 : vector<16xf32>
          %mul3A_1285 = vector.broadcast %squeeze3A_133 : f32 to vector<16xf32>
          %mul3A_1286 = arith.mulf %mul3A_1285, %get3A_1246 : vector<16xf32>
          %add3A_1287 = arith.addf %mul3A_1284, %mul3A_1286 : vector<16xf32>
          %add3A_1288 = arith.addf %add3A_1282, %add3A_1287 : vector<16xf32>
          %min3A_1289 = arith.minimumf %scan3A_1227, %add3A_1288 : vector<16xf32>
          %mul3A_1290 = vector.broadcast %squeeze3A_103 : f32 to vector<16xf32>
          %mul3A_1291 = arith.mulf %mul3A_1290, %get3A_1240 : vector<16xf32>
          %add3A_1292 = arith.addf %get3A_1249, %mul3A_1291 : vector<16xf32>
          %mul3A_1293 = vector.broadcast %squeeze3A_119 : f32 to vector<16xf32>
          %mul3A_1294 = arith.mulf %mul3A_1293, %get3A_1243 : vector<16xf32>
          %mul3A_1295 = vector.broadcast %squeeze3A_135 : f32 to vector<16xf32>
          %mul3A_1296 = arith.mulf %mul3A_1295, %get3A_1246 : vector<16xf32>
          %add3A_1297 = arith.addf %mul3A_1294, %mul3A_1296 : vector<16xf32>
          %add3A_1298 = arith.addf %add3A_1292, %add3A_1297 : vector<16xf32>
          %min3A_1299 = arith.minimumf %scan3A_1228, %add3A_1298 : vector<16xf32>
          %mul3A_1300 = vector.broadcast %squeeze3A_105 : f32 to vector<16xf32>
          %mul3A_1301 = arith.mulf %mul3A_1300, %get3A_1240 : vector<16xf32>
          %add3A_1302 = arith.addf %get3A_1249, %mul3A_1301 : vector<16xf32>
          %mul3A_1303 = vector.broadcast %squeeze3A_121 : f32 to vector<16xf32>
          %mul3A_1304 = arith.mulf %mul3A_1303, %get3A_1243 : vector<16xf32>
          %mul3A_1305 = vector.broadcast %squeeze3A_137 : f32 to vector<16xf32>
          %mul3A_1306 = arith.mulf %mul3A_1305, %get3A_1246 : vector<16xf32>
          %add3A_1307 = arith.addf %mul3A_1304, %mul3A_1306 : vector<16xf32>
          %add3A_1308 = arith.addf %add3A_1302, %add3A_1307 : vector<16xf32>
          %min3A_1309 = arith.minimumf %scan3A_1229, %add3A_1308 : vector<16xf32>
          %mul3A_1310 = vector.broadcast %squeeze3A_107 : f32 to vector<16xf32>
          %mul3A_1311 = arith.mulf %mul3A_1310, %get3A_1240 : vector<16xf32>
          %add3A_1312 = arith.addf %get3A_1249, %mul3A_1311 : vector<16xf32>
          %mul3A_1313 = vector.broadcast %squeeze3A_123 : f32 to vector<16xf32>
          %mul3A_1314 = arith.mulf %mul3A_1313, %get3A_1243 : vector<16xf32>
          %mul3A_1315 = vector.broadcast %squeeze3A_139 : f32 to vector<16xf32>
          %mul3A_1316 = arith.mulf %mul3A_1315, %get3A_1246 : vector<16xf32>
          %add3A_1317 = arith.addf %mul3A_1314, %mul3A_1316 : vector<16xf32>
          %add3A_1318 = arith.addf %add3A_1312, %add3A_1317 : vector<16xf32>
          %min3A_1319 = arith.minimumf %scan3A_1230, %add3A_1318 : vector<16xf32>
          %mul3A_1320 = vector.broadcast %squeeze3A_109 : f32 to vector<16xf32>
          %mul3A_1321 = arith.mulf %mul3A_1320, %get3A_1240 : vector<16xf32>
          %add3A_1322 = arith.addf %get3A_1249, %mul3A_1321 : vector<16xf32>
          %mul3A_1323 = vector.broadcast %squeeze3A_125 : f32 to vector<16xf32>
          %mul3A_1324 = arith.mulf %mul3A_1323, %get3A_1243 : vector<16xf32>
          %mul3A_1325 = vector.broadcast %squeeze3A_141 : f32 to vector<16xf32>
          %mul3A_1326 = arith.mulf %mul3A_1325, %get3A_1246 : vector<16xf32>
          %add3A_1327 = arith.addf %mul3A_1324, %mul3A_1326 : vector<16xf32>
          %add3A_1328 = arith.addf %add3A_1322, %add3A_1327 : vector<16xf32>
          %min3A_1329 = arith.minimumf %scan3A_1231, %add3A_1328 : vector<16xf32>
          %mul3A_1330 = arith.constant 2 : i32
          %mul3A_1331 = arith.muli %scan3A_1223, %mul3A_1330 : i32
          %add3A_1332 = arith.constant 1 : i32
          %add3A_1333 = arith.addi %mul3A_1331, %add3A_1332 : i32
          %mul3A_1334 = arith.constant 16 : i32
          %mul3A_1335 = arith.muli %add3A_1333, %mul3A_1334 : i32
          %get3A_1336 = arith.index_cast %mul3A_1335 : i32 to index
          %get3A_1337 = tpu.vector_load %arg15[%get3A_1336] {strides = array<i32>} : memref<1088xf32, #tpu.memory_space<vmem>>, vector<16xf32>,
          %get3A_1338 = vector.shape_cast %get3A_1337 : vector<16xf32> to vector<16xf32>
          %get3A_1339 = arith.index_cast %mul3A_1335 : i32 to index
          %get3A_1340 = tpu.vector_load %arg16[%get3A_1339] {strides = array<i32>} : memref<1088xf32, #tpu.memory_space<vmem>>, vector<16xf32>,
          %get3A_1341 = vector.shape_cast %get3A_1340 : vector<16xf32> to vector<16xf32>
          %get3A_1342 = arith.index_cast %mul3A_1335 : i32 to index
          %get3A_1343 = tpu.vector_load %arg17[%get3A_1342] {strides = array<i32>} : memref<1088xf32, #tpu.memory_space<vmem>>, vector<16xf32>,
          %get3A_1344 = vector.shape_cast %get3A_1343 : vector<16xf32> to vector<16xf32>
          %get3A_1345 = arith.index_cast %mul3A_1335 : i32 to index
          %get3A_1346 = tpu.vector_load %arg18[%get3A_1345] {strides = array<i32>} : memref<1088xf32, #tpu.memory_space<vmem>>, vector<16xf32>,
          %get3A_1347 = vector.shape_cast %get3A_1346 : vector<16xf32> to vector<16xf32>
          %mul3A_1348 = vector.broadcast %squeeze3A : f32 to vector<16xf32>
          %mul3A_1349 = arith.mulf %mul3A_1348, %get3A_1338 : vector<16xf32>
          %add3A_1350 = arith.addf %get3A_1347, %mul3A_1349 : vector<16xf32>
          %mul3A_1351 = vector.broadcast %squeeze3A_111 : f32 to vector<16xf32>
          %mul3A_1352 = arith.mulf %mul3A_1351, %get3A_1341 : vector<16xf32>
          %mul3A_1353 = vector.broadcast %squeeze3A_127 : f32 to vector<16xf32>
          %mul3A_1354 = arith.mulf %mul3A_1353, %get3A_1344 : vector<16xf32>
          %add3A_1355 = arith.addf %mul3A_1352, %mul3A_1354 : vector<16xf32>
          %add3A_1356 = arith.addf %add3A_1350, %add3A_1355 : vector<16xf32>
          %min3A_1357 = arith.minimumf %min3A_1259, %add3A_1356 : vector<16xf32>
          %mul3A_1358 = vector.broadcast %squeeze3A_97 : f32 to vector<16xf32>
          %mul3A_1359 = arith.mulf %mul3A_1358, %get3A_1338 : vector<16xf32>
          %add3A_1360 = arith.addf %get3A_1347, %mul3A_1359 : vector<16xf32>
          %mul3A_1361 = vector.broadcast %squeeze3A_113 : f32 to vector<16xf32>
          %mul3A_1362 = arith.mulf %mul3A_1361, %get3A_1341 : vector<16xf32>
          %mul3A_1363 = vector.broadcast %squeeze3A_129 : f32 to vector<16xf32>
          %mul3A_1364 = arith.mulf %mul3A_1363, %get3A_1344 : vector<16xf32>
          %add3A_1365 = arith.addf %mul3A_1362, %mul3A_1364 : vector<16xf32>
          %add3A_1366 = arith.addf %add3A_1360, %add3A_1365 : vector<16xf32>
          %min3A_1367 = arith.minimumf %min3A_1269, %add3A_1366 : vector<16xf32>
          %mul3A_1368 = vector.broadcast %squeeze3A_99 : f32 to vector<16xf32>
          %mul3A_1369 = arith.mulf %mul3A_1368, %get3A_1338 : vector<16xf32>
          %add3A_1370 = arith.addf %get3A_1347, %mul3A_1369 : vector<16xf32>
          %mul3A_1371 = vector.broadcast %squeeze3A_115 : f32 to vector<16xf32>
          %mul3A_1372 = arith.mulf %mul3A_1371, %get3A_1341 : vector<16xf32>
          %mul3A_1373 = vector.broadcast %squeeze3A_131 : f32 to vector<16xf32>
          %mul3A_1374 = arith.mulf %mul3A_1373, %get3A_1344 : vector<16xf32>
          %add3A_1375 = arith.addf %mul3A_1372, %mul3A_1374 : vector<16xf32>
          %add3A_1376 = arith.addf %add3A_1370, %add3A_1375 : vector<16xf32>
          %min3A_1377 = arith.minimumf %min3A_1279, %add3A_1376 : vector<16xf32>
          %mul3A_1378 = vector.broadcast %squeeze3A_101 : f32 to vector<16xf32>
          %mul3A_1379 = arith.mulf %mul3A_1378, %get3A_1338 : vector<16xf32>
          %add3A_1380 = arith.addf %get3A_1347, %mul3A_1379 : vector<16xf32>
          %mul3A_1381 = vector.broadcast %squeeze3A_117 : f32 to vector<16xf32>
          %mul3A_1382 = arith.mulf %mul3A_1381, %get3A_1341 : vector<16xf32>
          %mul3A_1383 = vector.broadcast %squeeze3A_133 : f32 to vector<16xf32>
          %mul3A_1384 = arith.mulf %mul3A_1383, %get3A_1344 : vector<16xf32>
          %add3A_1385 = arith.addf %mul3A_1382, %mul3A_1384 : vector<16xf32>
          %add3A_1386 = arith.addf %add3A_1380, %add3A_1385 : vector<16xf32>
          %min3A_1387 = arith.minimumf %min3A_1289, %add3A_1386 : vector<16xf32>
          %mul3A_1388 = vector.broadcast %squeeze3A_103 : f32 to vector<16xf32>
          %mul3A_1389 = arith.mulf %mul3A_1388, %get3A_1338 : vector<16xf32>
          %add3A_1390 = arith.addf %get3A_1347, %mul3A_1389 : vector<16xf32>
          %mul3A_1391 = vector.broadcast %squeeze3A_119 : f32 to vector<16xf32>
          %mul3A_1392 = arith.mulf %mul3A_1391, %get3A_1341 : vector<16xf32>
          %mul3A_1393 = vector.broadcast %squeeze3A_135 : f32 to vector<16xf32>
          %mul3A_1394 = arith.mulf %mul3A_1393, %get3A_1344 : vector<16xf32>
          %add3A_1395 = arith.addf %mul3A_1392, %mul3A_1394 : vector<16xf32>
          %add3A_1396 = arith.addf %add3A_1390, %add3A_1395 : vector<16xf32>
          %min3A_1397 = arith.minimumf %min3A_1299, %add3A_1396 : vector<16xf32>
          %mul3A_1398 = vector.broadcast %squeeze3A_105 : f32 to vector<16xf32>
          %mul3A_1399 = arith.mulf %mul3A_1398, %get3A_1338 : vector<16xf32>
          %add3A_1400 = arith.addf %get3A_1347, %mul3A_1399 : vector<16xf32>
          %mul3A_1401 = vector.broadcast %squeeze3A_121 : f32 to vector<16xf32>
          %mul3A_1402 = arith.mulf %mul3A_1401, %get3A_1341 : vector<16xf32>
          %mul3A_1403 = vector.broadcast %squeeze3A_137 : f32 to vector<16xf32>
          %mul3A_1404 = arith.mulf %mul3A_1403, %get3A_1344 : vector<16xf32>
          %add3A_1405 = arith.addf %mul3A_1402, %mul3A_1404 : vector<16xf32>
          %add3A_1406 = arith.addf %add3A_1400, %add3A_1405 : vector<16xf32>
          %min3A_1407 = arith.minimumf %min3A_1309, %add3A_1406 : vector<16xf32>
          %mul3A_1408 = vector.broadcast %squeeze3A_107 : f32 to vector<16xf32>
          %mul3A_1409 = arith.mulf %mul3A_1408, %get3A_1338 : vector<16xf32>
          %add3A_1410 = arith.addf %get3A_1347, %mul3A_1409 : vector<16xf32>
          %mul3A_1411 = vector.broadcast %squeeze3A_123 : f32 to vector<16xf32>
          %mul3A_1412 = arith.mulf %mul3A_1411, %get3A_1341 : vector<16xf32>
          %mul3A_1413 = vector.broadcast %squeeze3A_139 : f32 to vector<16xf32>
          %mul3A_1414 = arith.mulf %mul3A_1413, %get3A_1344 : vector<16xf32>
          %add3A_1415 = arith.addf %mul3A_1412, %mul3A_1414 : vector<16xf32>
          %add3A_1416 = arith.addf %add3A_1410, %add3A_1415 : vector<16xf32>
          %min3A_1417 = arith.minimumf %min3A_1319, %add3A_1416 : vector<16xf32>
          %mul3A_1418 = vector.broadcast %squeeze3A_109 : f32 to vector<16xf32>
          %mul3A_1419 = arith.mulf %mul3A_1418, %get3A_1338 : vector<16xf32>
          %add3A_1420 = arith.addf %get3A_1347, %mul3A_1419 : vector<16xf32>
          %mul3A_1421 = vector.broadcast %squeeze3A_125 : f32 to vector<16xf32>
          %mul3A_1422 = arith.mulf %mul3A_1421, %get3A_1341 : vector<16xf32>
          %mul3A_1423 = vector.broadcast %squeeze3A_141 : f32 to vector<16xf32>
          %mul3A_1424 = arith.mulf %mul3A_1423, %get3A_1344 : vector<16xf32>
          %add3A_1425 = arith.addf %mul3A_1422, %mul3A_1424 : vector<16xf32>
          %add3A_1426 = arith.addf %add3A_1420, %add3A_1425 : vector<16xf32>
          %min3A_1427 = arith.minimumf %min3A_1329, %add3A_1426 : vector<16xf32>
          scf.yield %min3A_1357, %min3A_1367, %min3A_1377, %min3A_1387, %min3A_1397, %min3A_1407, %min3A_1417, %min3A_1427 : vector<16xf32>, vector<16xf32>, vector<16xf32>, vector<16xf32>, vector<16xf32>, vector<16xf32>, vector<16xf32>, vector<16xf32>
        }
        %scan3A_147 = arith.constant 34 : i32
        %xor3A = arith.constant 8 : i32
        %xor3A_148 = vector.broadcast %xor3A : i32 to vector<16xi32>
        %xor3A_149 = arith.xori %iota3A, %xor3A_148 : vector<16xi32>
        %lt3A = arith.constant 0 : i32
        %lt3A_150 = vector.broadcast %lt3A : i32 to vector<16xi32>
        %lt3A_151 = arith.cmpi slt, %xor3A_149, %lt3A_150 : vector<16xi32>
        %add3A_152 = arith.constant 16 : i32
        %add3A_153 = vector.broadcast %add3A_152 : i32 to vector<16xi32>
        %add3A_154 = arith.addi %xor3A_149, %add3A_153 : vector<16xi32>
        %select_n3A = arith.select %lt3A_151, %add3A_154, %xor3A_149 : vector<16xi1>, vector<16xi32>
        %broadcast_in_dim3A_155 = vector.shape_cast %select_n3A : vector<16xi32> to vector<16x1xi32>
        %gather3A = vector.shape_cast %broadcast_in_dim3A_155 : vector<16x1xi32> to vector<16xi32>
        %gather3A_156 = tpu.dynamic_gather %scan3A_146#0[%gather3A] in [0] : vector<16xf32>, vector<16xi32> -> vector<16xf32>
        %min3A = arith.minimumf %scan3A_146#0, %gather3A_156 : vector<16xf32>
        %xor3A_157 = arith.constant 4 : i32
        %xor3A_158 = vector.broadcast %xor3A_157 : i32 to vector<16xi32>
        %xor3A_159 = arith.xori %iota3A, %xor3A_158 : vector<16xi32>
        %lt3A_160 = arith.constant 0 : i32
        %lt3A_161 = vector.broadcast %lt3A_160 : i32 to vector<16xi32>
        %lt3A_162 = arith.cmpi slt, %xor3A_159, %lt3A_161 : vector<16xi32>
        %add3A_163 = arith.constant 16 : i32
        %add3A_164 = vector.broadcast %add3A_163 : i32 to vector<16xi32>
        %add3A_165 = arith.addi %xor3A_159, %add3A_164 : vector<16xi32>
        %select_n3A_166 = arith.select %lt3A_162, %add3A_165, %xor3A_159 : vector<16xi1>, vector<16xi32>
        %broadcast_in_dim3A_167 = vector.shape_cast %select_n3A_166 : vector<16xi32> to vector<16x1xi32>
        %gather3A_168 = vector.shape_cast %broadcast_in_dim3A_167 : vector<16x1xi32> to vector<16xi32>
        %gather3A_169 = tpu.dynamic_gather %min3A[%gather3A_168] in [0] : vector<16xf32>, vector<16xi32> -> vector<16xf32>
        %min3A_170 = arith.minimumf %min3A, %gather3A_169 : vector<16xf32>
        %xor3A_171 = arith.constant 2 : i32
        %xor3A_172 = vector.broadcast %xor3A_171 : i32 to vector<16xi32>
        %xor3A_173 = arith.xori %iota3A, %xor3A_172 : vector<16xi32>
        %lt3A_174 = arith.constant 0 : i32
        %lt3A_175 = vector.broadcast %lt3A_174 : i32 to vector<16xi32>
        %lt3A_176 = arith.cmpi slt, %xor3A_173, %lt3A_175 : vector<16xi32>
        %add3A_177 = arith.constant 16 : i32
        %add3A_178 = vector.broadcast %add3A_177 : i32 to vector<16xi32>
        %add3A_179 = arith.addi %xor3A_173, %add3A_178 : vector<16xi32>
        %select_n3A_180 = arith.select %lt3A_176, %add3A_179, %xor3A_173 : vector<16xi1>, vector<16xi32>
        %broadcast_in_dim3A_181 = vector.shape_cast %select_n3A_180 : vector<16xi32> to vector<16x1xi32>
        %gather3A_182 = vector.shape_cast %broadcast_in_dim3A_181 : vector<16x1xi32> to vector<16xi32>
        %gather3A_183 = tpu.dynamic_gather %min3A_170[%gather3A_182] in [0] : vector<16xf32>, vector<16xi32> -> vector<16xf32>
        %min3A_184 = arith.minimumf %min3A_170, %gather3A_183 : vector<16xf32>
        %xor3A_185 = arith.constant 1 : i32
        %xor3A_186 = vector.broadcast %xor3A_185 : i32 to vector<16xi32>
        %xor3A_187 = arith.xori %iota3A, %xor3A_186 : vector<16xi32>
        %lt3A_188 = arith.constant 0 : i32
        %lt3A_189 = vector.broadcast %lt3A_188 : i32 to vector<16xi32>
        %lt3A_190 = arith.cmpi slt, %xor3A_187, %lt3A_189 : vector<16xi32>
        %add3A_191 = arith.constant 16 : i32
        %add3A_192 = vector.broadcast %add3A_191 : i32 to vector<16xi32>
        %add3A_193 = arith.addi %xor3A_187, %add3A_192 : vector<16xi32>
        %select_n3A_194 = arith.select %lt3A_190, %add3A_193, %xor3A_187 : vector<16xi1>, vector<16xi32>
        %broadcast_in_dim3A_195 = vector.shape_cast %select_n3A_194 : vector<16xi32> to vector<16x1xi32>
        %gather3A_196 = vector.shape_cast %broadcast_in_dim3A_195 : vector<16x1xi32> to vector<16xi32>
        %gather3A_197 = tpu.dynamic_gather %min3A_184[%gather3A_196] in [0] : vector<16xf32>, vector<16xi32> -> vector<16xf32>
        %min3A_198 = arith.minimumf %min3A_184, %gather3A_197 : vector<16xf32>
        %eq3A = arith.constant 0 : i32
        %eq3A_199 = vector.broadcast %eq3A : i32 to vector<16xi32>
        %eq3A_200 = arith.cmpi eq, %iota3A, %eq3A_199 : vector<16xi32>
        %slice3A_201 = vector.extract_strided_slice %get3A_93 {offsets = [0], sizes = [1], strides = [1]} : vector<16xf32> to vector<1xf32>
        %squeeze3A_202 = vector.extract %slice3A_201[0] : f32 from vector<1xf32>
        %add3A_203 = vector.broadcast %squeeze3A_202 : f32 to vector<16xf32>
        %add3A_204 = arith.addf %min3A_198, %add3A_203 : vector<16xf32>
        %select_n3A_205 = arith.select %eq3A_200, %add3A_204, %broadcast_in_dim3A_95 : vector<16xi1>, vector<16xf32>
        %xor3A_206 = arith.constant 8 : i32
        %xor3A_207 = vector.broadcast %xor3A_206 : i32 to vector<16xi32>
        %xor3A_208 = arith.xori %iota3A, %xor3A_207 : vector<16xi32>
        %lt3A_209 = arith.constant 0 : i32
        %lt3A_210 = vector.broadcast %lt3A_209 : i32 to vector<16xi32>
        %lt3A_211 = arith.cmpi slt, %xor3A_208, %lt3A_210 : vector<16xi32>
        %add3A_212 = arith.constant 16 : i32
        %add3A_213 = vector.broadcast %add3A_212 : i32 to vector<16xi32>
        %add3A_214 = arith.addi %xor3A_208, %add3A_213 : vector<16xi32>
        %select_n3A_215 = arith.select %lt3A_211, %add3A_214, %xor3A_208 : vector<16xi1>, vector<16xi32>
        %broadcast_in_dim3A_216 = vector.shape_cast %select_n3A_215 : vector<16xi32> to vector<16x1xi32>
        %gather3A_217 = vector.shape_cast %broadcast_in_dim3A_216 : vector<16x1xi32> to vector<16xi32>
        %gather3A_218 = tpu.dynamic_gather %scan3A_146#1[%gather3A_217] in [0] : vector<16xf32>, vector<16xi32> -> vector<16xf32>
        %min3A_219 = arith.minimumf %scan3A_146#1, %gather3A_218 : vector<16xf32>
        %xor3A_220 = arith.constant 4 : i32
        %xor3A_221 = vector.broadcast %xor3A_220 : i32 to vector<16xi32>
        %xor3A_222 = arith.xori %iota3A, %xor3A_221 : vector<16xi32>
        %lt3A_223 = arith.constant 0 : i32
        %lt3A_224 = vector.broadcast %lt3A_223 : i32 to vector<16xi32>
        %lt3A_225 = arith.cmpi slt, %xor3A_222, %lt3A_224 : vector<16xi32>
        %add3A_226 = arith.constant 16 : i32
        %add3A_227 = vector.broadcast %add3A_226 : i32 to vector<16xi32>
        %add3A_228 = arith.addi %xor3A_222, %add3A_227 : vector<16xi32>
        %select_n3A_229 = arith.select %lt3A_225, %add3A_228, %xor3A_222 : vector<16xi1>, vector<16xi32>
        %broadcast_in_dim3A_230 = vector.shape_cast %select_n3A_229 : vector<16xi32> to vector<16x1xi32>
        %gather3A_231 = vector.shape_cast %broadcast_in_dim3A_230 : vector<16x1xi32> to vector<16xi32>
        %gather3A_232 = tpu.dynamic_gather %min3A_219[%gather3A_231] in [0] : vector<16xf32>, vector<16xi32> -> vector<16xf32>
        %min3A_233 = arith.minimumf %min3A_219, %gather3A_232 : vector<16xf32>
        %xor3A_234 = arith.constant 2 : i32
        %xor3A_235 = vector.broadcast %xor3A_234 : i32 to vector<16xi32>
        %xor3A_236 = arith.xori %iota3A, %xor3A_235 : vector<16xi32>
        %lt3A_237 = arith.constant 0 : i32
        %lt3A_238 = vector.broadcast %lt3A_237 : i32 to vector<16xi32>
        %lt3A_239 = arith.cmpi slt, %xor3A_236, %lt3A_238 : vector<16xi32>
        %add3A_240 = arith.constant 16 : i32
        %add3A_241 = vector.broadcast %add3A_240 : i32 to vector<16xi32>
        %add3A_242 = arith.addi %xor3A_236, %add3A_241 : vector<16xi32>
        %select_n3A_243 = arith.select %lt3A_239, %add3A_242, %xor3A_236 : vector<16xi1>, vector<16xi32>
        %broadcast_in_dim3A_244 = vector.shape_cast %select_n3A_243 : vector<16xi32> to vector<16x1xi32>
        %gather3A_245 = vector.shape_cast %broadcast_in_dim3A_244 : vector<16x1xi32> to vector<16xi32>
        %gather3A_246 = tpu.dynamic_gather %min3A_233[%gather3A_245] in [0] : vector<16xf32>, vector<16xi32> -> vector<16xf32>
        %min3A_247 = arith.minimumf %min3A_233, %gather3A_246 : vector<16xf32>
        %xor3A_248 = arith.constant 1 : i32
        %xor3A_249 = vector.broadcast %xor3A_248 : i32 to vector<16xi32>
        %xor3A_250 = arith.xori %iota3A, %xor3A_249 : vector<16xi32>
        %lt3A_251 = arith.constant 0 : i32
        %lt3A_252 = vector.broadcast %lt3A_251 : i32 to vector<16xi32>
        %lt3A_253 = arith.cmpi slt, %xor3A_250, %lt3A_252 : vector<16xi32>
        %add3A_254 = arith.constant 16 : i32
        %add3A_255 = vector.broadcast %add3A_254 : i32 to vector<16xi32>
        %add3A_256 = arith.addi %xor3A_250, %add3A_255 : vector<16xi32>
        %select_n3A_257 = arith.select %lt3A_253, %add3A_256, %xor3A_250 : vector<16xi1>, vector<16xi32>
        %broadcast_in_dim3A_258 = vector.shape_cast %select_n3A_257 : vector<16xi32> to vector<16x1xi32>
        %gather3A_259 = vector.shape_cast %broadcast_in_dim3A_258 : vector<16x1xi32> to vector<16xi32>
        %gather3A_260 = tpu.dynamic_gather %min3A_247[%gather3A_259] in [0] : vector<16xf32>, vector<16xi32> -> vector<16xf32>
        %min3A_261 = arith.minimumf %min3A_247, %gather3A_260 : vector<16xf32>
        %eq3A_262 = arith.constant 1 : i32
        %eq3A_263 = vector.broadcast %eq3A_262 : i32 to vector<16xi32>
        %eq3A_264 = arith.cmpi eq, %iota3A, %eq3A_263 : vector<16xi32>
        %slice3A_265 = vector.extract_strided_slice %get3A_93 {offsets = [1], sizes = [1], strides = [1]} : vector<16xf32> to vector<1xf32>
        %squeeze3A_266 = vector.extract %slice3A_265[0] : f32 from vector<1xf32>
        %add3A_267 = vector.broadcast %squeeze3A_266 : f32 to vector<16xf32>
        %add3A_268 = arith.addf %min3A_261, %add3A_267 : vector<16xf32>
        %select_n3A_269 = arith.select %eq3A_264, %add3A_268, %select_n3A_205 : vector<16xi1>, vector<16xf32>
        %xor3A_270 = arith.constant 8 : i32
        %xor3A_271 = vector.broadcast %xor3A_270 : i32 to vector<16xi32>
        %xor3A_272 = arith.xori %iota3A, %xor3A_271 : vector<16xi32>
        %lt3A_273 = arith.constant 0 : i32
        %lt3A_274 = vector.broadcast %lt3A_273 : i32 to vector<16xi32>
        %lt3A_275 = arith.cmpi slt, %xor3A_272, %lt3A_274 : vector<16xi32>
        %add3A_276 = arith.constant 16 : i32
        %add3A_277 = vector.broadcast %add3A_276 : i32 to vector<16xi32>
        %add3A_278 = arith.addi %xor3A_272, %add3A_277 : vector<16xi32>
        %select_n3A_279 = arith.select %lt3A_275, %add3A_278, %xor3A_272 : vector<16xi1>, vector<16xi32>
        %broadcast_in_dim3A_280 = vector.shape_cast %select_n3A_279 : vector<16xi32> to vector<16x1xi32>
        %gather3A_281 = vector.shape_cast %broadcast_in_dim3A_280 : vector<16x1xi32> to vector<16xi32>
        %gather3A_282 = tpu.dynamic_gather %scan3A_146#2[%gather3A_281] in [0] : vector<16xf32>, vector<16xi32> -> vector<16xf32>
        %min3A_283 = arith.minimumf %scan3A_146#2, %gather3A_282 : vector<16xf32>
        %xor3A_284 = arith.constant 4 : i32
        %xor3A_285 = vector.broadcast %xor3A_284 : i32 to vector<16xi32>
        %xor3A_286 = arith.xori %iota3A, %xor3A_285 : vector<16xi32>
        %lt3A_287 = arith.constant 0 : i32
        %lt3A_288 = vector.broadcast %lt3A_287 : i32 to vector<16xi32>
        %lt3A_289 = arith.cmpi slt, %xor3A_286, %lt3A_288 : vector<16xi32>
        %add3A_290 = arith.constant 16 : i32
        %add3A_291 = vector.broadcast %add3A_290 : i32 to vector<16xi32>
        %add3A_292 = arith.addi %xor3A_286, %add3A_291 : vector<16xi32>
        %select_n3A_293 = arith.select %lt3A_289, %add3A_292, %xor3A_286 : vector<16xi1>, vector<16xi32>
        %broadcast_in_dim3A_294 = vector.shape_cast %select_n3A_293 : vector<16xi32> to vector<16x1xi32>
        %gather3A_295 = vector.shape_cast %broadcast_in_dim3A_294 : vector<16x1xi32> to vector<16xi32>
        %gather3A_296 = tpu.dynamic_gather %min3A_283[%gather3A_295] in [0] : vector<16xf32>, vector<16xi32> -> vector<16xf32>
        %min3A_297 = arith.minimumf %min3A_283, %gather3A_296 : vector<16xf32>
        %xor3A_298 = arith.constant 2 : i32
        %xor3A_299 = vector.broadcast %xor3A_298 : i32 to vector<16xi32>
        %xor3A_300 = arith.xori %iota3A, %xor3A_299 : vector<16xi32>
        %lt3A_301 = arith.constant 0 : i32
        %lt3A_302 = vector.broadcast %lt3A_301 : i32 to vector<16xi32>
        %lt3A_303 = arith.cmpi slt, %xor3A_300, %lt3A_302 : vector<16xi32>
        %add3A_304 = arith.constant 16 : i32
        %add3A_305 = vector.broadcast %add3A_304 : i32 to vector<16xi32>
        %add3A_306 = arith.addi %xor3A_300, %add3A_305 : vector<16xi32>
        %select_n3A_307 = arith.select %lt3A_303, %add3A_306, %xor3A_300 : vector<16xi1>, vector<16xi32>
        %broadcast_in_dim3A_308 = vector.shape_cast %select_n3A_307 : vector<16xi32> to vector<16x1xi32>
        %gather3A_309 = vector.shape_cast %broadcast_in_dim3A_308 : vector<16x1xi32> to vector<16xi32>
        %gather3A_310 = tpu.dynamic_gather %min3A_297[%gather3A_309] in [0] : vector<16xf32>, vector<16xi32> -> vector<16xf32>
        %min3A_311 = arith.minimumf %min3A_297, %gather3A_310 : vector<16xf32>
        %xor3A_312 = arith.constant 1 : i32
        %xor3A_313 = vector.broadcast %xor3A_312 : i32 to vector<16xi32>
        %xor3A_314 = arith.xori %iota3A, %xor3A_313 : vector<16xi32>
        %lt3A_315 = arith.constant 0 : i32
        %lt3A_316 = vector.broadcast %lt3A_315 : i32 to vector<16xi32>
        %lt3A_317 = arith.cmpi slt, %xor3A_314, %lt3A_316 : vector<16xi32>
        %add3A_318 = arith.constant 16 : i32
        %add3A_319 = vector.broadcast %add3A_318 : i32 to vector<16xi32>
        %add3A_320 = arith.addi %xor3A_314, %add3A_319 : vector<16xi32>
        %select_n3A_321 = arith.select %lt3A_317, %add3A_320, %xor3A_314 : vector<16xi1>, vector<16xi32>
        %broadcast_in_dim3A_322 = vector.shape_cast %select_n3A_321 : vector<16xi32> to vector<16x1xi32>
        %gather3A_323 = vector.shape_cast %broadcast_in_dim3A_322 : vector<16x1xi32> to vector<16xi32>
        %gather3A_324 = tpu.dynamic_gather %min3A_311[%gather3A_323] in [0] : vector<16xf32>, vector<16xi32> -> vector<16xf32>
        %min3A_325 = arith.minimumf %min3A_311, %gather3A_324 : vector<16xf32>
        %eq3A_326 = arith.constant 2 : i32
        %eq3A_327 = vector.broadcast %eq3A_326 : i32 to vector<16xi32>
        %eq3A_328 = arith.cmpi eq, %iota3A, %eq3A_327 : vector<16xi32>
        %slice3A_329 = vector.extract_strided_slice %get3A_93 {offsets = [2], sizes = [1], strides = [1]} : vector<16xf32> to vector<1xf32>
        %squeeze3A_330 = vector.extract %slice3A_329[0] : f32 from vector<1xf32>
        %add3A_331 = vector.broadcast %squeeze3A_330 : f32 to vector<16xf32>
        %add3A_332 = arith.addf %min3A_325, %add3A_331 : vector<16xf32>
        %select_n3A_333 = arith.select %eq3A_328, %add3A_332, %select_n3A_269 : vector<16xi1>, vector<16xf32>
        %xor3A_334 = arith.constant 8 : i32
        %xor3A_335 = vector.broadcast %xor3A_334 : i32 to vector<16xi32>
        %xor3A_336 = arith.xori %iota3A, %xor3A_335 : vector<16xi32>
        %lt3A_337 = arith.constant 0 : i32
        %lt3A_338 = vector.broadcast %lt3A_337 : i32 to vector<16xi32>
        %lt3A_339 = arith.cmpi slt, %xor3A_336, %lt3A_338 : vector<16xi32>
        %add3A_340 = arith.constant 16 : i32
        %add3A_341 = vector.broadcast %add3A_340 : i32 to vector<16xi32>
        %add3A_342 = arith.addi %xor3A_336, %add3A_341 : vector<16xi32>
        %select_n3A_343 = arith.select %lt3A_339, %add3A_342, %xor3A_336 : vector<16xi1>, vector<16xi32>
        %broadcast_in_dim3A_344 = vector.shape_cast %select_n3A_343 : vector<16xi32> to vector<16x1xi32>
        %gather3A_345 = vector.shape_cast %broadcast_in_dim3A_344 : vector<16x1xi32> to vector<16xi32>
        %gather3A_346 = tpu.dynamic_gather %scan3A_146#3[%gather3A_345] in [0] : vector<16xf32>, vector<16xi32> -> vector<16xf32>
        %min3A_347 = arith.minimumf %scan3A_146#3, %gather3A_346 : vector<16xf32>
        %xor3A_348 = arith.constant 4 : i32
        %xor3A_349 = vector.broadcast %xor3A_348 : i32 to vector<16xi32>
        %xor3A_350 = arith.xori %iota3A, %xor3A_349 : vector<16xi32>
        %lt3A_351 = arith.constant 0 : i32
        %lt3A_352 = vector.broadcast %lt3A_351 : i32 to vector<16xi32>
        %lt3A_353 = arith.cmpi slt, %xor3A_350, %lt3A_352 : vector<16xi32>
        %add3A_354 = arith.constant 16 : i32
        %add3A_355 = vector.broadcast %add3A_354 : i32 to vector<16xi32>
        %add3A_356 = arith.addi %xor3A_350, %add3A_355 : vector<16xi32>
        %select_n3A_357 = arith.select %lt3A_353, %add3A_356, %xor3A_350 : vector<16xi1>, vector<16xi32>
        %broadcast_in_dim3A_358 = vector.shape_cast %select_n3A_357 : vector<16xi32> to vector<16x1xi32>
        %gather3A_359 = vector.shape_cast %broadcast_in_dim3A_358 : vector<16x1xi32> to vector<16xi32>
        %gather3A_360 = tpu.dynamic_gather %min3A_347[%gather3A_359] in [0] : vector<16xf32>, vector<16xi32> -> vector<16xf32>
        %min3A_361 = arith.minimumf %min3A_347, %gather3A_360 : vector<16xf32>
        %xor3A_362 = arith.constant 2 : i32
        %xor3A_363 = vector.broadcast %xor3A_362 : i32 to vector<16xi32>
        %xor3A_364 = arith.xori %iota3A, %xor3A_363 : vector<16xi32>
        %lt3A_365 = arith.constant 0 : i32
        %lt3A_366 = vector.broadcast %lt3A_365 : i32 to vector<16xi32>
        %lt3A_367 = arith.cmpi slt, %xor3A_364, %lt3A_366 : vector<16xi32>
        %add3A_368 = arith.constant 16 : i32
        %add3A_369 = vector.broadcast %add3A_368 : i32 to vector<16xi32>
        %add3A_370 = arith.addi %xor3A_364, %add3A_369 : vector<16xi32>
        %select_n3A_371 = arith.select %lt3A_367, %add3A_370, %xor3A_364 : vector<16xi1>, vector<16xi32>
        %broadcast_in_dim3A_372 = vector.shape_cast %select_n3A_371 : vector<16xi32> to vector<16x1xi32>
        %gather3A_373 = vector.shape_cast %broadcast_in_dim3A_372 : vector<16x1xi32> to vector<16xi32>
        %gather3A_374 = tpu.dynamic_gather %min3A_361[%gather3A_373] in [0] : vector<16xf32>, vector<16xi32> -> vector<16xf32>
        %min3A_375 = arith.minimumf %min3A_361, %gather3A_374 : vector<16xf32>
        %xor3A_376 = arith.constant 1 : i32
        %xor3A_377 = vector.broadcast %xor3A_376 : i32 to vector<16xi32>
        %xor3A_378 = arith.xori %iota3A, %xor3A_377 : vector<16xi32>
        %lt3A_379 = arith.constant 0 : i32
        %lt3A_380 = vector.broadcast %lt3A_379 : i32 to vector<16xi32>
        %lt3A_381 = arith.cmpi slt, %xor3A_378, %lt3A_380 : vector<16xi32>
        %add3A_382 = arith.constant 16 : i32
        %add3A_383 = vector.broadcast %add3A_382 : i32 to vector<16xi32>
        %add3A_384 = arith.addi %xor3A_378, %add3A_383 : vector<16xi32>
        %select_n3A_385 = arith.select %lt3A_381, %add3A_384, %xor3A_378 : vector<16xi1>, vector<16xi32>
        %broadcast_in_dim3A_386 = vector.shape_cast %select_n3A_385 : vector<16xi32> to vector<16x1xi32>
        %gather3A_387 = vector.shape_cast %broadcast_in_dim3A_386 : vector<16x1xi32> to vector<16xi32>
        %gather3A_388 = tpu.dynamic_gather %min3A_375[%gather3A_387] in [0] : vector<16xf32>, vector<16xi32> -> vector<16xf32>
        %min3A_389 = arith.minimumf %min3A_375, %gather3A_388 : vector<16xf32>
        %eq3A_390 = arith.constant 3 : i32
        %eq3A_391 = vector.broadcast %eq3A_390 : i32 to vector<16xi32>
        %eq3A_392 = arith.cmpi eq, %iota3A, %eq3A_391 : vector<16xi32>
        %slice3A_393 = vector.extract_strided_slice %get3A_93 {offsets = [3], sizes = [1], strides = [1]} : vector<16xf32> to vector<1xf32>
        %squeeze3A_394 = vector.extract %slice3A_393[0] : f32 from vector<1xf32>
        %add3A_395 = vector.broadcast %squeeze3A_394 : f32 to vector<16xf32>
        %add3A_396 = arith.addf %min3A_389, %add3A_395 : vector<16xf32>
        %select_n3A_397 = arith.select %eq3A_392, %add3A_396, %select_n3A_333 : vector<16xi1>, vector<16xf32>
        %xor3A_398 = arith.constant 8 : i32
        %xor3A_399 = vector.broadcast %xor3A_398 : i32 to vector<16xi32>
        %xor3A_400 = arith.xori %iota3A, %xor3A_399 : vector<16xi32>
        %lt3A_401 = arith.constant 0 : i32
        %lt3A_402 = vector.broadcast %lt3A_401 : i32 to vector<16xi32>
        %lt3A_403 = arith.cmpi slt, %xor3A_400, %lt3A_402 : vector<16xi32>
        %add3A_404 = arith.constant 16 : i32
        %add3A_405 = vector.broadcast %add3A_404 : i32 to vector<16xi32>
        %add3A_406 = arith.addi %xor3A_400, %add3A_405 : vector<16xi32>
        %select_n3A_407 = arith.select %lt3A_403, %add3A_406, %xor3A_400 : vector<16xi1>, vector<16xi32>
        %broadcast_in_dim3A_408 = vector.shape_cast %select_n3A_407 : vector<16xi32> to vector<16x1xi32>
        %gather3A_409 = vector.shape_cast %broadcast_in_dim3A_408 : vector<16x1xi32> to vector<16xi32>
        %gather3A_410 = tpu.dynamic_gather %scan3A_146#4[%gather3A_409] in [0] : vector<16xf32>, vector<16xi32> -> vector<16xf32>
        %min3A_411 = arith.minimumf %scan3A_146#4, %gather3A_410 : vector<16xf32>
        %xor3A_412 = arith.constant 4 : i32
        %xor3A_413 = vector.broadcast %xor3A_412 : i32 to vector<16xi32>
        %xor3A_414 = arith.xori %iota3A, %xor3A_413 : vector<16xi32>
        %lt3A_415 = arith.constant 0 : i32
        %lt3A_416 = vector.broadcast %lt3A_415 : i32 to vector<16xi32>
        %lt3A_417 = arith.cmpi slt, %xor3A_414, %lt3A_416 : vector<16xi32>
        %add3A_418 = arith.constant 16 : i32
        %add3A_419 = vector.broadcast %add3A_418 : i32 to vector<16xi32>
        %add3A_420 = arith.addi %xor3A_414, %add3A_419 : vector<16xi32>
        %select_n3A_421 = arith.select %lt3A_417, %add3A_420, %xor3A_414 : vector<16xi1>, vector<16xi32>
        %broadcast_in_dim3A_422 = vector.shape_cast %select_n3A_421 : vector<16xi32> to vector<16x1xi32>
        %gather3A_423 = vector.shape_cast %broadcast_in_dim3A_422 : vector<16x1xi32> to vector<16xi32>
        %gather3A_424 = tpu.dynamic_gather %min3A_411[%gather3A_423] in [0] : vector<16xf32>, vector<16xi32> -> vector<16xf32>
        %min3A_425 = arith.minimumf %min3A_411, %gather3A_424 : vector<16xf32>
        %xor3A_426 = arith.constant 2 : i32
        %xor3A_427 = vector.broadcast %xor3A_426 : i32 to vector<16xi32>
        %xor3A_428 = arith.xori %iota3A, %xor3A_427 : vector<16xi32>
        %lt3A_429 = arith.constant 0 : i32
        %lt3A_430 = vector.broadcast %lt3A_429 : i32 to vector<16xi32>
        %lt3A_431 = arith.cmpi slt, %xor3A_428, %lt3A_430 : vector<16xi32>
        %add3A_432 = arith.constant 16 : i32
        %add3A_433 = vector.broadcast %add3A_432 : i32 to vector<16xi32>
        %add3A_434 = arith.addi %xor3A_428, %add3A_433 : vector<16xi32>
        %select_n3A_435 = arith.select %lt3A_431, %add3A_434, %xor3A_428 : vector<16xi1>, vector<16xi32>
        %broadcast_in_dim3A_436 = vector.shape_cast %select_n3A_435 : vector<16xi32> to vector<16x1xi32>
        %gather3A_437 = vector.shape_cast %broadcast_in_dim3A_436 : vector<16x1xi32> to vector<16xi32>
        %gather3A_438 = tpu.dynamic_gather %min3A_425[%gather3A_437] in [0] : vector<16xf32>, vector<16xi32> -> vector<16xf32>
        %min3A_439 = arith.minimumf %min3A_425, %gather3A_438 : vector<16xf32>
        %xor3A_440 = arith.constant 1 : i32
        %xor3A_441 = vector.broadcast %xor3A_440 : i32 to vector<16xi32>
        %xor3A_442 = arith.xori %iota3A, %xor3A_441 : vector<16xi32>
        %lt3A_443 = arith.constant 0 : i32
        %lt3A_444 = vector.broadcast %lt3A_443 : i32 to vector<16xi32>
        %lt3A_445 = arith.cmpi slt, %xor3A_442, %lt3A_444 : vector<16xi32>
        %add3A_446 = arith.constant 16 : i32
        %add3A_447 = vector.broadcast %add3A_446 : i32 to vector<16xi32>
        %add3A_448 = arith.addi %xor3A_442, %add3A_447 : vector<16xi32>
        %select_n3A_449 = arith.select %lt3A_445, %add3A_448, %xor3A_442 : vector<16xi1>, vector<16xi32>
        %broadcast_in_dim3A_450 = vector.shape_cast %select_n3A_449 : vector<16xi32> to vector<16x1xi32>
        %gather3A_451 = vector.shape_cast %broadcast_in_dim3A_450 : vector<16x1xi32> to vector<16xi32>
        %gather3A_452 = tpu.dynamic_gather %min3A_439[%gather3A_451] in [0] : vector<16xf32>, vector<16xi32> -> vector<16xf32>
        %min3A_453 = arith.minimumf %min3A_439, %gather3A_452 : vector<16xf32>
        %eq3A_454 = arith.constant 4 : i32
        %eq3A_455 = vector.broadcast %eq3A_454 : i32 to vector<16xi32>
        %eq3A_456 = arith.cmpi eq, %iota3A, %eq3A_455 : vector<16xi32>
        %slice3A_457 = vector.extract_strided_slice %get3A_93 {offsets = [4], sizes = [1], strides = [1]} : vector<16xf32> to vector<1xf32>
        %squeeze3A_458 = vector.extract %slice3A_457[0] : f32 from vector<1xf32>
        %add3A_459 = vector.broadcast %squeeze3A_458 : f32 to vector<16xf32>
        %add3A_460 = arith.addf %min3A_453, %add3A_459 : vector<16xf32>
        %select_n3A_461 = arith.select %eq3A_456, %add3A_460, %select_n3A_397 : vector<16xi1>, vector<16xf32>
        %xor3A_462 = arith.constant 8 : i32
        %xor3A_463 = vector.broadcast %xor3A_462 : i32 to vector<16xi32>
        %xor3A_464 = arith.xori %iota3A, %xor3A_463 : vector<16xi32>
        %lt3A_465 = arith.constant 0 : i32
        %lt3A_466 = vector.broadcast %lt3A_465 : i32 to vector<16xi32>
        %lt3A_467 = arith.cmpi slt, %xor3A_464, %lt3A_466 : vector<16xi32>
        %add3A_468 = arith.constant 16 : i32
        %add3A_469 = vector.broadcast %add3A_468 : i32 to vector<16xi32>
        %add3A_470 = arith.addi %xor3A_464, %add3A_469 : vector<16xi32>
        %select_n3A_471 = arith.select %lt3A_467, %add3A_470, %xor3A_464 : vector<16xi1>, vector<16xi32>
        %broadcast_in_dim3A_472 = vector.shape_cast %select_n3A_471 : vector<16xi32> to vector<16x1xi32>
        %gather3A_473 = vector.shape_cast %broadcast_in_dim3A_472 : vector<16x1xi32> to vector<16xi32>
        %gather3A_474 = tpu.dynamic_gather %scan3A_146#5[%gather3A_473] in [0] : vector<16xf32>, vector<16xi32> -> vector<16xf32>
        %min3A_475 = arith.minimumf %scan3A_146#5, %gather3A_474 : vector<16xf32>
        %xor3A_476 = arith.constant 4 : i32
        %xor3A_477 = vector.broadcast %xor3A_476 : i32 to vector<16xi32>
        %xor3A_478 = arith.xori %iota3A, %xor3A_477 : vector<16xi32>
        %lt3A_479 = arith.constant 0 : i32
        %lt3A_480 = vector.broadcast %lt3A_479 : i32 to vector<16xi32>
        %lt3A_481 = arith.cmpi slt, %xor3A_478, %lt3A_480 : vector<16xi32>
        %add3A_482 = arith.constant 16 : i32
        %add3A_483 = vector.broadcast %add3A_482 : i32 to vector<16xi32>
        %add3A_484 = arith.addi %xor3A_478, %add3A_483 : vector<16xi32>
        %select_n3A_485 = arith.select %lt3A_481, %add3A_484, %xor3A_478 : vector<16xi1>, vector<16xi32>
        %broadcast_in_dim3A_486 = vector.shape_cast %select_n3A_485 : vector<16xi32> to vector<16x1xi32>
        %gather3A_487 = vector.shape_cast %broadcast_in_dim3A_486 : vector<16x1xi32> to vector<16xi32>
        %gather3A_488 = tpu.dynamic_gather %min3A_475[%gather3A_487] in [0] : vector<16xf32>, vector<16xi32> -> vector<16xf32>
        %min3A_489 = arith.minimumf %min3A_475, %gather3A_488 : vector<16xf32>
        %xor3A_490 = arith.constant 2 : i32
        %xor3A_491 = vector.broadcast %xor3A_490 : i32 to vector<16xi32>
        %xor3A_492 = arith.xori %iota3A, %xor3A_491 : vector<16xi32>
        %lt3A_493 = arith.constant 0 : i32
        %lt3A_494 = vector.broadcast %lt3A_493 : i32 to vector<16xi32>
        %lt3A_495 = arith.cmpi slt, %xor3A_492, %lt3A_494 : vector<16xi32>
        %add3A_496 = arith.constant 16 : i32
        %add3A_497 = vector.broadcast %add3A_496 : i32 to vector<16xi32>
        %add3A_498 = arith.addi %xor3A_492, %add3A_497 : vector<16xi32>
        %select_n3A_499 = arith.select %lt3A_495, %add3A_498, %xor3A_492 : vector<16xi1>, vector<16xi32>
        %broadcast_in_dim3A_500 = vector.shape_cast %select_n3A_499 : vector<16xi32> to vector<16x1xi32>
        %gather3A_501 = vector.shape_cast %broadcast_in_dim3A_500 : vector<16x1xi32> to vector<16xi32>
        %gather3A_502 = tpu.dynamic_gather %min3A_489[%gather3A_501] in [0] : vector<16xf32>, vector<16xi32> -> vector<16xf32>
        %min3A_503 = arith.minimumf %min3A_489, %gather3A_502 : vector<16xf32>
        %xor3A_504 = arith.constant 1 : i32
        %xor3A_505 = vector.broadcast %xor3A_504 : i32 to vector<16xi32>
        %xor3A_506 = arith.xori %iota3A, %xor3A_505 : vector<16xi32>
        %lt3A_507 = arith.constant 0 : i32
        %lt3A_508 = vector.broadcast %lt3A_507 : i32 to vector<16xi32>
        %lt3A_509 = arith.cmpi slt, %xor3A_506, %lt3A_508 : vector<16xi32>
        %add3A_510 = arith.constant 16 : i32
        %add3A_511 = vector.broadcast %add3A_510 : i32 to vector<16xi32>
        %add3A_512 = arith.addi %xor3A_506, %add3A_511 : vector<16xi32>
        %select_n3A_513 = arith.select %lt3A_509, %add3A_512, %xor3A_506 : vector<16xi1>, vector<16xi32>
        %broadcast_in_dim3A_514 = vector.shape_cast %select_n3A_513 : vector<16xi32> to vector<16x1xi32>
        %gather3A_515 = vector.shape_cast %broadcast_in_dim3A_514 : vector<16x1xi32> to vector<16xi32>
        %gather3A_516 = tpu.dynamic_gather %min3A_503[%gather3A_515] in [0] : vector<16xf32>, vector<16xi32> -> vector<16xf32>
        %min3A_517 = arith.minimumf %min3A_503, %gather3A_516 : vector<16xf32>
        %eq3A_518 = arith.constant 5 : i32
        %eq3A_519 = vector.broadcast %eq3A_518 : i32 to vector<16xi32>
        %eq3A_520 = arith.cmpi eq, %iota3A, %eq3A_519 : vector<16xi32>
        %slice3A_521 = vector.extract_strided_slice %get3A_93 {offsets = [5], sizes = [1], strides = [1]} : vector<16xf32> to vector<1xf32>
        %squeeze3A_522 = vector.extract %slice3A_521[0] : f32 from vector<1xf32>
        %add3A_523 = vector.broadcast %squeeze3A_522 : f32 to vector<16xf32>
        %add3A_524 = arith.addf %min3A_517, %add3A_523 : vector<16xf32>
        %select_n3A_525 = arith.select %eq3A_520, %add3A_524, %select_n3A_461 : vector<16xi1>, vector<16xf32>
        %xor3A_526 = arith.constant 8 : i32
        %xor3A_527 = vector.broadcast %xor3A_526 : i32 to vector<16xi32>
        %xor3A_528 = arith.xori %iota3A, %xor3A_527 : vector<16xi32>
        %lt3A_529 = arith.constant 0 : i32
        %lt3A_530 = vector.broadcast %lt3A_529 : i32 to vector<16xi32>
        %lt3A_531 = arith.cmpi slt, %xor3A_528, %lt3A_530 : vector<16xi32>
        %add3A_532 = arith.constant 16 : i32
        %add3A_533 = vector.broadcast %add3A_532 : i32 to vector<16xi32>
        %add3A_534 = arith.addi %xor3A_528, %add3A_533 : vector<16xi32>
        %select_n3A_535 = arith.select %lt3A_531, %add3A_534, %xor3A_528 : vector<16xi1>, vector<16xi32>
        %broadcast_in_dim3A_536 = vector.shape_cast %select_n3A_535 : vector<16xi32> to vector<16x1xi32>
        %gather3A_537 = vector.shape_cast %broadcast_in_dim3A_536 : vector<16x1xi32> to vector<16xi32>
        %gather3A_538 = tpu.dynamic_gather %scan3A_146#6[%gather3A_537] in [0] : vector<16xf32>, vector<16xi32> -> vector<16xf32>
        %min3A_539 = arith.minimumf %scan3A_146#6, %gather3A_538 : vector<16xf32>
        %xor3A_540 = arith.constant 4 : i32
        %xor3A_541 = vector.broadcast %xor3A_540 : i32 to vector<16xi32>
        %xor3A_542 = arith.xori %iota3A, %xor3A_541 : vector<16xi32>
        %lt3A_543 = arith.constant 0 : i32
        %lt3A_544 = vector.broadcast %lt3A_543 : i32 to vector<16xi32>
        %lt3A_545 = arith.cmpi slt, %xor3A_542, %lt3A_544 : vector<16xi32>
        %add3A_546 = arith.constant 16 : i32
        %add3A_547 = vector.broadcast %add3A_546 : i32 to vector<16xi32>
        %add3A_548 = arith.addi %xor3A_542, %add3A_547 : vector<16xi32>
        %select_n3A_549 = arith.select %lt3A_545, %add3A_548, %xor3A_542 : vector<16xi1>, vector<16xi32>
        %broadcast_in_dim3A_550 = vector.shape_cast %select_n3A_549 : vector<16xi32> to vector<16x1xi32>
        %gather3A_551 = vector.shape_cast %broadcast_in_dim3A_550 : vector<16x1xi32> to vector<16xi32>
        %gather3A_552 = tpu.dynamic_gather %min3A_539[%gather3A_551] in [0] : vector<16xf32>, vector<16xi32> -> vector<16xf32>
        %min3A_553 = arith.minimumf %min3A_539, %gather3A_552 : vector<16xf32>
        %xor3A_554 = arith.constant 2 : i32
        %xor3A_555 = vector.broadcast %xor3A_554 : i32 to vector<16xi32>
        %xor3A_556 = arith.xori %iota3A, %xor3A_555 : vector<16xi32>
        %lt3A_557 = arith.constant 0 : i32
        %lt3A_558 = vector.broadcast %lt3A_557 : i32 to vector<16xi32>
        %lt3A_559 = arith.cmpi slt, %xor3A_556, %lt3A_558 : vector<16xi32>
        %add3A_560 = arith.constant 16 : i32
        %add3A_561 = vector.broadcast %add3A_560 : i32 to vector<16xi32>
        %add3A_562 = arith.addi %xor3A_556, %add3A_561 : vector<16xi32>
        %select_n3A_563 = arith.select %lt3A_559, %add3A_562, %xor3A_556 : vector<16xi1>, vector<16xi32>
        %broadcast_in_dim3A_564 = vector.shape_cast %select_n3A_563 : vector<16xi32> to vector<16x1xi32>
        %gather3A_565 = vector.shape_cast %broadcast_in_dim3A_564 : vector<16x1xi32> to vector<16xi32>
        %gather3A_566 = tpu.dynamic_gather %min3A_553[%gather3A_565] in [0] : vector<16xf32>, vector<16xi32> -> vector<16xf32>
        %min3A_567 = arith.minimumf %min3A_553, %gather3A_566 : vector<16xf32>
        %xor3A_568 = arith.constant 1 : i32
        %xor3A_569 = vector.broadcast %xor3A_568 : i32 to vector<16xi32>
        %xor3A_570 = arith.xori %iota3A, %xor3A_569 : vector<16xi32>
        %lt3A_571 = arith.constant 0 : i32
        %lt3A_572 = vector.broadcast %lt3A_571 : i32 to vector<16xi32>
        %lt3A_573 = arith.cmpi slt, %xor3A_570, %lt3A_572 : vector<16xi32>
        %add3A_574 = arith.constant 16 : i32
        %add3A_575 = vector.broadcast %add3A_574 : i32 to vector<16xi32>
        %add3A_576 = arith.addi %xor3A_570, %add3A_575 : vector<16xi32>
        %select_n3A_577 = arith.select %lt3A_573, %add3A_576, %xor3A_570 : vector<16xi1>, vector<16xi32>
        %broadcast_in_dim3A_578 = vector.shape_cast %select_n3A_577 : vector<16xi32> to vector<16x1xi32>
        %gather3A_579 = vector.shape_cast %broadcast_in_dim3A_578 : vector<16x1xi32> to vector<16xi32>
        %gather3A_580 = tpu.dynamic_gather %min3A_567[%gather3A_579] in [0] : vector<16xf32>, vector<16xi32> -> vector<16xf32>
        %min3A_581 = arith.minimumf %min3A_567, %gather3A_580 : vector<16xf32>
        %eq3A_582 = arith.constant 6 : i32
        %eq3A_583 = vector.broadcast %eq3A_582 : i32 to vector<16xi32>
        %eq3A_584 = arith.cmpi eq, %iota3A, %eq3A_583 : vector<16xi32>
        %slice3A_585 = vector.extract_strided_slice %get3A_93 {offsets = [6], sizes = [1], strides = [1]} : vector<16xf32> to vector<1xf32>
        %squeeze3A_586 = vector.extract %slice3A_585[0] : f32 from vector<1xf32>
        %add3A_587 = vector.broadcast %squeeze3A_586 : f32 to vector<16xf32>
        %add3A_588 = arith.addf %min3A_581, %add3A_587 : vector<16xf32>
        %select_n3A_589 = arith.select %eq3A_584, %add3A_588, %select_n3A_525 : vector<16xi1>, vector<16xf32>
        %xor3A_590 = arith.constant 8 : i32
        %xor3A_591 = vector.broadcast %xor3A_590 : i32 to vector<16xi32>
        %xor3A_592 = arith.xori %iota3A, %xor3A_591 : vector<16xi32>
        %lt3A_593 = arith.constant 0 : i32
        %lt3A_594 = vector.broadcast %lt3A_593 : i32 to vector<16xi32>
        %lt3A_595 = arith.cmpi slt, %xor3A_592, %lt3A_594 : vector<16xi32>
        %add3A_596 = arith.constant 16 : i32
        %add3A_597 = vector.broadcast %add3A_596 : i32 to vector<16xi32>
        %add3A_598 = arith.addi %xor3A_592, %add3A_597 : vector<16xi32>
        %select_n3A_599 = arith.select %lt3A_595, %add3A_598, %xor3A_592 : vector<16xi1>, vector<16xi32>
        %broadcast_in_dim3A_600 = vector.shape_cast %select_n3A_599 : vector<16xi32> to vector<16x1xi32>
        %gather3A_601 = vector.shape_cast %broadcast_in_dim3A_600 : vector<16x1xi32> to vector<16xi32>
        %gather3A_602 = tpu.dynamic_gather %scan3A_146#7[%gather3A_601] in [0] : vector<16xf32>, vector<16xi32> -> vector<16xf32>
        %min3A_603 = arith.minimumf %scan3A_146#7, %gather3A_602 : vector<16xf32>
        %xor3A_604 = arith.constant 4 : i32
        %xor3A_605 = vector.broadcast %xor3A_604 : i32 to vector<16xi32>
        %xor3A_606 = arith.xori %iota3A, %xor3A_605 : vector<16xi32>
        %lt3A_607 = arith.constant 0 : i32
        %lt3A_608 = vector.broadcast %lt3A_607 : i32 to vector<16xi32>
        %lt3A_609 = arith.cmpi slt, %xor3A_606, %lt3A_608 : vector<16xi32>
        %add3A_610 = arith.constant 16 : i32
        %add3A_611 = vector.broadcast %add3A_610 : i32 to vector<16xi32>
        %add3A_612 = arith.addi %xor3A_606, %add3A_611 : vector<16xi32>
        %select_n3A_613 = arith.select %lt3A_609, %add3A_612, %xor3A_606 : vector<16xi1>, vector<16xi32>
        %broadcast_in_dim3A_614 = vector.shape_cast %select_n3A_613 : vector<16xi32> to vector<16x1xi32>
        %gather3A_615 = vector.shape_cast %broadcast_in_dim3A_614 : vector<16x1xi32> to vector<16xi32>
        %gather3A_616 = tpu.dynamic_gather %min3A_603[%gather3A_615] in [0] : vector<16xf32>, vector<16xi32> -> vector<16xf32>
        %min3A_617 = arith.minimumf %min3A_603, %gather3A_616 : vector<16xf32>
        %xor3A_618 = arith.constant 2 : i32
        %xor3A_619 = vector.broadcast %xor3A_618 : i32 to vector<16xi32>
        %xor3A_620 = arith.xori %iota3A, %xor3A_619 : vector<16xi32>
        %lt3A_621 = arith.constant 0 : i32
        %lt3A_622 = vector.broadcast %lt3A_621 : i32 to vector<16xi32>
        %lt3A_623 = arith.cmpi slt, %xor3A_620, %lt3A_622 : vector<16xi32>
        %add3A_624 = arith.constant 16 : i32
        %add3A_625 = vector.broadcast %add3A_624 : i32 to vector<16xi32>
        %add3A_626 = arith.addi %xor3A_620, %add3A_625 : vector<16xi32>
        %select_n3A_627 = arith.select %lt3A_623, %add3A_626, %xor3A_620 : vector<16xi1>, vector<16xi32>
        %broadcast_in_dim3A_628 = vector.shape_cast %select_n3A_627 : vector<16xi32> to vector<16x1xi32>
        %gather3A_629 = vector.shape_cast %broadcast_in_dim3A_628 : vector<16x1xi32> to vector<16xi32>
        %gather3A_630 = tpu.dynamic_gather %min3A_617[%gather3A_629] in [0] : vector<16xf32>, vector<16xi32> -> vector<16xf32>
        %min3A_631 = arith.minimumf %min3A_617, %gather3A_630 : vector<16xf32>
        %xor3A_632 = arith.constant 1 : i32
        %xor3A_633 = vector.broadcast %xor3A_632 : i32 to vector<16xi32>
        %xor3A_634 = arith.xori %iota3A, %xor3A_633 : vector<16xi32>
        %lt3A_635 = arith.constant 0 : i32
        %lt3A_636 = vector.broadcast %lt3A_635 : i32 to vector<16xi32>
        %lt3A_637 = arith.cmpi slt, %xor3A_634, %lt3A_636 : vector<16xi32>
        %add3A_638 = arith.constant 16 : i32
        %add3A_639 = vector.broadcast %add3A_638 : i32 to vector<16xi32>
        %add3A_640 = arith.addi %xor3A_634, %add3A_639 : vector<16xi32>
        %select_n3A_641 = arith.select %lt3A_637, %add3A_640, %xor3A_634 : vector<16xi1>, vector<16xi32>
        %broadcast_in_dim3A_642 = vector.shape_cast %select_n3A_641 : vector<16xi32> to vector<16x1xi32>
        %gather3A_643 = vector.shape_cast %broadcast_in_dim3A_642 : vector<16x1xi32> to vector<16xi32>
        %gather3A_644 = tpu.dynamic_gather %min3A_631[%gather3A_643] in [0] : vector<16xf32>, vector<16xi32> -> vector<16xf32>
        %min3A_645 = arith.minimumf %min3A_631, %gather3A_644 : vector<16xf32>
        %eq3A_646 = arith.constant 7 : i32
        %eq3A_647 = vector.broadcast %eq3A_646 : i32 to vector<16xi32>
        %eq3A_648 = arith.cmpi eq, %iota3A, %eq3A_647 : vector<16xi32>
        %slice3A_649 = vector.extract_strided_slice %get3A_93 {offsets = [7], sizes = [1], strides = [1]} : vector<16xf32> to vector<1xf32>
        %squeeze3A_650 = vector.extract %slice3A_649[0] : f32 from vector<1xf32>
        %add3A_651 = vector.broadcast %squeeze3A_650 : f32 to vector<16xf32>
        %add3A_652 = arith.addf %min3A_645, %add3A_651 : vector<16xf32>
        %select_n3A_653 = arith.select %eq3A_648, %add3A_652, %select_n3A_589 : vector<16xi1>, vector<16xf32>
        %slice3A_654 = vector.extract_strided_slice %get3A_84 {offsets = [8], sizes = [1], strides = [1]} : vector<16xf32> to vector<1xf32>
        %squeeze3A_655 = vector.extract %slice3A_654[0] : f32 from vector<1xf32>
        %slice3A_656 = vector.extract_strided_slice %get3A_84 {offsets = [9], sizes = [1], strides = [1]} : vector<16xf32> to vector<1xf32>
        %squeeze3A_657 = vector.extract %slice3A_656[0] : f32 from vector<1xf32>
        %slice3A_658 = vector.extract_strided_slice %get3A_84 {offsets = [10], sizes = [1], strides = [1]} : vector<16xf32> to vector<1xf32>
        %squeeze3A_659 = vector.extract %slice3A_658[0] : f32 from vector<1xf32>
        %slice3A_660 = vector.extract_strided_slice %get3A_84 {offsets = [11], sizes = [1], strides = [1]} : vector<16xf32> to vector<1xf32>
        %squeeze3A_661 = vector.extract %slice3A_660[0] : f32 from vector<1xf32>
        %slice3A_662 = vector.extract_strided_slice %get3A_84 {offsets = [12], sizes = [1], strides = [1]} : vector<16xf32> to vector<1xf32>
        %squeeze3A_663 = vector.extract %slice3A_662[0] : f32 from vector<1xf32>
        %slice3A_664 = vector.extract_strided_slice %get3A_84 {offsets = [13], sizes = [1], strides = [1]} : vector<16xf32> to vector<1xf32>
        %squeeze3A_665 = vector.extract %slice3A_664[0] : f32 from vector<1xf32>
        %slice3A_666 = vector.extract_strided_slice %get3A_84 {offsets = [14], sizes = [1], strides = [1]} : vector<16xf32> to vector<1xf32>
        %squeeze3A_667 = vector.extract %slice3A_666[0] : f32 from vector<1xf32>
        %slice3A_668 = vector.extract_strided_slice %get3A_84 {offsets = [15], sizes = [1], strides = [1]} : vector<16xf32> to vector<1xf32>
        %squeeze3A_669 = vector.extract %slice3A_668[0] : f32 from vector<1xf32>
        %slice3A_670 = vector.extract_strided_slice %get3A_87 {offsets = [8], sizes = [1], strides = [1]} : vector<16xf32> to vector<1xf32>
        %squeeze3A_671 = vector.extract %slice3A_670[0] : f32 from vector<1xf32>
        %slice3A_672 = vector.extract_strided_slice %get3A_87 {offsets = [9], sizes = [1], strides = [1]} : vector<16xf32> to vector<1xf32>
        %squeeze3A_673 = vector.extract %slice3A_672[0] : f32 from vector<1xf32>
        %slice3A_674 = vector.extract_strided_slice %get3A_87 {offsets = [10], sizes = [1], strides = [1]} : vector<16xf32> to vector<1xf32>
        %squeeze3A_675 = vector.extract %slice3A_674[0] : f32 from vector<1xf32>
        %slice3A_676 = vector.extract_strided_slice %get3A_87 {offsets = [11], sizes = [1], strides = [1]} : vector<16xf32> to vector<1xf32>
        %squeeze3A_677 = vector.extract %slice3A_676[0] : f32 from vector<1xf32>
        %slice3A_678 = vector.extract_strided_slice %get3A_87 {offsets = [12], sizes = [1], strides = [1]} : vector<16xf32> to vector<1xf32>
        %squeeze3A_679 = vector.extract %slice3A_678[0] : f32 from vector<1xf32>
        %slice3A_680 = vector.extract_strided_slice %get3A_87 {offsets = [13], sizes = [1], strides = [1]} : vector<16xf32> to vector<1xf32>
        %squeeze3A_681 = vector.extract %slice3A_680[0] : f32 from vector<1xf32>
        %slice3A_682 = vector.extract_strided_slice %get3A_87 {offsets = [14], sizes = [1], strides = [1]} : vector<16xf32> to vector<1xf32>
        %squeeze3A_683 = vector.extract %slice3A_682[0] : f32 from vector<1xf32>
        %slice3A_684 = vector.extract_strided_slice %get3A_87 {offsets = [15], sizes = [1], strides = [1]} : vector<16xf32> to vector<1xf32>
        %squeeze3A_685 = vector.extract %slice3A_684[0] : f32 from vector<1xf32>
        %slice3A_686 = vector.extract_strided_slice %get3A_90 {offsets = [8], sizes = [1], strides = [1]} : vector<16xf32> to vector<1xf32>
        %squeeze3A_687 = vector.extract %slice3A_686[0] : f32 from vector<1xf32>
        %slice3A_688 = vector.extract_strided_slice %get3A_90 {offsets = [9], sizes = [1], strides = [1]} : vector<16xf32> to vector<1xf32>
        %squeeze3A_689 = vector.extract %slice3A_688[0] : f32 from vector<1xf32>
        %slice3A_690 = vector.extract_strided_slice %get3A_90 {offsets = [10], sizes = [1], strides = [1]} : vector<16xf32> to vector<1xf32>
        %squeeze3A_691 = vector.extract %slice3A_690[0] : f32 from vector<1xf32>
        %slice3A_692 = vector.extract_strided_slice %get3A_90 {offsets = [11], sizes = [1], strides = [1]} : vector<16xf32> to vector<1xf32>
        %squeeze3A_693 = vector.extract %slice3A_692[0] : f32 from vector<1xf32>
        %slice3A_694 = vector.extract_strided_slice %get3A_90 {offsets = [12], sizes = [1], strides = [1]} : vector<16xf32> to vector<1xf32>
        %squeeze3A_695 = vector.extract %slice3A_694[0] : f32 from vector<1xf32>
        %slice3A_696 = vector.extract_strided_slice %get3A_90 {offsets = [13], sizes = [1], strides = [1]} : vector<16xf32> to vector<1xf32>
        %squeeze3A_697 = vector.extract %slice3A_696[0] : f32 from vector<1xf32>
        %slice3A_698 = vector.extract_strided_slice %get3A_90 {offsets = [14], sizes = [1], strides = [1]} : vector<16xf32> to vector<1xf32>
        %squeeze3A_699 = vector.extract %slice3A_698[0] : f32 from vector<1xf32>
        %slice3A_700 = vector.extract_strided_slice %get3A_90 {offsets = [15], sizes = [1], strides = [1]} : vector<16xf32> to vector<1xf32>
        %squeeze3A_701 = vector.extract %slice3A_700[0] : f32 from vector<1xf32>
        %scan3A_702 = arith.constant 0 : i32
        %scan3A_703 = arith.constant 34 : i32
        %scan3A_704 = arith.addi %scan3A_702, %scan3A_703 : i32
        %scan3A_705 = arith.constant 1 : i32
        %scan3A_706:8 = scf.for %scan3A_1223 = %scan3A_702 to %scan3A_704 step %scan3A_705 iter_args(%scan3A_1224 = %broadcast_in_dim3A_69, %scan3A_1225 = %broadcast_in_dim3A_69, %scan3A_1226 = %broadcast_in_dim3A_69, %scan3A_1227 = %broadcast_in_dim3A_69, %scan3A_1228 = %broadcast_in_dim3A_69, %scan3A_1229 = %broadcast_in_dim3A_69, %scan3A_1230 = %broadcast_in_dim3A_69, %scan3A_1231 = %broadcast_in_dim3A_69) -> (vector<16xf32>, vector<16xf32>, vector<16xf32>, vector<16xf32>, vector<16xf32>, vector<16xf32>, vector<16xf32>, vector<16xf32>)  : i32 {
          %mul3A_1232 = arith.constant 2 : i32
          %mul3A_1233 = arith.muli %scan3A_1223, %mul3A_1232 : i32
          %add3A_1234 = arith.constant 0 : i32
          %add3A_1235 = arith.addi %mul3A_1233, %add3A_1234 : i32
          %mul3A_1236 = arith.constant 16 : i32
          %mul3A_1237 = arith.muli %add3A_1235, %mul3A_1236 : i32
          %get3A_1238 = arith.index_cast %mul3A_1237 : i32 to index
          %get3A_1239 = tpu.vector_load %arg15[%get3A_1238] {strides = array<i32>} : memref<1088xf32, #tpu.memory_space<vmem>>, vector<16xf32>,
          %get3A_1240 = vector.shape_cast %get3A_1239 : vector<16xf32> to vector<16xf32>
          %get3A_1241 = arith.index_cast %mul3A_1237 : i32 to index
          %get3A_1242 = tpu.vector_load %arg16[%get3A_1241] {strides = array<i32>} : memref<1088xf32, #tpu.memory_space<vmem>>, vector<16xf32>,
          %get3A_1243 = vector.shape_cast %get3A_1242 : vector<16xf32> to vector<16xf32>
          %get3A_1244 = arith.index_cast %mul3A_1237 : i32 to index
          %get3A_1245 = tpu.vector_load %arg17[%get3A_1244] {strides = array<i32>} : memref<1088xf32, #tpu.memory_space<vmem>>, vector<16xf32>,
          %get3A_1246 = vector.shape_cast %get3A_1245 : vector<16xf32> to vector<16xf32>
          %get3A_1247 = arith.index_cast %mul3A_1237 : i32 to index
          %get3A_1248 = tpu.vector_load %arg18[%get3A_1247] {strides = array<i32>} : memref<1088xf32, #tpu.memory_space<vmem>>, vector<16xf32>,
          %get3A_1249 = vector.shape_cast %get3A_1248 : vector<16xf32> to vector<16xf32>
          %mul3A_1250 = vector.broadcast %squeeze3A_655 : f32 to vector<16xf32>
          %mul3A_1251 = arith.mulf %mul3A_1250, %get3A_1240 : vector<16xf32>
          %add3A_1252 = arith.addf %get3A_1249, %mul3A_1251 : vector<16xf32>
          %mul3A_1253 = vector.broadcast %squeeze3A_671 : f32 to vector<16xf32>
          %mul3A_1254 = arith.mulf %mul3A_1253, %get3A_1243 : vector<16xf32>
          %mul3A_1255 = vector.broadcast %squeeze3A_687 : f32 to vector<16xf32>
          %mul3A_1256 = arith.mulf %mul3A_1255, %get3A_1246 : vector<16xf32>
          %add3A_1257 = arith.addf %mul3A_1254, %mul3A_1256 : vector<16xf32>
          %add3A_1258 = arith.addf %add3A_1252, %add3A_1257 : vector<16xf32>
          %min3A_1259 = arith.minimumf %scan3A_1224, %add3A_1258 : vector<16xf32>
          %mul3A_1260 = vector.broadcast %squeeze3A_657 : f32 to vector<16xf32>
          %mul3A_1261 = arith.mulf %mul3A_1260, %get3A_1240 : vector<16xf32>
          %add3A_1262 = arith.addf %get3A_1249, %mul3A_1261 : vector<16xf32>
          %mul3A_1263 = vector.broadcast %squeeze3A_673 : f32 to vector<16xf32>
          %mul3A_1264 = arith.mulf %mul3A_1263, %get3A_1243 : vector<16xf32>
          %mul3A_1265 = vector.broadcast %squeeze3A_689 : f32 to vector<16xf32>
          %mul3A_1266 = arith.mulf %mul3A_1265, %get3A_1246 : vector<16xf32>
          %add3A_1267 = arith.addf %mul3A_1264, %mul3A_1266 : vector<16xf32>
          %add3A_1268 = arith.addf %add3A_1262, %add3A_1267 : vector<16xf32>
          %min3A_1269 = arith.minimumf %scan3A_1225, %add3A_1268 : vector<16xf32>
          %mul3A_1270 = vector.broadcast %squeeze3A_659 : f32 to vector<16xf32>
          %mul3A_1271 = arith.mulf %mul3A_1270, %get3A_1240 : vector<16xf32>
          %add3A_1272 = arith.addf %get3A_1249, %mul3A_1271 : vector<16xf32>
          %mul3A_1273 = vector.broadcast %squeeze3A_675 : f32 to vector<16xf32>
          %mul3A_1274 = arith.mulf %mul3A_1273, %get3A_1243 : vector<16xf32>
          %mul3A_1275 = vector.broadcast %squeeze3A_691 : f32 to vector<16xf32>
          %mul3A_1276 = arith.mulf %mul3A_1275, %get3A_1246 : vector<16xf32>
          %add3A_1277 = arith.addf %mul3A_1274, %mul3A_1276 : vector<16xf32>
          %add3A_1278 = arith.addf %add3A_1272, %add3A_1277 : vector<16xf32>
          %min3A_1279 = arith.minimumf %scan3A_1226, %add3A_1278 : vector<16xf32>
          %mul3A_1280 = vector.broadcast %squeeze3A_661 : f32 to vector<16xf32>
          %mul3A_1281 = arith.mulf %mul3A_1280, %get3A_1240 : vector<16xf32>
          %add3A_1282 = arith.addf %get3A_1249, %mul3A_1281 : vector<16xf32>
          %mul3A_1283 = vector.broadcast %squeeze3A_677 : f32 to vector<16xf32>
          %mul3A_1284 = arith.mulf %mul3A_1283, %get3A_1243 : vector<16xf32>
          %mul3A_1285 = vector.broadcast %squeeze3A_693 : f32 to vector<16xf32>
          %mul3A_1286 = arith.mulf %mul3A_1285, %get3A_1246 : vector<16xf32>
          %add3A_1287 = arith.addf %mul3A_1284, %mul3A_1286 : vector<16xf32>
          %add3A_1288 = arith.addf %add3A_1282, %add3A_1287 : vector<16xf32>
          %min3A_1289 = arith.minimumf %scan3A_1227, %add3A_1288 : vector<16xf32>
          %mul3A_1290 = vector.broadcast %squeeze3A_663 : f32 to vector<16xf32>
          %mul3A_1291 = arith.mulf %mul3A_1290, %get3A_1240 : vector<16xf32>
          %add3A_1292 = arith.addf %get3A_1249, %mul3A_1291 : vector<16xf32>
          %mul3A_1293 = vector.broadcast %squeeze3A_679 : f32 to vector<16xf32>
          %mul3A_1294 = arith.mulf %mul3A_1293, %get3A_1243 : vector<16xf32>
          %mul3A_1295 = vector.broadcast %squeeze3A_695 : f32 to vector<16xf32>
          %mul3A_1296 = arith.mulf %mul3A_1295, %get3A_1246 : vector<16xf32>
          %add3A_1297 = arith.addf %mul3A_1294, %mul3A_1296 : vector<16xf32>
          %add3A_1298 = arith.addf %add3A_1292, %add3A_1297 : vector<16xf32>
          %min3A_1299 = arith.minimumf %scan3A_1228, %add3A_1298 : vector<16xf32>
          %mul3A_1300 = vector.broadcast %squeeze3A_665 : f32 to vector<16xf32>
          %mul3A_1301 = arith.mulf %mul3A_1300, %get3A_1240 : vector<16xf32>
          %add3A_1302 = arith.addf %get3A_1249, %mul3A_1301 : vector<16xf32>
          %mul3A_1303 = vector.broadcast %squeeze3A_681 : f32 to vector<16xf32>
          %mul3A_1304 = arith.mulf %mul3A_1303, %get3A_1243 : vector<16xf32>
          %mul3A_1305 = vector.broadcast %squeeze3A_697 : f32 to vector<16xf32>
          %mul3A_1306 = arith.mulf %mul3A_1305, %get3A_1246 : vector<16xf32>
          %add3A_1307 = arith.addf %mul3A_1304, %mul3A_1306 : vector<16xf32>
          %add3A_1308 = arith.addf %add3A_1302, %add3A_1307 : vector<16xf32>
          %min3A_1309 = arith.minimumf %scan3A_1229, %add3A_1308 : vector<16xf32>
          %mul3A_1310 = vector.broadcast %squeeze3A_667 : f32 to vector<16xf32>
          %mul3A_1311 = arith.mulf %mul3A_1310, %get3A_1240 : vector<16xf32>
          %add3A_1312 = arith.addf %get3A_1249, %mul3A_1311 : vector<16xf32>
          %mul3A_1313 = vector.broadcast %squeeze3A_683 : f32 to vector<16xf32>
          %mul3A_1314 = arith.mulf %mul3A_1313, %get3A_1243 : vector<16xf32>
          %mul3A_1315 = vector.broadcast %squeeze3A_699 : f32 to vector<16xf32>
          %mul3A_1316 = arith.mulf %mul3A_1315, %get3A_1246 : vector<16xf32>
          %add3A_1317 = arith.addf %mul3A_1314, %mul3A_1316 : vector<16xf32>
          %add3A_1318 = arith.addf %add3A_1312, %add3A_1317 : vector<16xf32>
          %min3A_1319 = arith.minimumf %scan3A_1230, %add3A_1318 : vector<16xf32>
          %mul3A_1320 = vector.broadcast %squeeze3A_669 : f32 to vector<16xf32>
          %mul3A_1321 = arith.mulf %mul3A_1320, %get3A_1240 : vector<16xf32>
          %add3A_1322 = arith.addf %get3A_1249, %mul3A_1321 : vector<16xf32>
          %mul3A_1323 = vector.broadcast %squeeze3A_685 : f32 to vector<16xf32>
          %mul3A_1324 = arith.mulf %mul3A_1323, %get3A_1243 : vector<16xf32>
          %mul3A_1325 = vector.broadcast %squeeze3A_701 : f32 to vector<16xf32>
          %mul3A_1326 = arith.mulf %mul3A_1325, %get3A_1246 : vector<16xf32>
          %add3A_1327 = arith.addf %mul3A_1324, %mul3A_1326 : vector<16xf32>
          %add3A_1328 = arith.addf %add3A_1322, %add3A_1327 : vector<16xf32>
          %min3A_1329 = arith.minimumf %scan3A_1231, %add3A_1328 : vector<16xf32>
          %mul3A_1330 = arith.constant 2 : i32
          %mul3A_1331 = arith.muli %scan3A_1223, %mul3A_1330 : i32
          %add3A_1332 = arith.constant 1 : i32
          %add3A_1333 = arith.addi %mul3A_1331, %add3A_1332 : i32
          %mul3A_1334 = arith.constant 16 : i32
          %mul3A_1335 = arith.muli %add3A_1333, %mul3A_1334 : i32
          %get3A_1336 = arith.index_cast %mul3A_1335 : i32 to index
          %get3A_1337 = tpu.vector_load %arg15[%get3A_1336] {strides = array<i32>} : memref<1088xf32, #tpu.memory_space<vmem>>, vector<16xf32>,
          %get3A_1338 = vector.shape_cast %get3A_1337 : vector<16xf32> to vector<16xf32>
          %get3A_1339 = arith.index_cast %mul3A_1335 : i32 to index
          %get3A_1340 = tpu.vector_load %arg16[%get3A_1339] {strides = array<i32>} : memref<1088xf32, #tpu.memory_space<vmem>>, vector<16xf32>,
          %get3A_1341 = vector.shape_cast %get3A_1340 : vector<16xf32> to vector<16xf32>
          %get3A_1342 = arith.index_cast %mul3A_1335 : i32 to index
          %get3A_1343 = tpu.vector_load %arg17[%get3A_1342] {strides = array<i32>} : memref<1088xf32, #tpu.memory_space<vmem>>, vector<16xf32>,
          %get3A_1344 = vector.shape_cast %get3A_1343 : vector<16xf32> to vector<16xf32>
          %get3A_1345 = arith.index_cast %mul3A_1335 : i32 to index
          %get3A_1346 = tpu.vector_load %arg18[%get3A_1345] {strides = array<i32>} : memref<1088xf32, #tpu.memory_space<vmem>>, vector<16xf32>,
          %get3A_1347 = vector.shape_cast %get3A_1346 : vector<16xf32> to vector<16xf32>
          %mul3A_1348 = vector.broadcast %squeeze3A_655 : f32 to vector<16xf32>
          %mul3A_1349 = arith.mulf %mul3A_1348, %get3A_1338 : vector<16xf32>
          %add3A_1350 = arith.addf %get3A_1347, %mul3A_1349 : vector<16xf32>
          %mul3A_1351 = vector.broadcast %squeeze3A_671 : f32 to vector<16xf32>
          %mul3A_1352 = arith.mulf %mul3A_1351, %get3A_1341 : vector<16xf32>
          %mul3A_1353 = vector.broadcast %squeeze3A_687 : f32 to vector<16xf32>
          %mul3A_1354 = arith.mulf %mul3A_1353, %get3A_1344 : vector<16xf32>
          %add3A_1355 = arith.addf %mul3A_1352, %mul3A_1354 : vector<16xf32>
          %add3A_1356 = arith.addf %add3A_1350, %add3A_1355 : vector<16xf32>
          %min3A_1357 = arith.minimumf %min3A_1259, %add3A_1356 : vector<16xf32>
          %mul3A_1358 = vector.broadcast %squeeze3A_657 : f32 to vector<16xf32>
          %mul3A_1359 = arith.mulf %mul3A_1358, %get3A_1338 : vector<16xf32>
          %add3A_1360 = arith.addf %get3A_1347, %mul3A_1359 : vector<16xf32>
          %mul3A_1361 = vector.broadcast %squeeze3A_673 : f32 to vector<16xf32>
          %mul3A_1362 = arith.mulf %mul3A_1361, %get3A_1341 : vector<16xf32>
          %mul3A_1363 = vector.broadcast %squeeze3A_689 : f32 to vector<16xf32>
          %mul3A_1364 = arith.mulf %mul3A_1363, %get3A_1344 : vector<16xf32>
          %add3A_1365 = arith.addf %mul3A_1362, %mul3A_1364 : vector<16xf32>
          %add3A_1366 = arith.addf %add3A_1360, %add3A_1365 : vector<16xf32>
          %min3A_1367 = arith.minimumf %min3A_1269, %add3A_1366 : vector<16xf32>
          %mul3A_1368 = vector.broadcast %squeeze3A_659 : f32 to vector<16xf32>
          %mul3A_1369 = arith.mulf %mul3A_1368, %get3A_1338 : vector<16xf32>
          %add3A_1370 = arith.addf %get3A_1347, %mul3A_1369 : vector<16xf32>
          %mul3A_1371 = vector.broadcast %squeeze3A_675 : f32 to vector<16xf32>
          %mul3A_1372 = arith.mulf %mul3A_1371, %get3A_1341 : vector<16xf32>
          %mul3A_1373 = vector.broadcast %squeeze3A_691 : f32 to vector<16xf32>
          %mul3A_1374 = arith.mulf %mul3A_1373, %get3A_1344 : vector<16xf32>
          %add3A_1375 = arith.addf %mul3A_1372, %mul3A_1374 : vector<16xf32>
          %add3A_1376 = arith.addf %add3A_1370, %add3A_1375 : vector<16xf32>
          %min3A_1377 = arith.minimumf %min3A_1279, %add3A_1376 : vector<16xf32>
          %mul3A_1378 = vector.broadcast %squeeze3A_661 : f32 to vector<16xf32>
          %mul3A_1379 = arith.mulf %mul3A_1378, %get3A_1338 : vector<16xf32>
          %add3A_1380 = arith.addf %get3A_1347, %mul3A_1379 : vector<16xf32>
          %mul3A_1381 = vector.broadcast %squeeze3A_677 : f32 to vector<16xf32>
          %mul3A_1382 = arith.mulf %mul3A_1381, %get3A_1341 : vector<16xf32>
          %mul3A_1383 = vector.broadcast %squeeze3A_693 : f32 to vector<16xf32>
          %mul3A_1384 = arith.mulf %mul3A_1383, %get3A_1344 : vector<16xf32>
          %add3A_1385 = arith.addf %mul3A_1382, %mul3A_1384 : vector<16xf32>
          %add3A_1386 = arith.addf %add3A_1380, %add3A_1385 : vector<16xf32>
          %min3A_1387 = arith.minimumf %min3A_1289, %add3A_1386 : vector<16xf32>
          %mul3A_1388 = vector.broadcast %squeeze3A_663 : f32 to vector<16xf32>
          %mul3A_1389 = arith.mulf %mul3A_1388, %get3A_1338 : vector<16xf32>
          %add3A_1390 = arith.addf %get3A_1347, %mul3A_1389 : vector<16xf32>
          %mul3A_1391 = vector.broadcast %squeeze3A_679 : f32 to vector<16xf32>
          %mul3A_1392 = arith.mulf %mul3A_1391, %get3A_1341 : vector<16xf32>
          %mul3A_1393 = vector.broadcast %squeeze3A_695 : f32 to vector<16xf32>
          %mul3A_1394 = arith.mulf %mul3A_1393, %get3A_1344 : vector<16xf32>
          %add3A_1395 = arith.addf %mul3A_1392, %mul3A_1394 : vector<16xf32>
          %add3A_1396 = arith.addf %add3A_1390, %add3A_1395 : vector<16xf32>
          %min3A_1397 = arith.minimumf %min3A_1299, %add3A_1396 : vector<16xf32>
          %mul3A_1398 = vector.broadcast %squeeze3A_665 : f32 to vector<16xf32>
          %mul3A_1399 = arith.mulf %mul3A_1398, %get3A_1338 : vector<16xf32>
          %add3A_1400 = arith.addf %get3A_1347, %mul3A_1399 : vector<16xf32>
          %mul3A_1401 = vector.broadcast %squeeze3A_681 : f32 to vector<16xf32>
          %mul3A_1402 = arith.mulf %mul3A_1401, %get3A_1341 : vector<16xf32>
          %mul3A_1403 = vector.broadcast %squeeze3A_697 : f32 to vector<16xf32>
          %mul3A_1404 = arith.mulf %mul3A_1403, %get3A_1344 : vector<16xf32>
          %add3A_1405 = arith.addf %mul3A_1402, %mul3A_1404 : vector<16xf32>
          %add3A_1406 = arith.addf %add3A_1400, %add3A_1405 : vector<16xf32>
          %min3A_1407 = arith.minimumf %min3A_1309, %add3A_1406 : vector<16xf32>
          %mul3A_1408 = vector.broadcast %squeeze3A_667 : f32 to vector<16xf32>
          %mul3A_1409 = arith.mulf %mul3A_1408, %get3A_1338 : vector<16xf32>
          %add3A_1410 = arith.addf %get3A_1347, %mul3A_1409 : vector<16xf32>
          %mul3A_1411 = vector.broadcast %squeeze3A_683 : f32 to vector<16xf32>
          %mul3A_1412 = arith.mulf %mul3A_1411, %get3A_1341 : vector<16xf32>
          %mul3A_1413 = vector.broadcast %squeeze3A_699 : f32 to vector<16xf32>
          %mul3A_1414 = arith.mulf %mul3A_1413, %get3A_1344 : vector<16xf32>
          %add3A_1415 = arith.addf %mul3A_1412, %mul3A_1414 : vector<16xf32>
          %add3A_1416 = arith.addf %add3A_1410, %add3A_1415 : vector<16xf32>
          %min3A_1417 = arith.minimumf %min3A_1319, %add3A_1416 : vector<16xf32>
          %mul3A_1418 = vector.broadcast %squeeze3A_669 : f32 to vector<16xf32>
          %mul3A_1419 = arith.mulf %mul3A_1418, %get3A_1338 : vector<16xf32>
          %add3A_1420 = arith.addf %get3A_1347, %mul3A_1419 : vector<16xf32>
          %mul3A_1421 = vector.broadcast %squeeze3A_685 : f32 to vector<16xf32>
          %mul3A_1422 = arith.mulf %mul3A_1421, %get3A_1341 : vector<16xf32>
          %mul3A_1423 = vector.broadcast %squeeze3A_701 : f32 to vector<16xf32>
          %mul3A_1424 = arith.mulf %mul3A_1423, %get3A_1344 : vector<16xf32>
          %add3A_1425 = arith.addf %mul3A_1422, %mul3A_1424 : vector<16xf32>
          %add3A_1426 = arith.addf %add3A_1420, %add3A_1425 : vector<16xf32>
          %min3A_1427 = arith.minimumf %min3A_1329, %add3A_1426 : vector<16xf32>
          scf.yield %min3A_1357, %min3A_1367, %min3A_1377, %min3A_1387, %min3A_1397, %min3A_1407, %min3A_1417, %min3A_1427 : vector<16xf32>, vector<16xf32>, vector<16xf32>, vector<16xf32>, vector<16xf32>, vector<16xf32>, vector<16xf32>, vector<16xf32>
        }
        %scan3A_707 = arith.constant 34 : i32
        %xor3A_708 = arith.constant 8 : i32
        %xor3A_709 = vector.broadcast %xor3A_708 : i32 to vector<16xi32>
        %xor3A_710 = arith.xori %iota3A, %xor3A_709 : vector<16xi32>
        %lt3A_711 = arith.constant 0 : i32
        %lt3A_712 = vector.broadcast %lt3A_711 : i32 to vector<16xi32>
        %lt3A_713 = arith.cmpi slt, %xor3A_710, %lt3A_712 : vector<16xi32>
        %add3A_714 = arith.constant 16 : i32
        %add3A_715 = vector.broadcast %add3A_714 : i32 to vector<16xi32>
        %add3A_716 = arith.addi %xor3A_710, %add3A_715 : vector<16xi32>
        %select_n3A_717 = arith.select %lt3A_713, %add3A_716, %xor3A_710 : vector<16xi1>, vector<16xi32>
        %broadcast_in_dim3A_718 = vector.shape_cast %select_n3A_717 : vector<16xi32> to vector<16x1xi32>
        %gather3A_719 = vector.shape_cast %broadcast_in_dim3A_718 : vector<16x1xi32> to vector<16xi32>
        %gather3A_720 = tpu.dynamic_gather %scan3A_706#0[%gather3A_719] in [0] : vector<16xf32>, vector<16xi32> -> vector<16xf32>
        %min3A_721 = arith.minimumf %scan3A_706#0, %gather3A_720 : vector<16xf32>
        %xor3A_722 = arith.constant 4 : i32
        %xor3A_723 = vector.broadcast %xor3A_722 : i32 to vector<16xi32>
        %xor3A_724 = arith.xori %iota3A, %xor3A_723 : vector<16xi32>
        %lt3A_725 = arith.constant 0 : i32
        %lt3A_726 = vector.broadcast %lt3A_725 : i32 to vector<16xi32>
        %lt3A_727 = arith.cmpi slt, %xor3A_724, %lt3A_726 : vector<16xi32>
        %add3A_728 = arith.constant 16 : i32
        %add3A_729 = vector.broadcast %add3A_728 : i32 to vector<16xi32>
        %add3A_730 = arith.addi %xor3A_724, %add3A_729 : vector<16xi32>
        %select_n3A_731 = arith.select %lt3A_727, %add3A_730, %xor3A_724 : vector<16xi1>, vector<16xi32>
        %broadcast_in_dim3A_732 = vector.shape_cast %select_n3A_731 : vector<16xi32> to vector<16x1xi32>
        %gather3A_733 = vector.shape_cast %broadcast_in_dim3A_732 : vector<16x1xi32> to vector<16xi32>
        %gather3A_734 = tpu.dynamic_gather %min3A_721[%gather3A_733] in [0] : vector<16xf32>, vector<16xi32> -> vector<16xf32>
        %min3A_735 = arith.minimumf %min3A_721, %gather3A_734 : vector<16xf32>
        %xor3A_736 = arith.constant 2 : i32
        %xor3A_737 = vector.broadcast %xor3A_736 : i32 to vector<16xi32>
        %xor3A_738 = arith.xori %iota3A, %xor3A_737 : vector<16xi32>
        %lt3A_739 = arith.constant 0 : i32
        %lt3A_740 = vector.broadcast %lt3A_739 : i32 to vector<16xi32>
        %lt3A_741 = arith.cmpi slt, %xor3A_738, %lt3A_740 : vector<16xi32>
        %add3A_742 = arith.constant 16 : i32
        %add3A_743 = vector.broadcast %add3A_742 : i32 to vector<16xi32>
        %add3A_744 = arith.addi %xor3A_738, %add3A_743 : vector<16xi32>
        %select_n3A_745 = arith.select %lt3A_741, %add3A_744, %xor3A_738 : vector<16xi1>, vector<16xi32>
        %broadcast_in_dim3A_746 = vector.shape_cast %select_n3A_745 : vector<16xi32> to vector<16x1xi32>
        %gather3A_747 = vector.shape_cast %broadcast_in_dim3A_746 : vector<16x1xi32> to vector<16xi32>
        %gather3A_748 = tpu.dynamic_gather %min3A_735[%gather3A_747] in [0] : vector<16xf32>, vector<16xi32> -> vector<16xf32>
        %min3A_749 = arith.minimumf %min3A_735, %gather3A_748 : vector<16xf32>
        %xor3A_750 = arith.constant 1 : i32
        %xor3A_751 = vector.broadcast %xor3A_750 : i32 to vector<16xi32>
        %xor3A_752 = arith.xori %iota3A, %xor3A_751 : vector<16xi32>
        %lt3A_753 = arith.constant 0 : i32
        %lt3A_754 = vector.broadcast %lt3A_753 : i32 to vector<16xi32>
        %lt3A_755 = arith.cmpi slt, %xor3A_752, %lt3A_754 : vector<16xi32>
        %add3A_756 = arith.constant 16 : i32
        %add3A_757 = vector.broadcast %add3A_756 : i32 to vector<16xi32>
        %add3A_758 = arith.addi %xor3A_752, %add3A_757 : vector<16xi32>
        %select_n3A_759 = arith.select %lt3A_755, %add3A_758, %xor3A_752 : vector<16xi1>, vector<16xi32>
        %broadcast_in_dim3A_760 = vector.shape_cast %select_n3A_759 : vector<16xi32> to vector<16x1xi32>
        %gather3A_761 = vector.shape_cast %broadcast_in_dim3A_760 : vector<16x1xi32> to vector<16xi32>
        %gather3A_762 = tpu.dynamic_gather %min3A_749[%gather3A_761] in [0] : vector<16xf32>, vector<16xi32> -> vector<16xf32>
        %min3A_763 = arith.minimumf %min3A_749, %gather3A_762 : vector<16xf32>
        %eq3A_764 = arith.constant 8 : i32
        %eq3A_765 = vector.broadcast %eq3A_764 : i32 to vector<16xi32>
        %eq3A_766 = arith.cmpi eq, %iota3A, %eq3A_765 : vector<16xi32>
        %slice3A_767 = vector.extract_strided_slice %get3A_93 {offsets = [8], sizes = [1], strides = [1]} : vector<16xf32> to vector<1xf32>
        %squeeze3A_768 = vector.extract %slice3A_767[0] : f32 from vector<1xf32>
        %add3A_769 = vector.broadcast %squeeze3A_768 : f32 to vector<16xf32>
        %add3A_770 = arith.addf %min3A_763, %add3A_769 : vector<16xf32>
        %select_n3A_771 = arith.select %eq3A_766, %add3A_770, %select_n3A_653 : vector<16xi1>, vector<16xf32>
        %xor3A_772 = arith.constant 8 : i32
        %xor3A_773 = vector.broadcast %xor3A_772 : i32 to vector<16xi32>
        %xor3A_774 = arith.xori %iota3A, %xor3A_773 : vector<16xi32>
        %lt3A_775 = arith.constant 0 : i32
        %lt3A_776 = vector.broadcast %lt3A_775 : i32 to vector<16xi32>
        %lt3A_777 = arith.cmpi slt, %xor3A_774, %lt3A_776 : vector<16xi32>
        %add3A_778 = arith.constant 16 : i32
        %add3A_779 = vector.broadcast %add3A_778 : i32 to vector<16xi32>
        %add3A_780 = arith.addi %xor3A_774, %add3A_779 : vector<16xi32>
        %select_n3A_781 = arith.select %lt3A_777, %add3A_780, %xor3A_774 : vector<16xi1>, vector<16xi32>
        %broadcast_in_dim3A_782 = vector.shape_cast %select_n3A_781 : vector<16xi32> to vector<16x1xi32>
        %gather3A_783 = vector.shape_cast %broadcast_in_dim3A_782 : vector<16x1xi32> to vector<16xi32>
        %gather3A_784 = tpu.dynamic_gather %scan3A_706#1[%gather3A_783] in [0] : vector<16xf32>, vector<16xi32> -> vector<16xf32>
        %min3A_785 = arith.minimumf %scan3A_706#1, %gather3A_784 : vector<16xf32>
        %xor3A_786 = arith.constant 4 : i32
        %xor3A_787 = vector.broadcast %xor3A_786 : i32 to vector<16xi32>
        %xor3A_788 = arith.xori %iota3A, %xor3A_787 : vector<16xi32>
        %lt3A_789 = arith.constant 0 : i32
        %lt3A_790 = vector.broadcast %lt3A_789 : i32 to vector<16xi32>
        %lt3A_791 = arith.cmpi slt, %xor3A_788, %lt3A_790 : vector<16xi32>
        %add3A_792 = arith.constant 16 : i32
        %add3A_793 = vector.broadcast %add3A_792 : i32 to vector<16xi32>
        %add3A_794 = arith.addi %xor3A_788, %add3A_793 : vector<16xi32>
        %select_n3A_795 = arith.select %lt3A_791, %add3A_794, %xor3A_788 : vector<16xi1>, vector<16xi32>
        %broadcast_in_dim3A_796 = vector.shape_cast %select_n3A_795 : vector<16xi32> to vector<16x1xi32>
        %gather3A_797 = vector.shape_cast %broadcast_in_dim3A_796 : vector<16x1xi32> to vector<16xi32>
        %gather3A_798 = tpu.dynamic_gather %min3A_785[%gather3A_797] in [0] : vector<16xf32>, vector<16xi32> -> vector<16xf32>
        %min3A_799 = arith.minimumf %min3A_785, %gather3A_798 : vector<16xf32>
        %xor3A_800 = arith.constant 2 : i32
        %xor3A_801 = vector.broadcast %xor3A_800 : i32 to vector<16xi32>
        %xor3A_802 = arith.xori %iota3A, %xor3A_801 : vector<16xi32>
        %lt3A_803 = arith.constant 0 : i32
        %lt3A_804 = vector.broadcast %lt3A_803 : i32 to vector<16xi32>
        %lt3A_805 = arith.cmpi slt, %xor3A_802, %lt3A_804 : vector<16xi32>
        %add3A_806 = arith.constant 16 : i32
        %add3A_807 = vector.broadcast %add3A_806 : i32 to vector<16xi32>
        %add3A_808 = arith.addi %xor3A_802, %add3A_807 : vector<16xi32>
        %select_n3A_809 = arith.select %lt3A_805, %add3A_808, %xor3A_802 : vector<16xi1>, vector<16xi32>
        %broadcast_in_dim3A_810 = vector.shape_cast %select_n3A_809 : vector<16xi32> to vector<16x1xi32>
        %gather3A_811 = vector.shape_cast %broadcast_in_dim3A_810 : vector<16x1xi32> to vector<16xi32>
        %gather3A_812 = tpu.dynamic_gather %min3A_799[%gather3A_811] in [0] : vector<16xf32>, vector<16xi32> -> vector<16xf32>
        %min3A_813 = arith.minimumf %min3A_799, %gather3A_812 : vector<16xf32>
        %xor3A_814 = arith.constant 1 : i32
        %xor3A_815 = vector.broadcast %xor3A_814 : i32 to vector<16xi32>
        %xor3A_816 = arith.xori %iota3A, %xor3A_815 : vector<16xi32>
        %lt3A_817 = arith.constant 0 : i32
        %lt3A_818 = vector.broadcast %lt3A_817 : i32 to vector<16xi32>
        %lt3A_819 = arith.cmpi slt, %xor3A_816, %lt3A_818 : vector<16xi32>
        %add3A_820 = arith.constant 16 : i32
        %add3A_821 = vector.broadcast %add3A_820 : i32 to vector<16xi32>
        %add3A_822 = arith.addi %xor3A_816, %add3A_821 : vector<16xi32>
        %select_n3A_823 = arith.select %lt3A_819, %add3A_822, %xor3A_816 : vector<16xi1>, vector<16xi32>
        %broadcast_in_dim3A_824 = vector.shape_cast %select_n3A_823 : vector<16xi32> to vector<16x1xi32>
        %gather3A_825 = vector.shape_cast %broadcast_in_dim3A_824 : vector<16x1xi32> to vector<16xi32>
        %gather3A_826 = tpu.dynamic_gather %min3A_813[%gather3A_825] in [0] : vector<16xf32>, vector<16xi32> -> vector<16xf32>
        %min3A_827 = arith.minimumf %min3A_813, %gather3A_826 : vector<16xf32>
        %eq3A_828 = arith.constant 9 : i32
        %eq3A_829 = vector.broadcast %eq3A_828 : i32 to vector<16xi32>
        %eq3A_830 = arith.cmpi eq, %iota3A, %eq3A_829 : vector<16xi32>
        %slice3A_831 = vector.extract_strided_slice %get3A_93 {offsets = [9], sizes = [1], strides = [1]} : vector<16xf32> to vector<1xf32>
        %squeeze3A_832 = vector.extract %slice3A_831[0] : f32 from vector<1xf32>
        %add3A_833 = vector.broadcast %squeeze3A_832 : f32 to vector<16xf32>
        %add3A_834 = arith.addf %min3A_827, %add3A_833 : vector<16xf32>
        %select_n3A_835 = arith.select %eq3A_830, %add3A_834, %select_n3A_771 : vector<16xi1>, vector<16xf32>
        %xor3A_836 = arith.constant 8 : i32
        %xor3A_837 = vector.broadcast %xor3A_836 : i32 to vector<16xi32>
        %xor3A_838 = arith.xori %iota3A, %xor3A_837 : vector<16xi32>
        %lt3A_839 = arith.constant 0 : i32
        %lt3A_840 = vector.broadcast %lt3A_839 : i32 to vector<16xi32>
        %lt3A_841 = arith.cmpi slt, %xor3A_838, %lt3A_840 : vector<16xi32>
        %add3A_842 = arith.constant 16 : i32
        %add3A_843 = vector.broadcast %add3A_842 : i32 to vector<16xi32>
        %add3A_844 = arith.addi %xor3A_838, %add3A_843 : vector<16xi32>
        %select_n3A_845 = arith.select %lt3A_841, %add3A_844, %xor3A_838 : vector<16xi1>, vector<16xi32>
        %broadcast_in_dim3A_846 = vector.shape_cast %select_n3A_845 : vector<16xi32> to vector<16x1xi32>
        %gather3A_847 = vector.shape_cast %broadcast_in_dim3A_846 : vector<16x1xi32> to vector<16xi32>
        %gather3A_848 = tpu.dynamic_gather %scan3A_706#2[%gather3A_847] in [0] : vector<16xf32>, vector<16xi32> -> vector<16xf32>
        %min3A_849 = arith.minimumf %scan3A_706#2, %gather3A_848 : vector<16xf32>
        %xor3A_850 = arith.constant 4 : i32
        %xor3A_851 = vector.broadcast %xor3A_850 : i32 to vector<16xi32>
        %xor3A_852 = arith.xori %iota3A, %xor3A_851 : vector<16xi32>
        %lt3A_853 = arith.constant 0 : i32
        %lt3A_854 = vector.broadcast %lt3A_853 : i32 to vector<16xi32>
        %lt3A_855 = arith.cmpi slt, %xor3A_852, %lt3A_854 : vector<16xi32>
        %add3A_856 = arith.constant 16 : i32
        %add3A_857 = vector.broadcast %add3A_856 : i32 to vector<16xi32>
        %add3A_858 = arith.addi %xor3A_852, %add3A_857 : vector<16xi32>
        %select_n3A_859 = arith.select %lt3A_855, %add3A_858, %xor3A_852 : vector<16xi1>, vector<16xi32>
        %broadcast_in_dim3A_860 = vector.shape_cast %select_n3A_859 : vector<16xi32> to vector<16x1xi32>
        %gather3A_861 = vector.shape_cast %broadcast_in_dim3A_860 : vector<16x1xi32> to vector<16xi32>
        %gather3A_862 = tpu.dynamic_gather %min3A_849[%gather3A_861] in [0] : vector<16xf32>, vector<16xi32> -> vector<16xf32>
        %min3A_863 = arith.minimumf %min3A_849, %gather3A_862 : vector<16xf32>
        %xor3A_864 = arith.constant 2 : i32
        %xor3A_865 = vector.broadcast %xor3A_864 : i32 to vector<16xi32>
        %xor3A_866 = arith.xori %iota3A, %xor3A_865 : vector<16xi32>
        %lt3A_867 = arith.constant 0 : i32
        %lt3A_868 = vector.broadcast %lt3A_867 : i32 to vector<16xi32>
        %lt3A_869 = arith.cmpi slt, %xor3A_866, %lt3A_868 : vector<16xi32>
        %add3A_870 = arith.constant 16 : i32
        %add3A_871 = vector.broadcast %add3A_870 : i32 to vector<16xi32>
        %add3A_872 = arith.addi %xor3A_866, %add3A_871 : vector<16xi32>
        %select_n3A_873 = arith.select %lt3A_869, %add3A_872, %xor3A_866 : vector<16xi1>, vector<16xi32>
        %broadcast_in_dim3A_874 = vector.shape_cast %select_n3A_873 : vector<16xi32> to vector<16x1xi32>
        %gather3A_875 = vector.shape_cast %broadcast_in_dim3A_874 : vector<16x1xi32> to vector<16xi32>
        %gather3A_876 = tpu.dynamic_gather %min3A_863[%gather3A_875] in [0] : vector<16xf32>, vector<16xi32> -> vector<16xf32>
        %min3A_877 = arith.minimumf %min3A_863, %gather3A_876 : vector<16xf32>
        %xor3A_878 = arith.constant 1 : i32
        %xor3A_879 = vector.broadcast %xor3A_878 : i32 to vector<16xi32>
        %xor3A_880 = arith.xori %iota3A, %xor3A_879 : vector<16xi32>
        %lt3A_881 = arith.constant 0 : i32
        %lt3A_882 = vector.broadcast %lt3A_881 : i32 to vector<16xi32>
        %lt3A_883 = arith.cmpi slt, %xor3A_880, %lt3A_882 : vector<16xi32>
        %add3A_884 = arith.constant 16 : i32
        %add3A_885 = vector.broadcast %add3A_884 : i32 to vector<16xi32>
        %add3A_886 = arith.addi %xor3A_880, %add3A_885 : vector<16xi32>
        %select_n3A_887 = arith.select %lt3A_883, %add3A_886, %xor3A_880 : vector<16xi1>, vector<16xi32>
        %broadcast_in_dim3A_888 = vector.shape_cast %select_n3A_887 : vector<16xi32> to vector<16x1xi32>
        %gather3A_889 = vector.shape_cast %broadcast_in_dim3A_888 : vector<16x1xi32> to vector<16xi32>
        %gather3A_890 = tpu.dynamic_gather %min3A_877[%gather3A_889] in [0] : vector<16xf32>, vector<16xi32> -> vector<16xf32>
        %min3A_891 = arith.minimumf %min3A_877, %gather3A_890 : vector<16xf32>
        %eq3A_892 = arith.constant 10 : i32
        %eq3A_893 = vector.broadcast %eq3A_892 : i32 to vector<16xi32>
        %eq3A_894 = arith.cmpi eq, %iota3A, %eq3A_893 : vector<16xi32>
        %slice3A_895 = vector.extract_strided_slice %get3A_93 {offsets = [10], sizes = [1], strides = [1]} : vector<16xf32> to vector<1xf32>
        %squeeze3A_896 = vector.extract %slice3A_895[0] : f32 from vector<1xf32>
        %add3A_897 = vector.broadcast %squeeze3A_896 : f32 to vector<16xf32>
        %add3A_898 = arith.addf %min3A_891, %add3A_897 : vector<16xf32>
        %select_n3A_899 = arith.select %eq3A_894, %add3A_898, %select_n3A_835 : vector<16xi1>, vector<16xf32>
        %xor3A_900 = arith.constant 8 : i32
        %xor3A_901 = vector.broadcast %xor3A_900 : i32 to vector<16xi32>
        %xor3A_902 = arith.xori %iota3A, %xor3A_901 : vector<16xi32>
        %lt3A_903 = arith.constant 0 : i32
        %lt3A_904 = vector.broadcast %lt3A_903 : i32 to vector<16xi32>
        %lt3A_905 = arith.cmpi slt, %xor3A_902, %lt3A_904 : vector<16xi32>
        %add3A_906 = arith.constant 16 : i32
        %add3A_907 = vector.broadcast %add3A_906 : i32 to vector<16xi32>
        %add3A_908 = arith.addi %xor3A_902, %add3A_907 : vector<16xi32>
        %select_n3A_909 = arith.select %lt3A_905, %add3A_908, %xor3A_902 : vector<16xi1>, vector<16xi32>
        %broadcast_in_dim3A_910 = vector.shape_cast %select_n3A_909 : vector<16xi32> to vector<16x1xi32>
        %gather3A_911 = vector.shape_cast %broadcast_in_dim3A_910 : vector<16x1xi32> to vector<16xi32>
        %gather3A_912 = tpu.dynamic_gather %scan3A_706#3[%gather3A_911] in [0] : vector<16xf32>, vector<16xi32> -> vector<16xf32>
        %min3A_913 = arith.minimumf %scan3A_706#3, %gather3A_912 : vector<16xf32>
        %xor3A_914 = arith.constant 4 : i32
        %xor3A_915 = vector.broadcast %xor3A_914 : i32 to vector<16xi32>
        %xor3A_916 = arith.xori %iota3A, %xor3A_915 : vector<16xi32>
        %lt3A_917 = arith.constant 0 : i32
        %lt3A_918 = vector.broadcast %lt3A_917 : i32 to vector<16xi32>
        %lt3A_919 = arith.cmpi slt, %xor3A_916, %lt3A_918 : vector<16xi32>
        %add3A_920 = arith.constant 16 : i32
        %add3A_921 = vector.broadcast %add3A_920 : i32 to vector<16xi32>
        %add3A_922 = arith.addi %xor3A_916, %add3A_921 : vector<16xi32>
        %select_n3A_923 = arith.select %lt3A_919, %add3A_922, %xor3A_916 : vector<16xi1>, vector<16xi32>
        %broadcast_in_dim3A_924 = vector.shape_cast %select_n3A_923 : vector<16xi32> to vector<16x1xi32>
        %gather3A_925 = vector.shape_cast %broadcast_in_dim3A_924 : vector<16x1xi32> to vector<16xi32>
        %gather3A_926 = tpu.dynamic_gather %min3A_913[%gather3A_925] in [0] : vector<16xf32>, vector<16xi32> -> vector<16xf32>
        %min3A_927 = arith.minimumf %min3A_913, %gather3A_926 : vector<16xf32>
        %xor3A_928 = arith.constant 2 : i32
        %xor3A_929 = vector.broadcast %xor3A_928 : i32 to vector<16xi32>
        %xor3A_930 = arith.xori %iota3A, %xor3A_929 : vector<16xi32>
        %lt3A_931 = arith.constant 0 : i32
        %lt3A_932 = vector.broadcast %lt3A_931 : i32 to vector<16xi32>
        %lt3A_933 = arith.cmpi slt, %xor3A_930, %lt3A_932 : vector<16xi32>
        %add3A_934 = arith.constant 16 : i32
        %add3A_935 = vector.broadcast %add3A_934 : i32 to vector<16xi32>
        %add3A_936 = arith.addi %xor3A_930, %add3A_935 : vector<16xi32>
        %select_n3A_937 = arith.select %lt3A_933, %add3A_936, %xor3A_930 : vector<16xi1>, vector<16xi32>
        %broadcast_in_dim3A_938 = vector.shape_cast %select_n3A_937 : vector<16xi32> to vector<16x1xi32>
        %gather3A_939 = vector.shape_cast %broadcast_in_dim3A_938 : vector<16x1xi32> to vector<16xi32>
        %gather3A_940 = tpu.dynamic_gather %min3A_927[%gather3A_939] in [0] : vector<16xf32>, vector<16xi32> -> vector<16xf32>
        %min3A_941 = arith.minimumf %min3A_927, %gather3A_940 : vector<16xf32>
        %xor3A_942 = arith.constant 1 : i32
        %xor3A_943 = vector.broadcast %xor3A_942 : i32 to vector<16xi32>
        %xor3A_944 = arith.xori %iota3A, %xor3A_943 : vector<16xi32>
        %lt3A_945 = arith.constant 0 : i32
        %lt3A_946 = vector.broadcast %lt3A_945 : i32 to vector<16xi32>
        %lt3A_947 = arith.cmpi slt, %xor3A_944, %lt3A_946 : vector<16xi32>
        %add3A_948 = arith.constant 16 : i32
        %add3A_949 = vector.broadcast %add3A_948 : i32 to vector<16xi32>
        %add3A_950 = arith.addi %xor3A_944, %add3A_949 : vector<16xi32>
        %select_n3A_951 = arith.select %lt3A_947, %add3A_950, %xor3A_944 : vector<16xi1>, vector<16xi32>
        %broadcast_in_dim3A_952 = vector.shape_cast %select_n3A_951 : vector<16xi32> to vector<16x1xi32>
        %gather3A_953 = vector.shape_cast %broadcast_in_dim3A_952 : vector<16x1xi32> to vector<16xi32>
        %gather3A_954 = tpu.dynamic_gather %min3A_941[%gather3A_953] in [0] : vector<16xf32>, vector<16xi32> -> vector<16xf32>
        %min3A_955 = arith.minimumf %min3A_941, %gather3A_954 : vector<16xf32>
        %eq3A_956 = arith.constant 11 : i32
        %eq3A_957 = vector.broadcast %eq3A_956 : i32 to vector<16xi32>
        %eq3A_958 = arith.cmpi eq, %iota3A, %eq3A_957 : vector<16xi32>
        %slice3A_959 = vector.extract_strided_slice %get3A_93 {offsets = [11], sizes = [1], strides = [1]} : vector<16xf32> to vector<1xf32>
        %squeeze3A_960 = vector.extract %slice3A_959[0] : f32 from vector<1xf32>
        %add3A_961 = vector.broadcast %squeeze3A_960 : f32 to vector<16xf32>
        %add3A_962 = arith.addf %min3A_955, %add3A_961 : vector<16xf32>
        %select_n3A_963 = arith.select %eq3A_958, %add3A_962, %select_n3A_899 : vector<16xi1>, vector<16xf32>
        %xor3A_964 = arith.constant 8 : i32
        %xor3A_965 = vector.broadcast %xor3A_964 : i32 to vector<16xi32>
        %xor3A_966 = arith.xori %iota3A, %xor3A_965 : vector<16xi32>
        %lt3A_967 = arith.constant 0 : i32
        %lt3A_968 = vector.broadcast %lt3A_967 : i32 to vector<16xi32>
        %lt3A_969 = arith.cmpi slt, %xor3A_966, %lt3A_968 : vector<16xi32>
        %add3A_970 = arith.constant 16 : i32
        %add3A_971 = vector.broadcast %add3A_970 : i32 to vector<16xi32>
        %add3A_972 = arith.addi %xor3A_966, %add3A_971 : vector<16xi32>
        %select_n3A_973 = arith.select %lt3A_969, %add3A_972, %xor3A_966 : vector<16xi1>, vector<16xi32>
        %broadcast_in_dim3A_974 = vector.shape_cast %select_n3A_973 : vector<16xi32> to vector<16x1xi32>
        %gather3A_975 = vector.shape_cast %broadcast_in_dim3A_974 : vector<16x1xi32> to vector<16xi32>
        %gather3A_976 = tpu.dynamic_gather %scan3A_706#4[%gather3A_975] in [0] : vector<16xf32>, vector<16xi32> -> vector<16xf32>
        %min3A_977 = arith.minimumf %scan3A_706#4, %gather3A_976 : vector<16xf32>
        %xor3A_978 = arith.constant 4 : i32
        %xor3A_979 = vector.broadcast %xor3A_978 : i32 to vector<16xi32>
        %xor3A_980 = arith.xori %iota3A, %xor3A_979 : vector<16xi32>
        %lt3A_981 = arith.constant 0 : i32
        %lt3A_982 = vector.broadcast %lt3A_981 : i32 to vector<16xi32>
        %lt3A_983 = arith.cmpi slt, %xor3A_980, %lt3A_982 : vector<16xi32>
        %add3A_984 = arith.constant 16 : i32
        %add3A_985 = vector.broadcast %add3A_984 : i32 to vector<16xi32>
        %add3A_986 = arith.addi %xor3A_980, %add3A_985 : vector<16xi32>
        %select_n3A_987 = arith.select %lt3A_983, %add3A_986, %xor3A_980 : vector<16xi1>, vector<16xi32>
        %broadcast_in_dim3A_988 = vector.shape_cast %select_n3A_987 : vector<16xi32> to vector<16x1xi32>
        %gather3A_989 = vector.shape_cast %broadcast_in_dim3A_988 : vector<16x1xi32> to vector<16xi32>
        %gather3A_990 = tpu.dynamic_gather %min3A_977[%gather3A_989] in [0] : vector<16xf32>, vector<16xi32> -> vector<16xf32>
        %min3A_991 = arith.minimumf %min3A_977, %gather3A_990 : vector<16xf32>
        %xor3A_992 = arith.constant 2 : i32
        %xor3A_993 = vector.broadcast %xor3A_992 : i32 to vector<16xi32>
        %xor3A_994 = arith.xori %iota3A, %xor3A_993 : vector<16xi32>
        %lt3A_995 = arith.constant 0 : i32
        %lt3A_996 = vector.broadcast %lt3A_995 : i32 to vector<16xi32>
        %lt3A_997 = arith.cmpi slt, %xor3A_994, %lt3A_996 : vector<16xi32>
        %add3A_998 = arith.constant 16 : i32
        %add3A_999 = vector.broadcast %add3A_998 : i32 to vector<16xi32>
        %add3A_1000 = arith.addi %xor3A_994, %add3A_999 : vector<16xi32>
        %select_n3A_1001 = arith.select %lt3A_997, %add3A_1000, %xor3A_994 : vector<16xi1>, vector<16xi32>
        %broadcast_in_dim3A_1002 = vector.shape_cast %select_n3A_1001 : vector<16xi32> to vector<16x1xi32>
        %gather3A_1003 = vector.shape_cast %broadcast_in_dim3A_1002 : vector<16x1xi32> to vector<16xi32>
        %gather3A_1004 = tpu.dynamic_gather %min3A_991[%gather3A_1003] in [0] : vector<16xf32>, vector<16xi32> -> vector<16xf32>
        %min3A_1005 = arith.minimumf %min3A_991, %gather3A_1004 : vector<16xf32>
        %xor3A_1006 = arith.constant 1 : i32
        %xor3A_1007 = vector.broadcast %xor3A_1006 : i32 to vector<16xi32>
        %xor3A_1008 = arith.xori %iota3A, %xor3A_1007 : vector<16xi32>
        %lt3A_1009 = arith.constant 0 : i32
        %lt3A_1010 = vector.broadcast %lt3A_1009 : i32 to vector<16xi32>
        %lt3A_1011 = arith.cmpi slt, %xor3A_1008, %lt3A_1010 : vector<16xi32>
        %add3A_1012 = arith.constant 16 : i32
        %add3A_1013 = vector.broadcast %add3A_1012 : i32 to vector<16xi32>
        %add3A_1014 = arith.addi %xor3A_1008, %add3A_1013 : vector<16xi32>
        %select_n3A_1015 = arith.select %lt3A_1011, %add3A_1014, %xor3A_1008 : vector<16xi1>, vector<16xi32>
        %broadcast_in_dim3A_1016 = vector.shape_cast %select_n3A_1015 : vector<16xi32> to vector<16x1xi32>
        %gather3A_1017 = vector.shape_cast %broadcast_in_dim3A_1016 : vector<16x1xi32> to vector<16xi32>
        %gather3A_1018 = tpu.dynamic_gather %min3A_1005[%gather3A_1017] in [0] : vector<16xf32>, vector<16xi32> -> vector<16xf32>
        %min3A_1019 = arith.minimumf %min3A_1005, %gather3A_1018 : vector<16xf32>
        %eq3A_1020 = arith.constant 12 : i32
        %eq3A_1021 = vector.broadcast %eq3A_1020 : i32 to vector<16xi32>
        %eq3A_1022 = arith.cmpi eq, %iota3A, %eq3A_1021 : vector<16xi32>
        %slice3A_1023 = vector.extract_strided_slice %get3A_93 {offsets = [12], sizes = [1], strides = [1]} : vector<16xf32> to vector<1xf32>
        %squeeze3A_1024 = vector.extract %slice3A_1023[0] : f32 from vector<1xf32>
        %add3A_1025 = vector.broadcast %squeeze3A_1024 : f32 to vector<16xf32>
        %add3A_1026 = arith.addf %min3A_1019, %add3A_1025 : vector<16xf32>
        %select_n3A_1027 = arith.select %eq3A_1022, %add3A_1026, %select_n3A_963 : vector<16xi1>, vector<16xf32>
        %xor3A_1028 = arith.constant 8 : i32
        %xor3A_1029 = vector.broadcast %xor3A_1028 : i32 to vector<16xi32>
        %xor3A_1030 = arith.xori %iota3A, %xor3A_1029 : vector<16xi32>
        %lt3A_1031 = arith.constant 0 : i32
        %lt3A_1032 = vector.broadcast %lt3A_1031 : i32 to vector<16xi32>
        %lt3A_1033 = arith.cmpi slt, %xor3A_1030, %lt3A_1032 : vector<16xi32>
        %add3A_1034 = arith.constant 16 : i32
        %add3A_1035 = vector.broadcast %add3A_1034 : i32 to vector<16xi32>
        %add3A_1036 = arith.addi %xor3A_1030, %add3A_1035 : vector<16xi32>
        %select_n3A_1037 = arith.select %lt3A_1033, %add3A_1036, %xor3A_1030 : vector<16xi1>, vector<16xi32>
        %broadcast_in_dim3A_1038 = vector.shape_cast %select_n3A_1037 : vector<16xi32> to vector<16x1xi32>
        %gather3A_1039 = vector.shape_cast %broadcast_in_dim3A_1038 : vector<16x1xi32> to vector<16xi32>
        %gather3A_1040 = tpu.dynamic_gather %scan3A_706#5[%gather3A_1039] in [0] : vector<16xf32>, vector<16xi32> -> vector<16xf32>
        %min3A_1041 = arith.minimumf %scan3A_706#5, %gather3A_1040 : vector<16xf32>
        %xor3A_1042 = arith.constant 4 : i32
        %xor3A_1043 = vector.broadcast %xor3A_1042 : i32 to vector<16xi32>
        %xor3A_1044 = arith.xori %iota3A, %xor3A_1043 : vector<16xi32>
        %lt3A_1045 = arith.constant 0 : i32
        %lt3A_1046 = vector.broadcast %lt3A_1045 : i32 to vector<16xi32>
        %lt3A_1047 = arith.cmpi slt, %xor3A_1044, %lt3A_1046 : vector<16xi32>
        %add3A_1048 = arith.constant 16 : i32
        %add3A_1049 = vector.broadcast %add3A_1048 : i32 to vector<16xi32>
        %add3A_1050 = arith.addi %xor3A_1044, %add3A_1049 : vector<16xi32>
        %select_n3A_1051 = arith.select %lt3A_1047, %add3A_1050, %xor3A_1044 : vector<16xi1>, vector<16xi32>
        %broadcast_in_dim3A_1052 = vector.shape_cast %select_n3A_1051 : vector<16xi32> to vector<16x1xi32>
        %gather3A_1053 = vector.shape_cast %broadcast_in_dim3A_1052 : vector<16x1xi32> to vector<16xi32>
        %gather3A_1054 = tpu.dynamic_gather %min3A_1041[%gather3A_1053] in [0] : vector<16xf32>, vector<16xi32> -> vector<16xf32>
        %min3A_1055 = arith.minimumf %min3A_1041, %gather3A_1054 : vector<16xf32>
        %xor3A_1056 = arith.constant 2 : i32
        %xor3A_1057 = vector.broadcast %xor3A_1056 : i32 to vector<16xi32>
        %xor3A_1058 = arith.xori %iota3A, %xor3A_1057 : vector<16xi32>
        %lt3A_1059 = arith.constant 0 : i32
        %lt3A_1060 = vector.broadcast %lt3A_1059 : i32 to vector<16xi32>
        %lt3A_1061 = arith.cmpi slt, %xor3A_1058, %lt3A_1060 : vector<16xi32>
        %add3A_1062 = arith.constant 16 : i32
        %add3A_1063 = vector.broadcast %add3A_1062 : i32 to vector<16xi32>
        %add3A_1064 = arith.addi %xor3A_1058, %add3A_1063 : vector<16xi32>
        %select_n3A_1065 = arith.select %lt3A_1061, %add3A_1064, %xor3A_1058 : vector<16xi1>, vector<16xi32>
        %broadcast_in_dim3A_1066 = vector.shape_cast %select_n3A_1065 : vector<16xi32> to vector<16x1xi32>
        %gather3A_1067 = vector.shape_cast %broadcast_in_dim3A_1066 : vector<16x1xi32> to vector<16xi32>
        %gather3A_1068 = tpu.dynamic_gather %min3A_1055[%gather3A_1067] in [0] : vector<16xf32>, vector<16xi32> -> vector<16xf32>
        %min3A_1069 = arith.minimumf %min3A_1055, %gather3A_1068 : vector<16xf32>
        %xor3A_1070 = arith.constant 1 : i32
        %xor3A_1071 = vector.broadcast %xor3A_1070 : i32 to vector<16xi32>
        %xor3A_1072 = arith.xori %iota3A, %xor3A_1071 : vector<16xi32>
        %lt3A_1073 = arith.constant 0 : i32
        %lt3A_1074 = vector.broadcast %lt3A_1073 : i32 to vector<16xi32>
        %lt3A_1075 = arith.cmpi slt, %xor3A_1072, %lt3A_1074 : vector<16xi32>
        %add3A_1076 = arith.constant 16 : i32
        %add3A_1077 = vector.broadcast %add3A_1076 : i32 to vector<16xi32>
        %add3A_1078 = arith.addi %xor3A_1072, %add3A_1077 : vector<16xi32>
        %select_n3A_1079 = arith.select %lt3A_1075, %add3A_1078, %xor3A_1072 : vector<16xi1>, vector<16xi32>
        %broadcast_in_dim3A_1080 = vector.shape_cast %select_n3A_1079 : vector<16xi32> to vector<16x1xi32>
        %gather3A_1081 = vector.shape_cast %broadcast_in_dim3A_1080 : vector<16x1xi32> to vector<16xi32>
        %gather3A_1082 = tpu.dynamic_gather %min3A_1069[%gather3A_1081] in [0] : vector<16xf32>, vector<16xi32> -> vector<16xf32>
        %min3A_1083 = arith.minimumf %min3A_1069, %gather3A_1082 : vector<16xf32>
        %eq3A_1084 = arith.constant 13 : i32
        %eq3A_1085 = vector.broadcast %eq3A_1084 : i32 to vector<16xi32>
        %eq3A_1086 = arith.cmpi eq, %iota3A, %eq3A_1085 : vector<16xi32>
        %slice3A_1087 = vector.extract_strided_slice %get3A_93 {offsets = [13], sizes = [1], strides = [1]} : vector<16xf32> to vector<1xf32>
        %squeeze3A_1088 = vector.extract %slice3A_1087[0] : f32 from vector<1xf32>
        %add3A_1089 = vector.broadcast %squeeze3A_1088 : f32 to vector<16xf32>
        %add3A_1090 = arith.addf %min3A_1083, %add3A_1089 : vector<16xf32>
        %select_n3A_1091 = arith.select %eq3A_1086, %add3A_1090, %select_n3A_1027 : vector<16xi1>, vector<16xf32>
        %xor3A_1092 = arith.constant 8 : i32
        %xor3A_1093 = vector.broadcast %xor3A_1092 : i32 to vector<16xi32>
        %xor3A_1094 = arith.xori %iota3A, %xor3A_1093 : vector<16xi32>
        %lt3A_1095 = arith.constant 0 : i32
        %lt3A_1096 = vector.broadcast %lt3A_1095 : i32 to vector<16xi32>
        %lt3A_1097 = arith.cmpi slt, %xor3A_1094, %lt3A_1096 : vector<16xi32>
        %add3A_1098 = arith.constant 16 : i32
        %add3A_1099 = vector.broadcast %add3A_1098 : i32 to vector<16xi32>
        %add3A_1100 = arith.addi %xor3A_1094, %add3A_1099 : vector<16xi32>
        %select_n3A_1101 = arith.select %lt3A_1097, %add3A_1100, %xor3A_1094 : vector<16xi1>, vector<16xi32>
        %broadcast_in_dim3A_1102 = vector.shape_cast %select_n3A_1101 : vector<16xi32> to vector<16x1xi32>
        %gather3A_1103 = vector.shape_cast %broadcast_in_dim3A_1102 : vector<16x1xi32> to vector<16xi32>
        %gather3A_1104 = tpu.dynamic_gather %scan3A_706#6[%gather3A_1103] in [0] : vector<16xf32>, vector<16xi32> -> vector<16xf32>
        %min3A_1105 = arith.minimumf %scan3A_706#6, %gather3A_1104 : vector<16xf32>
        %xor3A_1106 = arith.constant 4 : i32
        %xor3A_1107 = vector.broadcast %xor3A_1106 : i32 to vector<16xi32>
        %xor3A_1108 = arith.xori %iota3A, %xor3A_1107 : vector<16xi32>
        %lt3A_1109 = arith.constant 0 : i32
        %lt3A_1110 = vector.broadcast %lt3A_1109 : i32 to vector<16xi32>
        %lt3A_1111 = arith.cmpi slt, %xor3A_1108, %lt3A_1110 : vector<16xi32>
        %add3A_1112 = arith.constant 16 : i32
        %add3A_1113 = vector.broadcast %add3A_1112 : i32 to vector<16xi32>
        %add3A_1114 = arith.addi %xor3A_1108, %add3A_1113 : vector<16xi32>
        %select_n3A_1115 = arith.select %lt3A_1111, %add3A_1114, %xor3A_1108 : vector<16xi1>, vector<16xi32>
        %broadcast_in_dim3A_1116 = vector.shape_cast %select_n3A_1115 : vector<16xi32> to vector<16x1xi32>
        %gather3A_1117 = vector.shape_cast %broadcast_in_dim3A_1116 : vector<16x1xi32> to vector<16xi32>
        %gather3A_1118 = tpu.dynamic_gather %min3A_1105[%gather3A_1117] in [0] : vector<16xf32>, vector<16xi32> -> vector<16xf32>
        %min3A_1119 = arith.minimumf %min3A_1105, %gather3A_1118 : vector<16xf32>
        %xor3A_1120 = arith.constant 2 : i32
        %xor3A_1121 = vector.broadcast %xor3A_1120 : i32 to vector<16xi32>
        %xor3A_1122 = arith.xori %iota3A, %xor3A_1121 : vector<16xi32>
        %lt3A_1123 = arith.constant 0 : i32
        %lt3A_1124 = vector.broadcast %lt3A_1123 : i32 to vector<16xi32>
        %lt3A_1125 = arith.cmpi slt, %xor3A_1122, %lt3A_1124 : vector<16xi32>
        %add3A_1126 = arith.constant 16 : i32
        %add3A_1127 = vector.broadcast %add3A_1126 : i32 to vector<16xi32>
        %add3A_1128 = arith.addi %xor3A_1122, %add3A_1127 : vector<16xi32>
        %select_n3A_1129 = arith.select %lt3A_1125, %add3A_1128, %xor3A_1122 : vector<16xi1>, vector<16xi32>
        %broadcast_in_dim3A_1130 = vector.shape_cast %select_n3A_1129 : vector<16xi32> to vector<16x1xi32>
        %gather3A_1131 = vector.shape_cast %broadcast_in_dim3A_1130 : vector<16x1xi32> to vector<16xi32>
        %gather3A_1132 = tpu.dynamic_gather %min3A_1119[%gather3A_1131] in [0] : vector<16xf32>, vector<16xi32> -> vector<16xf32>
        %min3A_1133 = arith.minimumf %min3A_1119, %gather3A_1132 : vector<16xf32>
        %xor3A_1134 = arith.constant 1 : i32
        %xor3A_1135 = vector.broadcast %xor3A_1134 : i32 to vector<16xi32>
        %xor3A_1136 = arith.xori %iota3A, %xor3A_1135 : vector<16xi32>
        %lt3A_1137 = arith.constant 0 : i32
        %lt3A_1138 = vector.broadcast %lt3A_1137 : i32 to vector<16xi32>
        %lt3A_1139 = arith.cmpi slt, %xor3A_1136, %lt3A_1138 : vector<16xi32>
        %add3A_1140 = arith.constant 16 : i32
        %add3A_1141 = vector.broadcast %add3A_1140 : i32 to vector<16xi32>
        %add3A_1142 = arith.addi %xor3A_1136, %add3A_1141 : vector<16xi32>
        %select_n3A_1143 = arith.select %lt3A_1139, %add3A_1142, %xor3A_1136 : vector<16xi1>, vector<16xi32>
        %broadcast_in_dim3A_1144 = vector.shape_cast %select_n3A_1143 : vector<16xi32> to vector<16x1xi32>
        %gather3A_1145 = vector.shape_cast %broadcast_in_dim3A_1144 : vector<16x1xi32> to vector<16xi32>
        %gather3A_1146 = tpu.dynamic_gather %min3A_1133[%gather3A_1145] in [0] : vector<16xf32>, vector<16xi32> -> vector<16xf32>
        %min3A_1147 = arith.minimumf %min3A_1133, %gather3A_1146 : vector<16xf32>
        %eq3A_1148 = arith.constant 14 : i32
        %eq3A_1149 = vector.broadcast %eq3A_1148 : i32 to vector<16xi32>
        %eq3A_1150 = arith.cmpi eq, %iota3A, %eq3A_1149 : vector<16xi32>
        %slice3A_1151 = vector.extract_strided_slice %get3A_93 {offsets = [14], sizes = [1], strides = [1]} : vector<16xf32> to vector<1xf32>
        %squeeze3A_1152 = vector.extract %slice3A_1151[0] : f32 from vector<1xf32>
        %add3A_1153 = vector.broadcast %squeeze3A_1152 : f32 to vector<16xf32>
        %add3A_1154 = arith.addf %min3A_1147, %add3A_1153 : vector<16xf32>
        %select_n3A_1155 = arith.select %eq3A_1150, %add3A_1154, %select_n3A_1091 : vector<16xi1>, vector<16xf32>
        %xor3A_1156 = arith.constant 8 : i32
        %xor3A_1157 = vector.broadcast %xor3A_1156 : i32 to vector<16xi32>
        %xor3A_1158 = arith.xori %iota3A, %xor3A_1157 : vector<16xi32>
        %lt3A_1159 = arith.constant 0 : i32
        %lt3A_1160 = vector.broadcast %lt3A_1159 : i32 to vector<16xi32>
        %lt3A_1161 = arith.cmpi slt, %xor3A_1158, %lt3A_1160 : vector<16xi32>
        %add3A_1162 = arith.constant 16 : i32
        %add3A_1163 = vector.broadcast %add3A_1162 : i32 to vector<16xi32>
        %add3A_1164 = arith.addi %xor3A_1158, %add3A_1163 : vector<16xi32>
        %select_n3A_1165 = arith.select %lt3A_1161, %add3A_1164, %xor3A_1158 : vector<16xi1>, vector<16xi32>
        %broadcast_in_dim3A_1166 = vector.shape_cast %select_n3A_1165 : vector<16xi32> to vector<16x1xi32>
        %gather3A_1167 = vector.shape_cast %broadcast_in_dim3A_1166 : vector<16x1xi32> to vector<16xi32>
        %gather3A_1168 = tpu.dynamic_gather %scan3A_706#7[%gather3A_1167] in [0] : vector<16xf32>, vector<16xi32> -> vector<16xf32>
        %min3A_1169 = arith.minimumf %scan3A_706#7, %gather3A_1168 : vector<16xf32>
        %xor3A_1170 = arith.constant 4 : i32
        %xor3A_1171 = vector.broadcast %xor3A_1170 : i32 to vector<16xi32>
        %xor3A_1172 = arith.xori %iota3A, %xor3A_1171 : vector<16xi32>
        %lt3A_1173 = arith.constant 0 : i32
        %lt3A_1174 = vector.broadcast %lt3A_1173 : i32 to vector<16xi32>
        %lt3A_1175 = arith.cmpi slt, %xor3A_1172, %lt3A_1174 : vector<16xi32>
        %add3A_1176 = arith.constant 16 : i32
        %add3A_1177 = vector.broadcast %add3A_1176 : i32 to vector<16xi32>
        %add3A_1178 = arith.addi %xor3A_1172, %add3A_1177 : vector<16xi32>
        %select_n3A_1179 = arith.select %lt3A_1175, %add3A_1178, %xor3A_1172 : vector<16xi1>, vector<16xi32>
        %broadcast_in_dim3A_1180 = vector.shape_cast %select_n3A_1179 : vector<16xi32> to vector<16x1xi32>
        %gather3A_1181 = vector.shape_cast %broadcast_in_dim3A_1180 : vector<16x1xi32> to vector<16xi32>
        %gather3A_1182 = tpu.dynamic_gather %min3A_1169[%gather3A_1181] in [0] : vector<16xf32>, vector<16xi32> -> vector<16xf32>
        %min3A_1183 = arith.minimumf %min3A_1169, %gather3A_1182 : vector<16xf32>
        %xor3A_1184 = arith.constant 2 : i32
        %xor3A_1185 = vector.broadcast %xor3A_1184 : i32 to vector<16xi32>
        %xor3A_1186 = arith.xori %iota3A, %xor3A_1185 : vector<16xi32>
        %lt3A_1187 = arith.constant 0 : i32
        %lt3A_1188 = vector.broadcast %lt3A_1187 : i32 to vector<16xi32>
        %lt3A_1189 = arith.cmpi slt, %xor3A_1186, %lt3A_1188 : vector<16xi32>
        %add3A_1190 = arith.constant 16 : i32
        %add3A_1191 = vector.broadcast %add3A_1190 : i32 to vector<16xi32>
        %add3A_1192 = arith.addi %xor3A_1186, %add3A_1191 : vector<16xi32>
        %select_n3A_1193 = arith.select %lt3A_1189, %add3A_1192, %xor3A_1186 : vector<16xi1>, vector<16xi32>
        %broadcast_in_dim3A_1194 = vector.shape_cast %select_n3A_1193 : vector<16xi32> to vector<16x1xi32>
        %gather3A_1195 = vector.shape_cast %broadcast_in_dim3A_1194 : vector<16x1xi32> to vector<16xi32>
        %gather3A_1196 = tpu.dynamic_gather %min3A_1183[%gather3A_1195] in [0] : vector<16xf32>, vector<16xi32> -> vector<16xf32>
        %min3A_1197 = arith.minimumf %min3A_1183, %gather3A_1196 : vector<16xf32>
        %xor3A_1198 = arith.constant 1 : i32
        %xor3A_1199 = vector.broadcast %xor3A_1198 : i32 to vector<16xi32>
        %xor3A_1200 = arith.xori %iota3A, %xor3A_1199 : vector<16xi32>
        %lt3A_1201 = arith.constant 0 : i32
        %lt3A_1202 = vector.broadcast %lt3A_1201 : i32 to vector<16xi32>
        %lt3A_1203 = arith.cmpi slt, %xor3A_1200, %lt3A_1202 : vector<16xi32>
        %add3A_1204 = arith.constant 16 : i32
        %add3A_1205 = vector.broadcast %add3A_1204 : i32 to vector<16xi32>
        %add3A_1206 = arith.addi %xor3A_1200, %add3A_1205 : vector<16xi32>
        %select_n3A_1207 = arith.select %lt3A_1203, %add3A_1206, %xor3A_1200 : vector<16xi1>, vector<16xi32>
        %broadcast_in_dim3A_1208 = vector.shape_cast %select_n3A_1207 : vector<16xi32> to vector<16x1xi32>
        %gather3A_1209 = vector.shape_cast %broadcast_in_dim3A_1208 : vector<16x1xi32> to vector<16xi32>
        %gather3A_1210 = tpu.dynamic_gather %min3A_1197[%gather3A_1209] in [0] : vector<16xf32>, vector<16xi32> -> vector<16xf32>
        %min3A_1211 = arith.minimumf %min3A_1197, %gather3A_1210 : vector<16xf32>
        %eq3A_1212 = arith.constant 15 : i32
        %eq3A_1213 = vector.broadcast %eq3A_1212 : i32 to vector<16xi32>
        %eq3A_1214 = arith.cmpi eq, %iota3A, %eq3A_1213 : vector<16xi32>
        %slice3A_1215 = vector.extract_strided_slice %get3A_93 {offsets = [15], sizes = [1], strides = [1]} : vector<16xf32> to vector<1xf32>
        %squeeze3A_1216 = vector.extract %slice3A_1215[0] : f32 from vector<1xf32>
        %add3A_1217 = vector.broadcast %squeeze3A_1216 : f32 to vector<16xf32>
        %add3A_1218 = arith.addf %min3A_1211, %add3A_1217 : vector<16xf32>
        %select_n3A_1219 = arith.select %eq3A_1214, %add3A_1218, %select_n3A_1155 : vector<16xi1>, vector<16xf32>
        %swap3A = arith.index_cast %mul3A_81 : i32 to index
        %swap3A_1220 = tpu.vector_load %arg23[%swap3A] {strides = array<i32>} : memref<256xf32, #tpu.memory_space<vmem>>, vector<16xf32>,
        %swap3A_1221 = vector.shape_cast %swap3A_1220 : vector<16xf32> to vector<16xf32>
        %swap3A_1222 = vector.shape_cast %select_n3A_1219 : vector<16xf32> to vector<16xf32>
        tpu.vector_store %arg23[%swap3A], %swap3A_1222 {strides = array<i32>} : memref<256xf32, #tpu.memory_space<vmem>>, vector<16xf32>,
      }
      %scan3A_75 = arith.constant 16 : i32
      %mul3A_76 = arith.constant 8192 : i32
      %mul3A_77 = arith.muli %scan3A_8, %mul3A_76 : i32
      %add3A_78 = arith.addi %mul3A_77, %mul3A_2 : i32
      "tpu.region"() ({
        %run_scoped3A = tpu.sem_alloc : memref<!tpu.dma_semaphore, #tpu.memory_space<semaphore_mem>>
        %dma_start3A = tpu.memref_slice %arg6[%add3A_78] : memref<49152xf32, #tpu.memory_space<hbm>> -> memref<256xf32, #tpu.memory_space<hbm>>
        %dma_start3A_79 = tpu.memref_slice %arg6[%add3A_78] : memref<49152xf32, #tpu.memory_space<hbm>> -> memref<256xf32, #tpu.memory_space<hbm>>
        tpu.enqueue_dma source(%arg23 : memref<256xf32, #tpu.memory_space<vmem>>) target(%dma_start3A_79 : memref<256xf32, #tpu.memory_space<hbm>>) target_semaphore(%run_scoped3A : memref<!tpu.dma_semaphore, #tpu.memory_space<semaphore_mem>>)
        %dma_wait3A = tpu.memref_slice %arg6[%add3A_78] : memref<49152xf32, #tpu.memory_space<hbm>> -> memref<256xf32, #tpu.memory_space<hbm>>
        %dma_wait3A_80 = tpu.memref_slice %arg6[%add3A_78] : memref<49152xf32, #tpu.memory_space<hbm>> -> memref<256xf32, #tpu.memory_space<hbm>>
        tpu.wait_dma2 semaphore(%run_scoped3A : memref<!tpu.dma_semaphore, #tpu.memory_space<semaphore_mem>>) src(%arg23 : memref<256xf32, #tpu.memory_space<vmem>>) dst(%dma_wait3A_80 : memref<256xf32, #tpu.memory_space<hbm>>)
        tpu.yield
      }) : () -> ()
    }
    %scan3A_7 = arith.constant 6 : i32
    return
  }
}

module attributes {stable_mosaic.version = 14 : i64} {
  func.func @_tc_body(%arg0: i32, %arg1: i32, %arg2: memref<6x12xf32, #tpu.memory_space<smem>>, %arg3: memref<6x12xf32, #tpu.memory_space<smem>>, %arg4: memref<1x3x8192xf32, #tpu.memory_space<vmem>>, %arg5: memref<1x3x7104xf32, #tpu.memory_space<vmem>>, %arg6: memref<6x8192xf32, #tpu.memory_space<vmem>>, %arg7: memref<4x7104xf32, #tpu.memory_space<vmem>>) attributes {dimension_semantics = [#tpu.dimension_semantics<arbitrary>, #tpu.dimension_semantics<arbitrary>], iteration_bounds = array<i64: 6, 1>, scalar_prefetch = 0 : i64, scratch_operands = 1 : i64, tpu.core_type = #tpu.core_type<tc>, window_params = [{transform_indices = @transform_0, window_bounds = array<i64: 6, 12>}, {transform_indices = @transform_1, window_bounds = array<i64: 6, 12>}, {transform_indices = @transform_2, window_bounds = array<i64: 1, 3, 8192>}, {transform_indices = @transform_3, window_bounds = array<i64: 1, 3, 7104>}, {pipeline_mode = #tpu.pipeline_mode<synchronous>, transform_indices = @transform_4, window_bounds = array<i64: 6, 8192>}]} {
    %eq3A = arith.constant 0 : i32
    %eq3A_0 = arith.cmpi eq, %arg1, %eq3A : i32
    %convert_element_type3A = arith.extui %eq3A_0 : i1 to i32
    %cond3A = arith.constant 0 : i32
    %cond3A_1 = arith.cmpi ne, %convert_element_type3A, %cond3A : i32
    scf.if %cond3A_1 {
      %get3A_195 = arith.constant 0 : index
      %get3A_196 = arith.constant 0 : index
      %get3A_197 = arith.constant 0 : index
      %get3A_198 = vector.load %arg5[%get3A_195, %get3A_196, %get3A_197] : memref<1x3x7104xf32, #tpu.memory_space<vmem>>, vector<1x1x7104xf32>
      %get3A_199 = vector.shape_cast %get3A_198 : vector<1x1x7104xf32> to vector<1x7104xf32>
      %get3A_200 = arith.constant 0 : index
      %get3A_201 = arith.constant 1 : index
      %get3A_202 = arith.constant 0 : index
      %get3A_203 = vector.load %arg5[%get3A_200, %get3A_201, %get3A_202] : memref<1x3x7104xf32, #tpu.memory_space<vmem>>, vector<1x1x7104xf32>
      %get3A_204 = vector.shape_cast %get3A_203 : vector<1x1x7104xf32> to vector<1x7104xf32>
      %get3A_205 = arith.constant 0 : index
      %get3A_206 = arith.constant 2 : index
      %get3A_207 = arith.constant 0 : index
      %get3A_208 = vector.load %arg5[%get3A_205, %get3A_206, %get3A_207] : memref<1x3x7104xf32, #tpu.memory_space<vmem>>, vector<1x1x7104xf32>
      %get3A_209 = vector.shape_cast %get3A_208 : vector<1x1x7104xf32> to vector<1x7104xf32>
      %get3A_210 = arith.index_cast %arg0 : i32 to index
      %get3A_211 = arith.constant 0 : index
      %get3A_212 = memref.load %arg3[%get3A_210, %get3A_211] : memref<6x12xf32, #tpu.memory_space<smem>>
      %mul3A_213 = vector.broadcast %get3A_212 : f32 to vector<1x7104xf32>
      %mul3A_214 = arith.mulf %mul3A_213, %get3A_199 : vector<1x7104xf32>
      %get3A_215 = arith.index_cast %arg0 : i32 to index
      %get3A_216 = arith.constant 1 : index
      %get3A_217 = memref.load %arg3[%get3A_215, %get3A_216] : memref<6x12xf32, #tpu.memory_space<smem>>
      %mul3A_218 = vector.broadcast %get3A_217 : f32 to vector<1x7104xf32>
      %mul3A_219 = arith.mulf %mul3A_218, %get3A_204 : vector<1x7104xf32>
      %add3A_220 = arith.addf %mul3A_214, %mul3A_219 : vector<1x7104xf32>
      %get3A_221 = arith.index_cast %arg0 : i32 to index
      %get3A_222 = arith.constant 2 : index
      %get3A_223 = memref.load %arg3[%get3A_221, %get3A_222] : memref<6x12xf32, #tpu.memory_space<smem>>
      %mul3A_224 = vector.broadcast %get3A_223 : f32 to vector<1x7104xf32>
      %mul3A_225 = arith.mulf %mul3A_224, %get3A_209 : vector<1x7104xf32>
      %add3A_226 = arith.addf %add3A_220, %mul3A_225 : vector<1x7104xf32>
      %get3A_227 = arith.index_cast %arg0 : i32 to index
      %get3A_228 = arith.constant 3 : index
      %get3A_229 = memref.load %arg3[%get3A_227, %get3A_228] : memref<6x12xf32, #tpu.memory_space<smem>>
      %add3A_230 = vector.broadcast %get3A_229 : f32 to vector<1x7104xf32>
      %add3A_231 = arith.addf %add3A_226, %add3A_230 : vector<1x7104xf32>
      %get3A_232 = arith.index_cast %arg0 : i32 to index
      %get3A_233 = arith.constant 4 : index
      %get3A_234 = memref.load %arg3[%get3A_232, %get3A_233] : memref<6x12xf32, #tpu.memory_space<smem>>
      %mul3A_235 = vector.broadcast %get3A_234 : f32 to vector<1x7104xf32>
      %mul3A_236 = arith.mulf %mul3A_235, %get3A_199 : vector<1x7104xf32>
      %get3A_237 = arith.index_cast %arg0 : i32 to index
      %get3A_238 = arith.constant 5 : index
      %get3A_239 = memref.load %arg3[%get3A_237, %get3A_238] : memref<6x12xf32, #tpu.memory_space<smem>>
      %mul3A_240 = vector.broadcast %get3A_239 : f32 to vector<1x7104xf32>
      %mul3A_241 = arith.mulf %mul3A_240, %get3A_204 : vector<1x7104xf32>
      %add3A_242 = arith.addf %mul3A_236, %mul3A_241 : vector<1x7104xf32>
      %get3A_243 = arith.index_cast %arg0 : i32 to index
      %get3A_244 = arith.constant 6 : index
      %get3A_245 = memref.load %arg3[%get3A_243, %get3A_244] : memref<6x12xf32, #tpu.memory_space<smem>>
      %mul3A_246 = vector.broadcast %get3A_245 : f32 to vector<1x7104xf32>
      %mul3A_247 = arith.mulf %mul3A_246, %get3A_209 : vector<1x7104xf32>
      %add3A_248 = arith.addf %add3A_242, %mul3A_247 : vector<1x7104xf32>
      %get3A_249 = arith.index_cast %arg0 : i32 to index
      %get3A_250 = arith.constant 7 : index
      %get3A_251 = memref.load %arg3[%get3A_249, %get3A_250] : memref<6x12xf32, #tpu.memory_space<smem>>
      %add3A_252 = vector.broadcast %get3A_251 : f32 to vector<1x7104xf32>
      %add3A_253 = arith.addf %add3A_248, %add3A_252 : vector<1x7104xf32>
      %get3A_254 = arith.index_cast %arg0 : i32 to index
      %get3A_255 = arith.constant 8 : index
      %get3A_256 = memref.load %arg3[%get3A_254, %get3A_255] : memref<6x12xf32, #tpu.memory_space<smem>>
      %mul3A_257 = vector.broadcast %get3A_256 : f32 to vector<1x7104xf32>
      %mul3A_258 = arith.mulf %mul3A_257, %get3A_199 : vector<1x7104xf32>
      %get3A_259 = arith.index_cast %arg0 : i32 to index
      %get3A_260 = arith.constant 9 : index
      %get3A_261 = memref.load %arg3[%get3A_259, %get3A_260] : memref<6x12xf32, #tpu.memory_space<smem>>
      %mul3A_262 = vector.broadcast %get3A_261 : f32 to vector<1x7104xf32>
      %mul3A_263 = arith.mulf %mul3A_262, %get3A_204 : vector<1x7104xf32>
      %add3A_264 = arith.addf %mul3A_258, %mul3A_263 : vector<1x7104xf32>
      %get3A_265 = arith.index_cast %arg0 : i32 to index
      %get3A_266 = arith.constant 10 : index
      %get3A_267 = memref.load %arg3[%get3A_265, %get3A_266] : memref<6x12xf32, #tpu.memory_space<smem>>
      %mul3A_268 = vector.broadcast %get3A_267 : f32 to vector<1x7104xf32>
      %mul3A_269 = arith.mulf %mul3A_268, %get3A_209 : vector<1x7104xf32>
      %add3A_270 = arith.addf %add3A_264, %mul3A_269 : vector<1x7104xf32>
      %get3A_271 = arith.index_cast %arg0 : i32 to index
      %get3A_272 = arith.constant 11 : index
      %get3A_273 = memref.load %arg3[%get3A_271, %get3A_272] : memref<6x12xf32, #tpu.memory_space<smem>>
      %add3A_274 = vector.broadcast %get3A_273 : f32 to vector<1x7104xf32>
      %add3A_275 = arith.addf %add3A_270, %add3A_274 : vector<1x7104xf32>
      %mul3A_276 = arith.constant -2.000000e+00 : f32
      %mul3A_277 = vector.broadcast %mul3A_276 : f32 to vector<1x7104xf32>
      %mul3A_278 = arith.mulf %mul3A_277, %add3A_231 : vector<1x7104xf32>
      %swap3A_279 = arith.constant 0 : index
      %swap3A_280 = arith.constant 0 : index
      %swap3A_281 = vector.load %arg7[%swap3A_279, %swap3A_280] : memref<4x7104xf32, #tpu.memory_space<vmem>>, vector<1x7104xf32>
      tpu.vector_store %arg7[%swap3A_279, %swap3A_280], %mul3A_278 {strides = array<i32>} : memref<4x7104xf32, #tpu.memory_space<vmem>>, vector<1x7104xf32>,
      %mul3A_282 = arith.constant -2.000000e+00 : f32
      %mul3A_283 = vector.broadcast %mul3A_282 : f32 to vector<1x7104xf32>
      %mul3A_284 = arith.mulf %mul3A_283, %add3A_253 : vector<1x7104xf32>
      %swap3A_285 = arith.constant 1 : index
      %swap3A_286 = arith.constant 0 : index
      %swap3A_287 = vector.load %arg7[%swap3A_285, %swap3A_286] : memref<4x7104xf32, #tpu.memory_space<vmem>>, vector<1x7104xf32>
      tpu.vector_store %arg7[%swap3A_285, %swap3A_286], %mul3A_284 {strides = array<i32>} : memref<4x7104xf32, #tpu.memory_space<vmem>>, vector<1x7104xf32>,
      %mul3A_288 = arith.constant -2.000000e+00 : f32
      %mul3A_289 = vector.broadcast %mul3A_288 : f32 to vector<1x7104xf32>
      %mul3A_290 = arith.mulf %mul3A_289, %add3A_275 : vector<1x7104xf32>
      %swap3A_291 = arith.constant 2 : index
      %swap3A_292 = arith.constant 0 : index
      %swap3A_293 = vector.load %arg7[%swap3A_291, %swap3A_292] : memref<4x7104xf32, #tpu.memory_space<vmem>>, vector<1x7104xf32>
      tpu.vector_store %arg7[%swap3A_291, %swap3A_292], %mul3A_290 {strides = array<i32>} : memref<4x7104xf32, #tpu.memory_space<vmem>>, vector<1x7104xf32>,
      %mul3A_294 = arith.mulf %add3A_231, %add3A_231 : vector<1x7104xf32>
      %mul3A_295 = arith.mulf %add3A_253, %add3A_253 : vector<1x7104xf32>
      %add3A_296 = arith.addf %mul3A_294, %mul3A_295 : vector<1x7104xf32>
      %mul3A_297 = arith.mulf %add3A_275, %add3A_275 : vector<1x7104xf32>
      %add3A_298 = arith.addf %add3A_296, %mul3A_297 : vector<1x7104xf32>
      %swap3A_299 = arith.constant 3 : index
      %swap3A_300 = arith.constant 0 : index
      %swap3A_301 = vector.load %arg7[%swap3A_299, %swap3A_300] : memref<4x7104xf32, #tpu.memory_space<vmem>>, vector<1x7104xf32>
      tpu.vector_store %arg7[%swap3A_299, %swap3A_300], %add3A_298 {strides = array<i32>} : memref<4x7104xf32, #tpu.memory_space<vmem>>, vector<1x7104xf32>,
    } else {
    }
    %get3A = arith.constant 0 : index
    %get3A_2 = arith.constant 0 : index
    %get3A_3 = arith.constant 0 : index
    %get3A_4 = vector.load %arg4[%get3A, %get3A_2, %get3A_3] : memref<1x3x8192xf32, #tpu.memory_space<vmem>>, vector<1x1x8192xf32>
    %get3A_5 = vector.shape_cast %get3A_4 : vector<1x1x8192xf32> to vector<1x8192xf32>
    %get3A_6 = arith.constant 0 : index
    %get3A_7 = arith.constant 1 : index
    %get3A_8 = arith.constant 0 : index
    %get3A_9 = vector.load %arg4[%get3A_6, %get3A_7, %get3A_8] : memref<1x3x8192xf32, #tpu.memory_space<vmem>>, vector<1x1x8192xf32>
    %get3A_10 = vector.shape_cast %get3A_9 : vector<1x1x8192xf32> to vector<1x8192xf32>
    %get3A_11 = arith.constant 0 : index
    %get3A_12 = arith.constant 2 : index
    %get3A_13 = arith.constant 0 : index
    %get3A_14 = vector.load %arg4[%get3A_11, %get3A_12, %get3A_13] : memref<1x3x8192xf32, #tpu.memory_space<vmem>>, vector<1x1x8192xf32>
    %get3A_15 = vector.shape_cast %get3A_14 : vector<1x1x8192xf32> to vector<1x8192xf32>
    %get3A_16 = arith.index_cast %arg0 : i32 to index
    %get3A_17 = arith.constant 0 : index
    %get3A_18 = memref.load %arg2[%get3A_16, %get3A_17] : memref<6x12xf32, #tpu.memory_space<smem>>
    %mul3A = vector.broadcast %get3A_18 : f32 to vector<1x8192xf32>
    %mul3A_19 = arith.mulf %mul3A, %get3A_5 : vector<1x8192xf32>
    %get3A_20 = arith.index_cast %arg0 : i32 to index
    %get3A_21 = arith.constant 1 : index
    %get3A_22 = memref.load %arg2[%get3A_20, %get3A_21] : memref<6x12xf32, #tpu.memory_space<smem>>
    %mul3A_23 = vector.broadcast %get3A_22 : f32 to vector<1x8192xf32>
    %mul3A_24 = arith.mulf %mul3A_23, %get3A_10 : vector<1x8192xf32>
    %add3A = arith.addf %mul3A_19, %mul3A_24 : vector<1x8192xf32>
    %get3A_25 = arith.index_cast %arg0 : i32 to index
    %get3A_26 = arith.constant 2 : index
    %get3A_27 = memref.load %arg2[%get3A_25, %get3A_26] : memref<6x12xf32, #tpu.memory_space<smem>>
    %mul3A_28 = vector.broadcast %get3A_27 : f32 to vector<1x8192xf32>
    %mul3A_29 = arith.mulf %mul3A_28, %get3A_15 : vector<1x8192xf32>
    %add3A_30 = arith.addf %add3A, %mul3A_29 : vector<1x8192xf32>
    %get3A_31 = arith.index_cast %arg0 : i32 to index
    %get3A_32 = arith.constant 3 : index
    %get3A_33 = memref.load %arg2[%get3A_31, %get3A_32] : memref<6x12xf32, #tpu.memory_space<smem>>
    %add3A_34 = vector.broadcast %get3A_33 : f32 to vector<1x8192xf32>
    %add3A_35 = arith.addf %add3A_30, %add3A_34 : vector<1x8192xf32>
    %get3A_36 = arith.index_cast %arg0 : i32 to index
    %get3A_37 = arith.constant 4 : index
    %get3A_38 = memref.load %arg2[%get3A_36, %get3A_37] : memref<6x12xf32, #tpu.memory_space<smem>>
    %mul3A_39 = vector.broadcast %get3A_38 : f32 to vector<1x8192xf32>
    %mul3A_40 = arith.mulf %mul3A_39, %get3A_5 : vector<1x8192xf32>
    %get3A_41 = arith.index_cast %arg0 : i32 to index
    %get3A_42 = arith.constant 5 : index
    %get3A_43 = memref.load %arg2[%get3A_41, %get3A_42] : memref<6x12xf32, #tpu.memory_space<smem>>
    %mul3A_44 = vector.broadcast %get3A_43 : f32 to vector<1x8192xf32>
    %mul3A_45 = arith.mulf %mul3A_44, %get3A_10 : vector<1x8192xf32>
    %add3A_46 = arith.addf %mul3A_40, %mul3A_45 : vector<1x8192xf32>
    %get3A_47 = arith.index_cast %arg0 : i32 to index
    %get3A_48 = arith.constant 6 : index
    %get3A_49 = memref.load %arg2[%get3A_47, %get3A_48] : memref<6x12xf32, #tpu.memory_space<smem>>
    %mul3A_50 = vector.broadcast %get3A_49 : f32 to vector<1x8192xf32>
    %mul3A_51 = arith.mulf %mul3A_50, %get3A_15 : vector<1x8192xf32>
    %add3A_52 = arith.addf %add3A_46, %mul3A_51 : vector<1x8192xf32>
    %get3A_53 = arith.index_cast %arg0 : i32 to index
    %get3A_54 = arith.constant 7 : index
    %get3A_55 = memref.load %arg2[%get3A_53, %get3A_54] : memref<6x12xf32, #tpu.memory_space<smem>>
    %add3A_56 = vector.broadcast %get3A_55 : f32 to vector<1x8192xf32>
    %add3A_57 = arith.addf %add3A_52, %add3A_56 : vector<1x8192xf32>
    %get3A_58 = arith.index_cast %arg0 : i32 to index
    %get3A_59 = arith.constant 8 : index
    %get3A_60 = memref.load %arg2[%get3A_58, %get3A_59] : memref<6x12xf32, #tpu.memory_space<smem>>
    %mul3A_61 = vector.broadcast %get3A_60 : f32 to vector<1x8192xf32>
    %mul3A_62 = arith.mulf %mul3A_61, %get3A_5 : vector<1x8192xf32>
    %get3A_63 = arith.index_cast %arg0 : i32 to index
    %get3A_64 = arith.constant 9 : index
    %get3A_65 = memref.load %arg2[%get3A_63, %get3A_64] : memref<6x12xf32, #tpu.memory_space<smem>>
    %mul3A_66 = vector.broadcast %get3A_65 : f32 to vector<1x8192xf32>
    %mul3A_67 = arith.mulf %mul3A_66, %get3A_10 : vector<1x8192xf32>
    %add3A_68 = arith.addf %mul3A_62, %mul3A_67 : vector<1x8192xf32>
    %get3A_69 = arith.index_cast %arg0 : i32 to index
    %get3A_70 = arith.constant 10 : index
    %get3A_71 = memref.load %arg2[%get3A_69, %get3A_70] : memref<6x12xf32, #tpu.memory_space<smem>>
    %mul3A_72 = vector.broadcast %get3A_71 : f32 to vector<1x8192xf32>
    %mul3A_73 = arith.mulf %mul3A_72, %get3A_15 : vector<1x8192xf32>
    %add3A_74 = arith.addf %add3A_68, %mul3A_73 : vector<1x8192xf32>
    %get3A_75 = arith.index_cast %arg0 : i32 to index
    %get3A_76 = arith.constant 11 : index
    %get3A_77 = memref.load %arg2[%get3A_75, %get3A_76] : memref<6x12xf32, #tpu.memory_space<smem>>
    %add3A_78 = vector.broadcast %get3A_77 : f32 to vector<1x8192xf32>
    %add3A_79 = arith.addf %add3A_74, %add3A_78 : vector<1x8192xf32>
    %mul3A_80 = arith.mulf %add3A_35, %add3A_35 : vector<1x8192xf32>
    %mul3A_81 = arith.mulf %add3A_57, %add3A_57 : vector<1x8192xf32>
    %add3A_82 = arith.addf %mul3A_80, %mul3A_81 : vector<1x8192xf32>
    %mul3A_83 = arith.mulf %add3A_79, %add3A_79 : vector<1x8192xf32>
    %add3A_84 = arith.addf %add3A_82, %mul3A_83 : vector<1x8192xf32>
    %broadcast_in_dim3A = arith.constant 1.000000e+00 : f32
    %broadcast_in_dim3A_85 = vector.broadcast %broadcast_in_dim3A : f32 to vector<1x8192xf32>
    %concatenate3A = tpu.concatenate %add3A_35, %add3A_57, %add3A_79, %broadcast_in_dim3A_85 in 0 : vector<1x8192xf32>, vector<1x8192xf32>, vector<1x8192xf32>, vector<1x8192xf32> -> vector<4x8192xf32>
    %get3A_86 = arith.constant 0 : index
    %get3A_87 = arith.constant 0 : index
    %get3A_88 = vector.load %arg7[%get3A_86, %get3A_87] : memref<4x7104xf32, #tpu.memory_space<vmem>>, vector<4x592xf32>
    %dot_general3A = arith.constant dense<0.000000e+00> : vector<592x8192xf32>
    %dot_general3A_89 = tpu.matmul %get3A_88, %concatenate3A, %dot_general3A {dimension_numbers = #tpu.dot_dimension_numbers<[0], [0], [1], [1], [0, 1, 1, 1], [], []>, transpose_lhs_hint = false} : vector<4x592xf32>, vector<4x8192xf32>, vector<592x8192xf32> -> vector<592x8192xf32>
    %reduce_min3A = arith.constant dense<0x7F800000> : vector<8192xf32>
    %reduce_min3A_90 = vector.multi_reduction <minimumf>, %dot_general3A_89, %reduce_min3A [0] : vector<592x8192xf32> to vector<8192xf32>
    %broadcast_in_dim3A_91 = vector.shape_cast %reduce_min3A_90 : vector<8192xf32> to vector<1x8192xf32>
    %get3A_92 = arith.constant 0 : index
    %get3A_93 = arith.constant 592 : index
    %get3A_94 = vector.load %arg7[%get3A_92, %get3A_93] : memref<4x7104xf32, #tpu.memory_space<vmem>>, vector<4x592xf32>
    %dot_general3A_95 = arith.constant dense<0.000000e+00> : vector<592x8192xf32>
    %dot_general3A_96 = tpu.matmul %get3A_94, %concatenate3A, %dot_general3A_95 {dimension_numbers = #tpu.dot_dimension_numbers<[0], [0], [1], [1], [0, 1, 1, 1], [], []>, transpose_lhs_hint = false} : vector<4x592xf32>, vector<4x8192xf32>, vector<592x8192xf32> -> vector<592x8192xf32>
    %reduce_min3A_97 = arith.constant dense<0x7F800000> : vector<8192xf32>
    %reduce_min3A_98 = vector.multi_reduction <minimumf>, %dot_general3A_96, %reduce_min3A_97 [0] : vector<592x8192xf32> to vector<8192xf32>
    %broadcast_in_dim3A_99 = vector.shape_cast %reduce_min3A_98 : vector<8192xf32> to vector<1x8192xf32>
    %min3A = arith.minimumf %broadcast_in_dim3A_91, %broadcast_in_dim3A_99 : vector<1x8192xf32>
    %get3A_100 = arith.constant 0 : index
    %get3A_101 = arith.constant 1184 : index
    %get3A_102 = vector.load %arg7[%get3A_100, %get3A_101] : memref<4x7104xf32, #tpu.memory_space<vmem>>, vector<4x592xf32>
    %dot_general3A_103 = arith.constant dense<0.000000e+00> : vector<592x8192xf32>
    %dot_general3A_104 = tpu.matmul %get3A_102, %concatenate3A, %dot_general3A_103 {dimension_numbers = #tpu.dot_dimension_numbers<[0], [0], [1], [1], [0, 1, 1, 1], [], []>, transpose_lhs_hint = false} : vector<4x592xf32>, vector<4x8192xf32>, vector<592x8192xf32> -> vector<592x8192xf32>
    %reduce_min3A_105 = arith.constant dense<0x7F800000> : vector<8192xf32>
    %reduce_min3A_106 = vector.multi_reduction <minimumf>, %dot_general3A_104, %reduce_min3A_105 [0] : vector<592x8192xf32> to vector<8192xf32>
    %broadcast_in_dim3A_107 = vector.shape_cast %reduce_min3A_106 : vector<8192xf32> to vector<1x8192xf32>
    %min3A_108 = arith.minimumf %min3A, %broadcast_in_dim3A_107 : vector<1x8192xf32>
    %get3A_109 = arith.constant 0 : index
    %get3A_110 = arith.constant 1776 : index
    %get3A_111 = vector.load %arg7[%get3A_109, %get3A_110] : memref<4x7104xf32, #tpu.memory_space<vmem>>, vector<4x592xf32>
    %dot_general3A_112 = arith.constant dense<0.000000e+00> : vector<592x8192xf32>
    %dot_general3A_113 = tpu.matmul %get3A_111, %concatenate3A, %dot_general3A_112 {dimension_numbers = #tpu.dot_dimension_numbers<[0], [0], [1], [1], [0, 1, 1, 1], [], []>, transpose_lhs_hint = false} : vector<4x592xf32>, vector<4x8192xf32>, vector<592x8192xf32> -> vector<592x8192xf32>
    %reduce_min3A_114 = arith.constant dense<0x7F800000> : vector<8192xf32>
    %reduce_min3A_115 = vector.multi_reduction <minimumf>, %dot_general3A_113, %reduce_min3A_114 [0] : vector<592x8192xf32> to vector<8192xf32>
    %broadcast_in_dim3A_116 = vector.shape_cast %reduce_min3A_115 : vector<8192xf32> to vector<1x8192xf32>
    %min3A_117 = arith.minimumf %min3A_108, %broadcast_in_dim3A_116 : vector<1x8192xf32>
    %get3A_118 = arith.constant 0 : index
    %get3A_119 = arith.constant 2368 : index
    %get3A_120 = vector.load %arg7[%get3A_118, %get3A_119] : memref<4x7104xf32, #tpu.memory_space<vmem>>, vector<4x592xf32>
    %dot_general3A_121 = arith.constant dense<0.000000e+00> : vector<592x8192xf32>
    %dot_general3A_122 = tpu.matmul %get3A_120, %concatenate3A, %dot_general3A_121 {dimension_numbers = #tpu.dot_dimension_numbers<[0], [0], [1], [1], [0, 1, 1, 1], [], []>, transpose_lhs_hint = false} : vector<4x592xf32>, vector<4x8192xf32>, vector<592x8192xf32> -> vector<592x8192xf32>
    %reduce_min3A_123 = arith.constant dense<0x7F800000> : vector<8192xf32>
    %reduce_min3A_124 = vector.multi_reduction <minimumf>, %dot_general3A_122, %reduce_min3A_123 [0] : vector<592x8192xf32> to vector<8192xf32>
    %broadcast_in_dim3A_125 = vector.shape_cast %reduce_min3A_124 : vector<8192xf32> to vector<1x8192xf32>
    %min3A_126 = arith.minimumf %min3A_117, %broadcast_in_dim3A_125 : vector<1x8192xf32>
    %get3A_127 = arith.constant 0 : index
    %get3A_128 = arith.constant 2960 : index
    %get3A_129 = vector.load %arg7[%get3A_127, %get3A_128] : memref<4x7104xf32, #tpu.memory_space<vmem>>, vector<4x592xf32>
    %dot_general3A_130 = arith.constant dense<0.000000e+00> : vector<592x8192xf32>
    %dot_general3A_131 = tpu.matmul %get3A_129, %concatenate3A, %dot_general3A_130 {dimension_numbers = #tpu.dot_dimension_numbers<[0], [0], [1], [1], [0, 1, 1, 1], [], []>, transpose_lhs_hint = false} : vector<4x592xf32>, vector<4x8192xf32>, vector<592x8192xf32> -> vector<592x8192xf32>
    %reduce_min3A_132 = arith.constant dense<0x7F800000> : vector<8192xf32>
    %reduce_min3A_133 = vector.multi_reduction <minimumf>, %dot_general3A_131, %reduce_min3A_132 [0] : vector<592x8192xf32> to vector<8192xf32>
    %broadcast_in_dim3A_134 = vector.shape_cast %reduce_min3A_133 : vector<8192xf32> to vector<1x8192xf32>
    %min3A_135 = arith.minimumf %min3A_126, %broadcast_in_dim3A_134 : vector<1x8192xf32>
    %get3A_136 = arith.constant 0 : index
    %get3A_137 = arith.constant 3552 : index
    %get3A_138 = vector.load %arg7[%get3A_136, %get3A_137] : memref<4x7104xf32, #tpu.memory_space<vmem>>, vector<4x592xf32>
    %dot_general3A_139 = arith.constant dense<0.000000e+00> : vector<592x8192xf32>
    %dot_general3A_140 = tpu.matmul %get3A_138, %concatenate3A, %dot_general3A_139 {dimension_numbers = #tpu.dot_dimension_numbers<[0], [0], [1], [1], [0, 1, 1, 1], [], []>, transpose_lhs_hint = false} : vector<4x592xf32>, vector<4x8192xf32>, vector<592x8192xf32> -> vector<592x8192xf32>
    %reduce_min3A_141 = arith.constant dense<0x7F800000> : vector<8192xf32>
    %reduce_min3A_142 = vector.multi_reduction <minimumf>, %dot_general3A_140, %reduce_min3A_141 [0] : vector<592x8192xf32> to vector<8192xf32>
    %broadcast_in_dim3A_143 = vector.shape_cast %reduce_min3A_142 : vector<8192xf32> to vector<1x8192xf32>
    %min3A_144 = arith.minimumf %min3A_135, %broadcast_in_dim3A_143 : vector<1x8192xf32>
    %get3A_145 = arith.constant 0 : index
    %get3A_146 = arith.constant 4144 : index
    %get3A_147 = vector.load %arg7[%get3A_145, %get3A_146] : memref<4x7104xf32, #tpu.memory_space<vmem>>, vector<4x592xf32>
    %dot_general3A_148 = arith.constant dense<0.000000e+00> : vector<592x8192xf32>
    %dot_general3A_149 = tpu.matmul %get3A_147, %concatenate3A, %dot_general3A_148 {dimension_numbers = #tpu.dot_dimension_numbers<[0], [0], [1], [1], [0, 1, 1, 1], [], []>, transpose_lhs_hint = false} : vector<4x592xf32>, vector<4x8192xf32>, vector<592x8192xf32> -> vector<592x8192xf32>
    %reduce_min3A_150 = arith.constant dense<0x7F800000> : vector<8192xf32>
    %reduce_min3A_151 = vector.multi_reduction <minimumf>, %dot_general3A_149, %reduce_min3A_150 [0] : vector<592x8192xf32> to vector<8192xf32>
    %broadcast_in_dim3A_152 = vector.shape_cast %reduce_min3A_151 : vector<8192xf32> to vector<1x8192xf32>
    %min3A_153 = arith.minimumf %min3A_144, %broadcast_in_dim3A_152 : vector<1x8192xf32>
    %get3A_154 = arith.constant 0 : index
    %get3A_155 = arith.constant 4736 : index
    %get3A_156 = vector.load %arg7[%get3A_154, %get3A_155] : memref<4x7104xf32, #tpu.memory_space<vmem>>, vector<4x592xf32>
    %dot_general3A_157 = arith.constant dense<0.000000e+00> : vector<592x8192xf32>
    %dot_general3A_158 = tpu.matmul %get3A_156, %concatenate3A, %dot_general3A_157 {dimension_numbers = #tpu.dot_dimension_numbers<[0], [0], [1], [1], [0, 1, 1, 1], [], []>, transpose_lhs_hint = false} : vector<4x592xf32>, vector<4x8192xf32>, vector<592x8192xf32> -> vector<592x8192xf32>
    %reduce_min3A_159 = arith.constant dense<0x7F800000> : vector<8192xf32>
    %reduce_min3A_160 = vector.multi_reduction <minimumf>, %dot_general3A_158, %reduce_min3A_159 [0] : vector<592x8192xf32> to vector<8192xf32>
    %broadcast_in_dim3A_161 = vector.shape_cast %reduce_min3A_160 : vector<8192xf32> to vector<1x8192xf32>
    %min3A_162 = arith.minimumf %min3A_153, %broadcast_in_dim3A_161 : vector<1x8192xf32>
    %get3A_163 = arith.constant 0 : index
    %get3A_164 = arith.constant 5328 : index
    %get3A_165 = vector.load %arg7[%get3A_163, %get3A_164] : memref<4x7104xf32, #tpu.memory_space<vmem>>, vector<4x592xf32>
    %dot_general3A_166 = arith.constant dense<0.000000e+00> : vector<592x8192xf32>
    %dot_general3A_167 = tpu.matmul %get3A_165, %concatenate3A, %dot_general3A_166 {dimension_numbers = #tpu.dot_dimension_numbers<[0], [0], [1], [1], [0, 1, 1, 1], [], []>, transpose_lhs_hint = false} : vector<4x592xf32>, vector<4x8192xf32>, vector<592x8192xf32> -> vector<592x8192xf32>
    %reduce_min3A_168 = arith.constant dense<0x7F800000> : vector<8192xf32>
    %reduce_min3A_169 = vector.multi_reduction <minimumf>, %dot_general3A_167, %reduce_min3A_168 [0] : vector<592x8192xf32> to vector<8192xf32>
    %broadcast_in_dim3A_170 = vector.shape_cast %reduce_min3A_169 : vector<8192xf32> to vector<1x8192xf32>
    %min3A_171 = arith.minimumf %min3A_162, %broadcast_in_dim3A_170 : vector<1x8192xf32>
    %get3A_172 = arith.constant 0 : index
    %get3A_173 = arith.constant 5920 : index
    %get3A_174 = vector.load %arg7[%get3A_172, %get3A_173] : memref<4x7104xf32, #tpu.memory_space<vmem>>, vector<4x592xf32>
    %dot_general3A_175 = arith.constant dense<0.000000e+00> : vector<592x8192xf32>
    %dot_general3A_176 = tpu.matmul %get3A_174, %concatenate3A, %dot_general3A_175 {dimension_numbers = #tpu.dot_dimension_numbers<[0], [0], [1], [1], [0, 1, 1, 1], [], []>, transpose_lhs_hint = false} : vector<4x592xf32>, vector<4x8192xf32>, vector<592x8192xf32> -> vector<592x8192xf32>
    %reduce_min3A_177 = arith.constant dense<0x7F800000> : vector<8192xf32>
    %reduce_min3A_178 = vector.multi_reduction <minimumf>, %dot_general3A_176, %reduce_min3A_177 [0] : vector<592x8192xf32> to vector<8192xf32>
    %broadcast_in_dim3A_179 = vector.shape_cast %reduce_min3A_178 : vector<8192xf32> to vector<1x8192xf32>
    %min3A_180 = arith.minimumf %min3A_171, %broadcast_in_dim3A_179 : vector<1x8192xf32>
    %get3A_181 = arith.constant 0 : index
    %get3A_182 = arith.constant 6512 : index
    %get3A_183 = vector.load %arg7[%get3A_181, %get3A_182] : memref<4x7104xf32, #tpu.memory_space<vmem>>, vector<4x592xf32>
    %dot_general3A_184 = arith.constant dense<0.000000e+00> : vector<592x8192xf32>
    %dot_general3A_185 = tpu.matmul %get3A_183, %concatenate3A, %dot_general3A_184 {dimension_numbers = #tpu.dot_dimension_numbers<[0], [0], [1], [1], [0, 1, 1, 1], [], []>, transpose_lhs_hint = false} : vector<4x592xf32>, vector<4x8192xf32>, vector<592x8192xf32> -> vector<592x8192xf32>
    %reduce_min3A_186 = arith.constant dense<0x7F800000> : vector<8192xf32>
    %reduce_min3A_187 = vector.multi_reduction <minimumf>, %dot_general3A_185, %reduce_min3A_186 [0] : vector<592x8192xf32> to vector<8192xf32>
    %broadcast_in_dim3A_188 = vector.shape_cast %reduce_min3A_187 : vector<8192xf32> to vector<1x8192xf32>
    %min3A_189 = arith.minimumf %min3A_180, %broadcast_in_dim3A_188 : vector<1x8192xf32>
    %add3A_190 = arith.addf %min3A_189, %add3A_84 : vector<1x8192xf32>
    %mul3A_191 = arith.constant 8192 : i32
    %mul3A_192 = arith.muli %arg1, %mul3A_191 : i32
    %swap3A = arith.index_cast %arg0 : i32 to index
    %swap3A_193 = arith.index_cast %mul3A_192 : i32 to index
    %swap3A_194 = vector.load %arg6[%swap3A, %swap3A_193] : memref<6x8192xf32, #tpu.memory_space<vmem>>, vector<1x8192xf32>
    tpu.vector_store %arg6[%swap3A, %swap3A_193], %add3A_190 {strides = array<i32>} : memref<6x8192xf32, #tpu.memory_space<vmem>>, vector<1x8192xf32>,
    return
  }
  func.func @transform_0(%arg0: i32, %arg1: i32) -> (i32, i32) {
    %c0_i32 = arith.constant 0 : i32
    %c0_i32_0 = arith.constant 0 : i32
    %c0_i32_1 = arith.constant 0 : i32
    return %c0_i32, %c0_i32_0 : i32, i32
  }
  func.func @transform_1(%arg0: i32, %arg1: i32) -> (i32, i32) {
    %c0_i32 = arith.constant 0 : i32
    %c0_i32_0 = arith.constant 0 : i32
    %c0_i32_1 = arith.constant 0 : i32
    return %c0_i32, %c0_i32_0 : i32, i32
  }
  func.func @transform_2(%arg0: i32, %arg1: i32) -> (i32, i32, i32) {
    %c0_i32 = arith.constant 0 : i32
    %c0_i32_0 = arith.constant 0 : i32
    return %arg0, %c0_i32, %arg1 : i32, i32, i32
  }
  func.func @transform_3(%arg0: i32, %arg1: i32) -> (i32, i32, i32) {
    %c0_i32 = arith.constant 0 : i32
    %c0_i32_0 = arith.constant 0 : i32
    %c0_i32_1 = arith.constant 0 : i32
    return %arg0, %c0_i32, %c0_i32_0 : i32, i32, i32
  }
  func.func @transform_4(%arg0: i32, %arg1: i32) -> (i32, i32) {
    %c0_i32 = arith.constant 0 : i32
    %c0_i32_0 = arith.constant 0 : i32
    %c0_i32_1 = arith.constant 0 : i32
    return %c0_i32, %c0_i32_0 : i32, i32
  }
}

module attributes {stable_mosaic.version = 14 : i64} {
  func.func @_combine_body(%arg0: memref<6x8192xf32, #tpu.memory_space<vmem>>, %arg1: memref<6x8192xf32, #tpu.memory_space<vmem>>, %arg2: memref<1x1xf32, #tpu.memory_space<smem>>) attributes {dimension_semantics = [], scalar_prefetch = 0 : i64, scratch_operands = 0 : i64, tpu.core_type = #tpu.core_type<tc>} {
    %get3A = arith.constant 0 : index
    %get3A_0 = arith.constant 0 : index
    %get3A_1 = vector.load %arg0[%get3A, %get3A_0] : memref<6x8192xf32, #tpu.memory_space<vmem>>, vector<6x8192xf32>
    %get3A_2 = arith.constant 0 : index
    %get3A_3 = arith.constant 0 : index
    %get3A_4 = vector.load %arg1[%get3A_2, %get3A_3] : memref<6x8192xf32, #tpu.memory_space<vmem>>, vector<6x8192xf32>
    %min3A = arith.minimumf %get3A_1, %get3A_4 : vector<6x8192xf32>
    %max3A = arith.constant 9.99999996E-13 : f32
    %max3A_5 = vector.broadcast %max3A : f32 to vector<6x8192xf32>
    %max3A_6 = arith.maximumf %min3A, %max3A_5 : vector<6x8192xf32>
    %sqrt3A = math.sqrt %max3A_6 : vector<6x8192xf32>
    %reduce_sum3A = vector.shape_cast %sqrt3A : vector<6x8192xf32> to vector<1x6x8192xf32>
    %reduce_sum3A_7 = arith.constant dense<0.000000e+00> : vector<1xf32>
    %reduce_sum3A_8 = vector.multi_reduction <add>, %reduce_sum3A, %reduce_sum3A_7 [1, 2] : vector<1x6x8192xf32> to vector<1xf32>
    %reduce_sum3A_9 = vector.shape_cast %reduce_sum3A_8 : vector<1xf32> to vector<1x1x1xf32>
    %reduce_sum3A_10 = vector.extract %reduce_sum3A_9[0, 0, 0] : f32 from vector<1x1x1xf32>
    %mul3A = arith.constant 2.03450527E-5 : f32
    %mul3A_11 = arith.mulf %reduce_sum3A_10, %mul3A : f32
    %swap3A = arith.constant 0 : index
    %swap3A_12 = arith.constant 0 : index
    %swap3A_13 = memref.load %arg2[%swap3A, %swap3A_12] : memref<1x1xf32, #tpu.memory_space<smem>>
    memref.store %mul3A_11, %arg2[%swap3A, %swap3A_12] : memref<1x1xf32, #tpu.memory_space<smem>>
    return
  }
}

</mosaic_0001>

<sc_bundles>
// kernel: kernel.5.cloned.1.call-start
scs
__scs_entry_jumppad:
0x0: {  	(pc) =	sbr.rel $0x88, $3  }
0x1: {  	(tag) =	ssettag $0x0;
	lr =	simm.s32 $0x1  }
0x2: {  	[smem:$0x3F9F] =	sst lr;
	_ =	strace $0xD0000000  }
0x3: {  	_ = 	snop  }
0x4: {  	_ = 	snop  }
0x5: {  	_ = 	snop  }
0x6: {  	_ = 	snop  }
0x7: {  	_ = 	snop  }
__scs_overlays_trampoline_lowered:
0x8: {  	[smem:$0x3FAE] =	sst s0  }
0x9: {  	[smem:$0x3FAF] =	sst s1  }
0xa: {  	[smem:$0x3FB0] =	sst s2  }
0xb: {  	[smem:$0x3FB1] =	sst s3  }
0xc: {  	[smem:$0x3FB2] =	sst s4  }
0xd: {  	[smem:$0x3FB3] =	sst s5  }
0xe: {  	[smem:$0x3FB4] =	sst s6  }
0xf: {  	[smem:$0x3FB5] =	sst s7  }
0x10: {  	[smem:$0x3FB6] =	sst s8  }
0x11: {  	[smem:$0x3FB7] =	sst s9;
	s0 =	simm.s32 @!p0 $0x0  }
0x12: {  	s1 =	sld [smem:$0x3F9D];
	s0 =	simm.s32 @p0 $0x1  }
0x13: {  	[smem:$0x3FB8] =	sst s0;
	s0 =	simm.s32 @!p1 $0x0  }
0x14: {  	s2 =	sld [smem:$0x3F9C];
	s0 =	simm.s32 @p1 $0x1  }
0x15: {  	[smem:$0x3FB9] =	sst s0;
	s0 =	simm.s32 @!p2 $0x0  }
0x16: {  	s3 =	sld [smem:$0x3FDB];
	s0 =	simm.s32 @p2 $0x1  }
0x17: {  	s4 =	simm.s32 $0x1BF5;
	[smem:$0x3FBB] =	sst s0  }
0x18: {  	s0 =	sld [smem:$0x3F9E];
	_ =	swait.ge [sflag:s4], $0x0  }
0x19: {  	s7 =	sld [smem:$0x3F9F]  }
0x1a: {  	s8 =	sadd.s32 $0xFFFFE003, lr  }
0x1b: {  	s9 =	sadd.s32 $0xFFFFFEF7, lr;
	s5 =	simm.s32 $0xFFFFFFFF;
	p2 =	slt.u32 s8, $0xFFFFF086  }
0x1c: {  	p1 =	slt.u32 s9, $0xF7A;
	s5 =	simm.s32 @!p2 $0x0  }
0x1d: {  	s5 =	simm.s32 @p1 $0x1;
	p0 =	seq.s32 s7, s2  }
0x1e: {  	s7 =	smul.u32 @!p0 $0xF7A, s2;
	p2 =	seq.s32 @!p0 s5, $0x0  }
0x1f: {  	s9 =	smul.u32 $0xF7A, s1;
	s8 =	simm.s32 @!p0 $0x1BF5;
	p2 =	por !p2, p0  }
0x20: {  	[sflag:s8] =	ssyncset.s32 @!p0 $0xFFFFF086;
	s6 =	sadd.s32 @!p0 s3, s7;
	s7 =	simm.s32 @!p0 $0x108  }
0x21: {  	s3 =	sadd.s32 s3, s9;
	s6 =	sadd.s32 @!p0 $0x88, s6;
	s7 =	simm.s32 @p2 $0x1082  }
0x22: {  	[simem:s7], [sflag:s8] =	dma.local @!p0 [hbm:s6], $0xF7A  }
0x23: {  	s9 =	sor.u32 $0xD0000000, s2;
	s6 =	simm.s32 $0x108;
	_ =	swait.ge @!p0 [sflag:s8], $0x0  }
0x24: {  	s3 =	sadd.s32 $0x88, s3;
	s6 =	simm.s32 @!p1 $0x1082;
	[sflag:s4] =	ssyncset.s32 $0xFFFFF086  }
0x25: {  	[simem:s6], [sflag:s4] =	dma.local [hbm:s3], $0xF7A  }
0x26: {  	[smem:$0x3F9F] =	sst s1;
	(tag) =	ssettag s2;
	_ =	strace s9  }
0x27: {  	s1 =	sld [smem:$0x3FAF]  }
0x28: {  	s2 =	sld [smem:$0x3FB0]  }
0x29: {  	s4 =	sld [smem:$0x3FB2]  }
0x2a: {  	p0 =	seq.s32 s5, $0x0;
	s5 =	sld [smem:$0x3FB3]  }
0x2b: {  	s6 =	sld [smem:$0x3FB4]  }
0x2c: {  	s7 =	sld [smem:$0x3FB5]  }
0x2d: {  	s3 =	simm.s32 $0x108;
	s8 =	sld [smem:$0x3FB6]  }
0x2e: {  	s3 =	simm.s32 @!p0 $0x1082;
	s9 =	sld [smem:$0x3FB7]  }
0x2f: {  	lr =	sadd.s32 s0, s3;
	s0 =	sld [smem:$0x3FAE]  }
0x30: {  	s3 =	sld [smem:$0x3FB1]  }
0x31: {  	[smem:$0x3FBA] =	sst s10  }
0x32: {  	s10 =	sld [smem:$0x3FB8];
	_ =	sdelay $0x3  }
0x33: {  	p0 =	seq.s32 s10, $0x1;
	s10 =	sld [smem:$0x3FBA];
	_ =	sdelay $0x3  }
0x34: {  	[smem:$0x3FBA] =	sst s10  }
0x35: {  	s10 =	sld [smem:$0x3FB9];
	_ =	sdelay $0x3  }
0x36: {  	p1 =	seq.s32 s10, $0x1;
	s10 =	sld [smem:$0x3FBA];
	_ =	sdelay $0x3  }
0x37: {  	[smem:$0x3FBA] =	sst s10  }
0x38: {  	s10 =	sld [smem:$0x3FBB]  }
0x39: {  	_ = 	snop;
	(pc) =	sbr.ind lr, $3  }
0x3a: {  	_ = 	snop  }
0x3b: {  	_ = 	snop  }
0x3c: {  	p2 =	seq.s32 s10, $0x1;
	s10 =	sld [smem:$0x3FBA]  }
0x3d: {  	_ =	shalt  }
0x3e: {  	_ =	shalt  }
0x3f: {  	_ =	shalt  }
0x40: {  	_ =	shalt  }
0x41: {  	_ =	shalt  }
0x42: {  	_ =	shalt  }
0x43: {  	_ =	shalt  }
0x44: {  	_ =	shalt  }
0x45: {  	_ =	shalt  }
0x46: {  	_ =	shalt  }
0x47: {  	_ =	shalt  }
0x48: {  	_ =	shalt  }
0x49: {  	_ =	shalt  }
0x4a: {  	_ =	shalt  }
0x4b: {  	_ =	shalt  }
0x4c: {  	_ =	shalt  }
0x4d: {  	_ =	shalt  }
0x4e: {  	_ =	shalt  }
0x4f: {  	_ =	shalt  }
0x50: {  	_ =	shalt  }
0x51: {  	_ =	shalt  }
0x52: {  	_ =	shalt  }
0x53: {  	_ =	shalt  }
0x54: {  	_ =	shalt  }
0x55: {  	_ =	shalt  }
0x56: {  	_ =	shalt  }
0x57: {  	_ =	shalt  }
0x58: {  	_ =	shalt  }
0x59: {  	_ =	shalt  }
0x5a: {  	_ =	shalt  }
0x5b: {  	_ =	shalt  }
0x5c: {  	_ =	shalt  }
0x5d: {  	_ =	shalt  }
0x5e: {  	_ =	shalt  }
0x5f: {  	_ =	shalt  }
0x60: {  	_ =	shalt  }
0x61: {  	_ =	shalt  }
0x62: {  	_ =	shalt  }
0x63: {  	_ =	shalt  }
0x64: {  	_ =	shalt  }
0x65: {  	_ =	shalt  }
0x66: {  	_ =	shalt  }
0x67: {  	_ =	shalt  }
0x68: {  	_ =	shalt  }
0x69: {  	_ =	shalt  }
0x6a: {  	_ =	shalt  }
0x6b: {  	_ =	shalt  }
0x6c: {  	_ =	shalt  }
0x6d: {  	_ =	shalt  }
0x6e: {  	_ =	shalt  }
0x6f: {  	_ =	shalt  }
0x70: {  	_ =	shalt  }
0x71: {  	_ =	shalt  }
0x72: {  	_ =	shalt  }
0x73: {  	_ =	shalt  }
0x74: {  	_ =	shalt  }
0x75: {  	_ =	shalt  }
0x76: {  	_ =	shalt  }
0x77: {  	_ =	shalt  }
0x78: {  	_ =	shalt  }
0x79: {  	_ =	shalt  }
0x7a: {  	_ =	shalt  }
0x7b: {  	_ =	shalt  }
0x7c: {  	_ =	shalt  }
0x7d: {  	_ =	shalt  }
0x7e: {  	_ =	shalt  }
0x7f: {  	_ =	shalt  }
0x80: {  	_ =	shalt  }
0x81: {  	_ =	shalt  }
0x82: {  	_ =	shalt  }
0x83: {  	_ =	shalt  }
0x84: {  	_ =	shalt  }
0x85: {  	_ =	shalt  }
0x86: {  	_ =	shalt  }
0x87: {  	_ =	shalt  }
.Lfunc_end0:
.L_simem_size_0:
called_computation_lowered:
.L_overlay_start_0:
0x88: {  	s2 =	sld [smem:$0x3FD9]  }
0x89: {  	s3 =	sld [smem:$0x3FFE];
	_ =	sdelay $0x1  }
0x8a: {  	s1 =	srdreg.scid  }
0x8b: {  	s0 =	sand.u32 $0x1, s1  }
0x8c: {  	s17 =	sshll.u32 s0, $0xA;
	s2 =	sadd.s32 s3, s2  }
0x8d: {  	s2 =	sadd.s32 s2, s17  }
0x8e: {  	[smem:$0x3FC6] =	sst s2  }
0x8f: {  	_ = 	snop  }
0x90: {  	s2 =	sld [smem:$0x3FD0];
	(tm) =	ssettm $0x1  }
0x91: {  	s18 =	sld [smem:$0x3FFB];
	_ =	sdelay $0x3  }
0x92: {  	_ =	strace s18  }
0x93: {  	s3 =	sld [smem:$0x3FFC];
	_ =	sdelay $0x3  }
0x94: {  	_ =	strace s3  }
0x95: {  	s3 =	sld [smem:$0x3FFD];
	_ =	sdelay $0x3  }
0x96: {  	_ =	strace s3  }
0x97: {  	_ =	strace $0x8FFFFFFF  }
0x98: {  	s19 =	sld [smem:$0x3FDB];
	_ =	sdelay $0x1  }
0x99: {  	s4 =	simm.s32 $_scs_section_size  }
0x9a: {  	s5 =	simm.s32 $_size__tile_overlayer_lowered;
	s6 =	simm.s32 $_tile_overlayer_lowered  }
0x9b: {  	s22 =	simm.s32 $0x1BFF;
	s21 =	sshll.u32 s6, $0x1;
	s3 =	sadd.s32 s4, s19  }
0x9c: {  	s7 =	simm.s32 $0x0;
	s20 =	sshll.u32 s5, $0x1;
	s5 =	sadd.s32 s21, s3  }
0x9d: {  	[timem:s7], [sflag:s22] =	dma.local [hbm:s5], s20  }
0x9e: {  	_ =	swait.ge [sflag:s22], s20  }
0x9f: {  	s4 =	ssub.s32 $0x0, s20;
	[sflag:s22] =	ssyncset.done $0x0  }
0xa0: {  	[sflag:s22] =	ssyncadd.s32 s4;
	_ =	sdelay $0x1  }
0xa1: {  	s23 =	simm.s32 $0x1B8B  }
0xa2: {  	_ =	swait.ge [sflag:s23], $0x1  }
0xa3: {  	[sflag:s23] =	ssyncset.done $0x0  }
0xa4: {  	s25 =	simm.s32 $0x1B8E;
	s24 =	sld [smem:$0x3FFE];
	[sflag:s23] =	ssyncadd.s32 $0xFFFFFFFF  }
0xa5: {  	s26 =	simm.s32 $execute0_lowered;
	[smem:$0x3FD2] =	sst s25  }
0xa6: {  	s5 =	sshll.u32 s26, $0x1;
	_ =	strace $0x80000046;
	[dreg:$0x1] =	wrdreg $0xFFFFFFFF  }
0xa7: {  	s28 =	simm.s32 $_size_execute0_lowered;
	s3 =	sadd.s32 s3, s5;
	[dreg:$0x0] =	wrdreg $0x0  }
0xa8: {  	s5 =	sshll.u32 s28, $0x1;
	[dreg:$0x2] =	wrdreg s3  }
0xa9: {  	[dreg:$0x3] =	wrdreg s5  }
0xaa: {  	[dreg:$0x4] =	wrdreg $0xC0  }
0xab: {  	_ =	task [dreg:s7], $0x5FFFF  }
0xac: {  	[dreg:$0x1] =	wrdreg $0xFFFFFFFF  }
0xad: {  	[dreg:$0x0] =	wrdreg $0x60  }
0xae: {  	[dreg:$0x2] =	wrdreg s24  }
0xaf: {  	[dreg:$0x3] =	wrdreg s2  }
0xb0: {  	[dreg:$0x4] =	wrdreg $0x9  }
0xb1: {  	_ =	task.clear_ibuf [dreg:s7], $0x5FFFF;
	_ =	strace $0x90000046  }
0xb2: {  	s29 =	simm.s32 $0x9;
	_ =	strace $0x80000048  }
0xb3: {  	_ =	swait.ge [sflag:s29], $0x1  }
0xb4: {  	[sflag:s29] =	ssyncadd.s32 $0xFFFFFFFF  }
0xb5: {  	_ =	strace $0x90000048  }
0xb6: {  	_ =	sfence  }
0xb7: {  	s30 =	sld [smem:$0x0];
	_ =	sdelay $0x2  }
0xb8: {  	s31 =	sshll.u32 s1, $0xD;
	s1 =	sshrl.u32 s1, $0x2  }
0xb9: {  	s3 =	sand.u32 $0x4000, s31;
	s1 =	sadd.s32 s1, s30  }
0xba: {  	s0 =	sor.u32 s3, s0;
	s1 =	sshll.u32 s1, $0x11  }
0xbb: {  	s0 =	sor.u32 s1, s0  }
0xbc: {  	s0 =	sadd.s32 $0x8F2B, s0  }
0xbd: {  	[sflag:s0] =	ssyncadd.remote.s32 $0x1  }
0xbe: {  	_ =	sfence.sel $0xFFFF  }
0xbf: {  	[dreg:$0x0] =	wrdreg $0xFFFFFFFF;
	(pc) =	sbr.abs _section_cstart, $3  }
0xc0: {  	[dreg:$0x1] =	wrdreg $0xFFFFFFFF  }
0xc1: {  	_ =	task.clear_ibuf [dreg:s7], $0x2FFFF;
	_ =	strace $0x9FFFFFFF  }
0xc2: {  	(tm) =	ssettm $0x7FFFFFFF  }
0xc3: {  	_ =	shalt  }
tec
execute0_lowered:
.L_overlay_start_1:
0x0: {  	(tag) =	ssettag $0x1  }
0x1: {  	v0 =	vimm.s32 $0xFEDCBA98;
	v1 =	vimm.s32 $0x76543210;
	v2 =	vimm.s32 $0xBA98FEDC  }
0x2: {  	v3 =	vimm.s32 $0x32107654;
	v4 =	vimm.s32 $0xDCFE98BA;
	v5 =	vimm.s32 $0x54761032  }
0x3: {  	v6 =	vimm.s32 $0xEFCDAB89;
	v7 =	vimm.s32 $0x67452301;
	v0 =	vunpack.c.l.s4.s8 v0  }
0x4: {  	s6 =	rddreg [dreg:$0x0];
	v1 =	vunpack.c.l.s4.s8 v1;
	v2 =	vunpack.c.l.s4.s8 v2;
	v3 =	vunpack.c.l.s4.s8 v3  }
0x5: {  	s1 =	rddreg [dreg:$0x1];
	s2 =	simm.s32 $0x0;
	v4 =	vunpack.c.l.s4.s8 v4;
	v5 =	vunpack.c.l.s4.s8 v5;
	v6 =	vunpack.c.l.s4.s8 v6  }
0x6: {  	s0 =	rddreg [dreg:$0x2];
	s4 =	srdreg.scid;
	s11 =	simm.s32 $0x80;
	v7 =	vunpack.c.l.s4.s8 v7;
	v0 =	vunpack.c.0.s8.s32 v0;
	v2 =	vunpack.c.0.s8.s32 v2  }
0x7: {  	s12 =	simm.s32 $0x400;
	s13 =	simm.s32 $0x880;
	s14 =	simm.s32 $0xD00;
	v3 =	vunpack.c.0.s8.s32 v3;
	v4 =	vunpack.c.0.s8.s32 v4;
	v1 =	vunpack.c.0.s8.s32 v1  }
0x8: {  	s15 =	simm.s32 $0x100;
	s16 =	simm.s32 $0x200;
	s17 =	simm.s32 $0x300;
	v5 =	vunpack.c.0.s8.s32 v5;
	v6 =	vunpack.c.0.s8.s32 v6;
	v0 =	vand.u32 $0xF, v0  }
0x9: {  	s18 =	simm.s32 $0x2780;
	s19 =	simm.s32 $0x0;
	[smem:$0x7FF] =	sst s2;
	v7 =	vunpack.c.0.s8.s32 v7;
	v2 =	vcombine.low v3, v2;
	v0 =	vcombine.low v0, v1  }
0xa: {  	s3 =	sadd.s32 $0xE00, s6;
	s8 =	sand.u32 $0x1, s4;
	s4 =	sadd.s32 $0x400, s6;
	v59 =	vcombine.low v5, v4  }
0xb: {  	s5 =	sadd.s32 $0x200, s6;
	_ =	strace $0x80000047;
	s9 =	ssub.s32 $0x2, s8;
	v60 =	vcombine.low v7, v6;
	v61 =	vand.u32 $0xF, v2;
	[tilespmem:$0x1FFC0] =	vst v0  }
0xc: {  	s7 =	sadd.s32 $0x5600, s6;
	s6 =	stileid.u32;
	s10 =	sshrl.u32 s9, $0x1;
	v62 =	vand.u32 $0xF, v59;
	[tilespmem:$0x1FFD0] =	vst v61  }
0xd: {  	s31 =	sshll.u32 s6, $0x9;
	s8 =	sshll.u32 s8, $0x8;
	s9 =	ssub.s32 s9, s10;
	v63 =	vand.u32 $0xF, v60;
	[tilespmem:$0x1FFE0] =	vst v62  }
0xe: {  	s8 =	sor.u32 s8, s31;
	s10 =	simm.s32 $0x1;
	s9 =	smax.u32 s9, $0x1;
	[tilespmem:$0x1FFF0] =	vst v63  }
.LBB2_1:
0xf: {  	[tilespmem:s2], [sflag:$0x1] =	stream.linear.gather [hbm4b:s1+s2], $0x80, $0x38;
	[tilespmem:$0x2880] =	vst v63  }
0x10: {  	_ =	swait.ge [sflag:s10], $0x80  }
0x11: {  	[sflag:s10] =	ssyncset.done $0x0  }
0x12: {  	[sflag:s10] =	ssyncadd.s32 $0xFFFFFF80  }
0x13: {  	[tilespmem:s11], [sflag:$0x1] =	stream.linear.gather [hbm4b:s5+s2], $0x80, $0x38;
	[tilespmem:$0x2880] =	vst v63  }
0x14: {  	_ =	swait.ge [sflag:s10], $0x80  }
0x15: {  	[sflag:s10] =	ssyncset.done $0x0  }
0x16: {  	s20 =	simm.s32 $0x0;
	[sflag:s10] =	ssyncadd.s32 $0xFFFFFF80  }
.LBB2_2:
0x17: {  	s21 =	smul.u32 $0x198, s20  }
0x18: {  	s23 =	smul.u32 $0x3, s20;
	_ =	sdelay $0x1  }
0x19: {  	s22 =	simm.s32 $0x0;
	s21 =	sadd.s32 s4, s21;
	s24 =	sadd.s32 $0x1, s23  }
0x1a: {  	[tilespmem:s12], [sflag:$0x1] =	stream.linear.gather [hbm4b:s21+s22], $0x440, $0x38;
	[tilespmem:$0x2880] =	vst v63  }
0x1b: {  	s25 =	smul.u32 $0x88, s24;
	_ =	swait.ge [sflag:s10], $0x440  }
0x1c: {  	[sflag:s10] =	ssyncset.done $0x0  }
0x1d: {  	s25 =	sadd.s32 s4, s25;
	[sflag:s10] =	ssyncadd.s32 $0xFFFFFBC0  }
0x1e: {  	[tilespmem:s13], [sflag:$0x1] =	stream.linear.gather [hbm4b:s25+s22], $0x440, $0x38;
	[tilespmem:$0x2880] =	vst v63  }
0x1f: {  	_ =	swait.ge [sflag:s10], $0x440  }
0x20: {  	[sflag:s10] =	ssyncset.done $0x0  }
0x21: {  	s26 =	smul.u32 $0x6000, s20;
	s21 =	sadd.s32 $0x110, s21;
	[sflag:s10] =	ssyncadd.s32 $0xFFFFFBC0  }
0x22: {  	[tilespmem:s14], [sflag:$0x1] =	stream.linear.gather [hbm4b:s21+s22], $0x440, $0x38;
	[tilespmem:$0x2880] =	vst v63  }
0x23: {  	s28 =	sor.u32 s8, s26;
	_ =	swait.ge [sflag:s10], $0x440  }
0x24: {  	s21 =	sshrl.u32 s28, $0x3;
	[sflag:s10] =	ssyncset.done $0x0  }
0x25: {  	s29 =	sshll.u32 s24, $0xD;
	s21 =	sadd.s32 s3, s21;
	[sflag:s10] =	ssyncadd.s32 $0xFFFFFBC0  }
0x26: {  	[tilespmem:s15], [sflag:$0x1] =	stream.linear.gather [hbm4b:s21+s22], $0x100, $0x38;
	[tilespmem:$0x2880] =	vst v63  }
0x27: {  	s21 =	sor.u32 s8, s29;
	_ =	swait.ge [sflag:s10], $0x100  }
0x28: {  	s23 =	sshll.u32 s23, $0xD;
	s21 =	sshrl.u32 s21, $0x3;
	[sflag:s10] =	ssyncset.done $0x0  }
0x29: {  	s30 =	sor.u32 s8, s23;
	s21 =	sadd.s32 s3, s21;
	[sflag:s10] =	ssyncadd.s32 $0xFFFFFF00  }
0x2a: {  	[tilespmem:s16], [sflag:$0x1] =	stream.linear.gather [hbm4b:s21+s22], $0x100, $0x38;
	[tilespmem:$0x2880] =	vst v63  }
0x2b: {  	s21 =	sadd.s32 $0x4000, s30;
	_ =	swait.ge [sflag:s10], $0x100  }
0x2c: {  	s21 =	sshrl.u32 s21, $0x3;
	[sflag:s10] =	ssyncset.done $0x0  }
0x2d: {  	s21 =	sadd.s32 s3, s21;
	[sflag:s10] =	ssyncadd.s32 $0xFFFFFF00  }
0x2e: {  	[tilespmem:s17], [sflag:$0x1] =	stream.linear.gather [hbm4b:s21+s22], $0x100, $0x38;
	[tilespmem:$0x2880] =	vst v63  }
0x2f: {  	_ =	swait.ge [sflag:s10], $0x100  }
0x30: {  	[sflag:s10] =	ssyncset.done $0x0  }
0x31: {  	s31 =	sshll.u32 s20, $0x4;
	[sflag:s10] =	ssyncadd.s32 $0xFFFFFF00  }
0x32: {  	v6 =	vld [tilespmem:s31+$0x80];
	_ =	sdelay $0x3  }
0x33: {  	s22 =	simm.s32 $0x0  }
0x34: {  	v17 =	vld [tilespmem:s22+$0x880];
	v8 =	vbroadcast v6, $0x0;
	v9 =	vbroadcast v6, $0x1  }
0x35: {  	v18 =	vld [tilespmem:s22+$0x400];
	v11 =	vbroadcast v6, $0x2;
	v5 =	vbroadcast v6, $0x3  }
0x36: {  	v13 =	vbroadcast v6, $0x4;
	v15 =	vbroadcast v6, $0x5  }
0x37: {  	v19 =	vld [tilespmem:s22+$0xD00];
	v14 =	vbroadcast v6, $0x6;
	v7 =	vbroadcast v6, $0x7  }
0x38: {  	s21 =	simm.s32 $0x10;
	v10 =	vbroadcast v6, $0x8;
	v16 =	vbroadcast v6, $0x9  }
0x39: {  	v22 =	vld [tilespmem:s21+$0x880];
	v12 =	vbroadcast v6, $0xA;
	v6 =	vbroadcast v6, $0xB  }
0x3a: {  	v24 =	vld [tilespmem:s21+$0x400];
	v20 =	vmul.f32 v17, v15;
	v21 =	vmul.f32 v18, v13  }
0x3b: {  	v26 =	vld [tilespmem:s21+$0xD00];
	v23 =	vmul.f32 v17, v9;
	v17 =	vmul.f32 v17, v16  }
0x3c: {  	v25 =	vmul.f32 v19, v14;
	v27 =	vmul.f32 v19, v11  }
0x3d: {  	v20 =	vadd.f32 v20, v21;
	v21 =	vmul.f32 v18, v8;
	v18 =	vmul.f32 v18, v10  }
0x3e: {  	v19 =	vmul.f32 v19, v12;
	v28 =	vmul.f32 v22, v9  }
0x3f: {  	v29 =	vmul.f32 v24, v8;
	v17 =	vadd.f32 v17, v18;
	v18 =	vadd.f32 v23, v21  }
0x40: {  	v30 =	vmul.f32 v26, v11;
	v20 =	vadd.f32 v25, v20;
	v21 =	vmul.f32 v22, v16  }
0x41: {  	s23 =	simm.s32 $0x20;
	v22 =	vmul.f32 v22, v15;
	v23 =	vmul.f32 v24, v13;
	v18 =	vadd.f32 v27, v18  }
0x42: {  	v31 =	vld [tilespmem:s23+$0x880];
	v25 =	vmul.f32 v26, v14;
	v20 =	vadd.f32 v20, v7;
	v19 =	vadd.f32 v19, v17  }
0x43: {  	v24 =	vmul.f32 v24, v10;
	v23 =	vadd.f32 v22, v23;
	v17 =	vld [tilespmem:s23+$0x400];
	v32 =	vadd.f32 v18, v5  }
0x44: {  	v22 =	vmul.f32 v26, v12;
	v27 =	vmul.f32 v20, v20;
	v19 =	vadd.f32 v19, v6  }
0x45: {  	v26 =	vmul.f32 $-2.000000000e+00, v20;
	v18 =	vld [tilespmem:s23+$0xD00];
	v20 =	vadd.f32 v25, v23;
	v23 =	vmul.f32 v32, v32  }
0x46: {  	v28 =	vadd.f32 v28, v29;
	v25 =	vadd.f32 v21, v24;
	v21 =	vmul.f32 $-2.000000000e+00, v32  }
0x47: {  	v24 =	vmul.f32 $-2.000000000e+00, v19;
	v33 =	vmul.f32 v19, v19;
	v63 =	vadd.f32 v27, v23  }
0x48: {  	v4 =	vld [tilespmem:s31+$0x0];
	v20 =	vadd.f32 v20, v7;
	[tilespmem:s22+$0x1600] =	vst v26;
	v19 =	vmul.f32 v31, v9;
	v29 =	vmul.f32 v17, v13  }
0x49: {  	v23 =	vmul.f32 v31, v16;
	[tilespmem:s22+$0x1A80] =	vst v24;
	v24 =	vmul.f32 v17, v8;
	v26 =	vadd.f32 v63, v33  }
0x4a: {  	s24 =	simm.s32 $0xC0;
	v28 =	vadd.f32 v30, v28;
	v27 =	vmul.f32 v31, v15;
	[tilespmem:s22+$0x1180] =	vst v21;
	v21 =	vmul.f32 v18, v11  }
.LBB2_3:
0x4b: {  	s25 =	sshra.s32 s24, $0x2;
	p0 =	seq.s32 s24, $0x10C0;
	s24 =	sadd.s32 $0x40, s24;
	v30 =	vmul.f32 v18, v14;
	v25 =	vadd.f32 v22, v25;
	v31 =	vmul.f32 v20, v20;
	[tilespmem:s22+$0x1F00] =	vst v26  }
0x4c: {  	s22 =	smov.u32 s21;
	s21 =	smov.u32 s23;
	v26 =	vld [tilespmem:s25+$0x880];
	v27 =	vadd.f32 v27, v29;
	v29 =	vmul.f32 v17, v10;
	v28 =	vadd.f32 v28, v5;
	s23 =	smov.u32 s25  }
0x4d: {  	v22 =	vmul.f32 v18, v12;
	v20 =	vmul.f32 $-2.000000000e+00, v20;
	v17 =	vld [tilespmem:s23+$0x400];
	v32 =	vadd.f32 v25, v6  }
0x4e: {  	v18 =	vld [tilespmem:s23+$0xD00];
	v27 =	vadd.f32 v30, v27;
	v25 =	vadd.f32 v23, v29;
	v23 =	vmul.f32 v28, v28  }
.Ltmp0:
0x4f: {  	v28 =	vmul.f32 $-2.000000000e+00, v28;
	[tilespmem:s22+$0x1600] =	vst v20;
	v29 =	vmul.f32 $-2.000000000e+00, v32;
	(pc) =	sbr.rel @!p0 .LBB2_3-.Ltmp0, $4  }
0x50: {  	v20 =	vadd.f32 v27, v7;
	v30 =	vadd.f32 v31, v23;
	v31 =	vmul.f32 v32, v32  }
0x51: {  	v32 =	vadd.f32 v19, v24;
	v23 =	vmul.f32 v26, v16;
	v19 =	vmul.f32 v26, v9;
	[tilespmem:s22+$0x1A80] =	vst v29  }
0x52: {  	v27 =	vmul.f32 v26, v15;
	v24 =	vmul.f32 v17, v8;
	[tilespmem:s22+$0x1180] =	vst v28;
	v26 =	vadd.f32 v30, v31  }
0x53: {  	v29 =	vmul.f32 v17, v13;
	v28 =	vadd.f32 v21, v32;
	v21 =	vmul.f32 v18, v11  }
0x54: {  	v9 =	vadd.f32 v22, v25;
	v10 =	vmul.f32 v17, v10  }
0x55: {  	v8 =	vmul.f32 v18, v14;
	v15 =	vadd.f32 v19, v24;
	v13 =	vadd.f32 v27, v29  }
0x56: {  	v12 =	vmul.f32 v18, v12;
	v14 =	vadd.f32 v28, v5;
	v10 =	vadd.f32 v23, v10  }
0x57: {  	v11 =	vmul.f32 v20, v20;
	v15 =	vadd.f32 v21, v15;
	v8 =	vadd.f32 v8, v13  }
0x58: {  	v9 =	vadd.f32 v9, v6;
	v13 =	vmul.f32 v14, v14;
	v10 =	vadd.f32 v12, v10  }
0x59: {  	v16 =	vmul.f32 $-2.000000000e+00, v20;
	v5 =	vadd.f32 v15, v5;
	v7 =	vadd.f32 v8, v7  }
0x5a: {  	[tilespmem:s22+$0x1F00] =	vst v26;
	v8 =	vadd.f32 v11, v13;
	v11 =	vmul.f32 v9, v9;
	v9 =	vmul.f32 $-2.000000000e+00, v9  }
0x5b: {  	[tilespmem:s21+$0x1600] =	vst v16;
	v12 =	vmul.f32 $-2.000000000e+00, v14;
	v6 =	vadd.f32 v10, v6  }
0x5c: {  	v10 =	vmul.f32 v5, v5;
	v8 =	vadd.f32 v8, v11;
	[tilespmem:s21+$0x1A80] =	vst v9;
	v9 =	vmul.f32 v7, v7  }
0x5d: {  	[tilespmem:s21+$0x1180] =	vst v12;
	v5 =	vmul.f32 $-2.000000000e+00, v5;
	v7 =	vmul.f32 $-2.000000000e+00, v7  }
0x5e: {  	[tilespmem:s21+$0x1F00] =	vst v8;
	v8 =	vmul.f32 $-2.000000000e+00, v6;
	v9 =	vadd.f32 v9, v10;
	v6 =	vmul.f32 v6, v6  }
0x5f: {  	[tilespmem:s23+$0x1600] =	vst v7  }
0x60: {  	[tilespmem:s23+$0x1180] =	vst v5;
	v6 =	vadd.f32 v9, v6  }
0x61: {  	[tilespmem:s23+$0x1A80] =	vst v8  }
0x62: {  	[tilespmem:s23+$0x1F00] =	vst v6;
	s23 =	simm.s32 $0x0  }
0x63: {  	v17 =	vld [tilespmem:s23+$0x300]  }
0x64: {  	v14 =	vbroadcast v4, $0x2;
	v15 =	vbroadcast v4, $0x6;
	v18 =	vld [tilespmem:s23+$0x100]  }
0x65: {  	v13 =	vbroadcast v4, $0x0;
	v12 =	vbroadcast v4, $0x9;
	v19 =	vld [tilespmem:s23+$0x200]  }
0x66: {  	v11 =	vbroadcast v4, $0x8;
	v10 =	vbroadcast v4, $0x5  }
0x67: {  	v5 =	vbroadcast v4, $0x3;
	v7 =	vbroadcast v4, $0xA  }
0x68: {  	s22 =	simm.s32 $0x10;
	v8 =	vbroadcast v4, $0x1;
	v9 =	vbroadcast v4, $0x4  }
0x69: {  	v6 =	vbroadcast v4, $0x7;
	v16 =	vld [tilespmem:s22+$0x300];
	v20 =	vmul.f32 v17, v14  }
0x6a: {  	v25 =	vld [tilespmem:s22+$0x100];
	v21 =	vmul.f32 v18, v13;
	v22 =	vmul.f32 v19, v8  }
0x6b: {  	v26 =	vld [tilespmem:s22+$0x200];
	v23 =	vmul.f32 v18, v9;
	v24 =	vmul.f32 v19, v10  }
0x6c: {  	v18 =	vmul.f32 v18, v11;
	v19 =	vmul.f32 v19, v12  }
0x6d: {  	v21 =	vadd.f32 v22, v21;
	v22 =	vmul.f32 v17, v15;
	v23 =	vadd.f32 v24, v23  }
0x6e: {  	v4 =	vbroadcast v4, $0xB;
	v18 =	vadd.f32 v19, v18;
	v24 =	vmul.f32 v17, v7  }
0x6f: {  	v29 =	vmul.f32 v25, v9;
	v21 =	vadd.f32 v20, v21;
	v22 =	vadd.f32 v22, v23  }
0x70: {  	v30 =	vmul.f32 v26, v10;
	v19 =	vmul.f32 v16, v14;
	v18 =	vadd.f32 v24, v18  }
0x71: {  	s24 =	simm.s32 $0x20;
	v23 =	vmul.f32 v25, v13;
	v27 =	vadd.f32 v21, v5;
	v28 =	vadd.f32 v22, v6  }
0x72: {  	v17 =	vld [tilespmem:s24+$0x300];
	v20 =	vmul.f32 v16, v15;
	v24 =	vmul.f32 v26, v8  }
0x73: {  	v21 =	vld [tilespmem:s24+$0x100];
	v31 =	vadd.f32 v18, v4;
	[tilespmem:s23+$0x2380] =	vst v27;
	v27 =	vmul.f32 v27, v27;
	v32 =	vmul.f32 v28, v28  }
0x74: {  	v22 =	vadd.f32 v24, v23;
	v23 =	vmul.f32 v25, v11;
	v24 =	vmul.f32 v26, v12;
	v18 =	vld [tilespmem:s24+$0x200];
	[tilespmem:s23+$0x2480] =	vst v28  }
0x75: {  	s25 =	simm.s32 $0xC0;
	s21 =	simm.s32 $0x0;
	v25 =	vadd.f32 v30, v29;
	[tilespmem:s23+$0x2580] =	vst v31;
	v26 =	vadd.f32 v32, v27;
	v27 =	vmul.f32 v31, v31  }
.LBB2_5:
0x76: {  	p0 =	sne.s32 s25, $0x3C0;
	v22 =	vadd.f32 v19, v22;
	v23 =	vadd.f32 v24, v23;
	v0 =	vmul.f32 v16, v7  }
0x77: {  	v19 =	vmul.f32 v17, v14;
	v25 =	vadd.f32 v20, v25;
	v26 =	vadd.f32 v26, v27;
	v16 =	vmovc v17  }
0x78: {  	v27 =	vmul.f32 v21, v13;
	v20 =	vmul.f32 v16, v15;
	v23 =	vadd.f32 v0, v23;
	v24 =	vmovc v21  }
.Ltmp1:
0x79: {  	s26 =	sshra.s32 s25, $0x2;
	v22 =	vadd.f32 v22, v5;
	v28 =	vmul.f32 v18, v8;
	v25 =	vadd.f32 v25, v6;
	[tilespmem:s23+$0x2680] =	vst v26;
	s23 =	smov.u32 s22;
	(pc) =	sbr.rel @p0 .LBB2_5-.Ltmp1, $4  }
0x7a: {  	v26 =	vmul.f32 v24, v9;
	v29 =	vmul.f32 v18, v10;
	s22 =	smov.u32 s24;
	s24 =	smov.u32 s26;
	v17 =	vld [tilespmem:s26+$0x300]  }
0x7b: {  	v30 =	vadd.f32 v23, v4;
	v31 =	vmul.f32 v22, v22;
	v21 =	vld [tilespmem:s24+$0x100];
	[tilespmem:s23+$0x2380] =	vst v22;
	v32 =	vmul.f32 v25, v25  }
0x7c: {  	v23 =	vmul.f32 v24, v11;
	v24 =	vmul.f32 v18, v12;
	v22 =	vadd.f32 v28, v27;
	v18 =	vld [tilespmem:s24+$0x200];
	[tilespmem:s23+$0x2480] =	vst v25  }
0x7d: {  	s25 =	sadd.s32 $0x40, s25;
	v25 =	vadd.f32 v29, v26;
	v27 =	vmul.f32 v30, v30;
	[tilespmem:s23+$0x2580] =	vst v30;
	v26 =	vadd.f32 v32, v31  }
0x7e: {  	v19 =	vadd.f32 v19, v22;
	v51 =	vadd.f32 v24, v23  }
0x7f: {  	v16 =	vmul.f32 v16, v7;
	v14 =	vmul.f32 v17, v14;
	v20 =	vadd.f32 v20, v25  }
0x80: {  	v52 =	vadd.f32 v26, v27;
	v15 =	vmul.f32 v17, v15;
	v13 =	vmul.f32 v21, v13  }
0x81: {  	v16 =	vadd.f32 v16, v51;
	v9 =	vmul.f32 v21, v9;
	v11 =	vmul.f32 v21, v11  }
0x82: {  	v19 =	vadd.f32 v19, v5;
	v8 =	vmul.f32 v18, v8;
	v10 =	vmul.f32 v18, v10  }
0x83: {  	v20 =	vadd.f32 v20, v6;
	v12 =	vmul.f32 v18, v12;
	v16 =	vadd.f32 v16, v4  }
0x84: {  	v55 =	vmul.f32 v17, v7;
	v8 =	vadd.f32 v8, v13;
	v9 =	vadd.f32 v10, v9  }
0x85: {  	v53 =	vmul.f32 v19, v19;
	v54 =	vmul.f32 v20, v20;
	v11 =	vadd.f32 v12, v11  }
0x86: {  	v8 =	vadd.f32 v14, v8;
	v9 =	vadd.f32 v15, v9  }
0x87: {  	v56 =	vmul.f32 v16, v16;
	v10 =	vadd.f32 v54, v53;
	v7 =	vadd.f32 v55, v11  }
0x88: {  	[tilespmem:s23+$0x2680] =	vst v52;
	v57 =	vadd.f32 v8, v5;
	v58 =	vadd.f32 v9, v6  }
0x89: {  	[tilespmem:s22+$0x2380] =	vst v19;
	v59 =	vadd.f32 v10, v56  }
0x8a: {  	[tilespmem:s22+$0x2480] =	vst v20;
	v60 =	vadd.f32 v7, v4;
	v61 =	vmul.f32 v57, v57;
	v9 =	vmul.f32 v58, v58  }
0x8b: {  	[tilespmem:s22+$0x2580] =	vst v16  }
0x8c: {  	[tilespmem:s22+$0x2680] =	vst v59;
	v62 =	vmul.f32 v60, v60;
	v7 =	vadd.f32 v9, v61  }
0x8d: {  	[tilespmem:s24+$0x2380] =	vst v57  }
0x8e: {  	[tilespmem:s24+$0x2480] =	vst v58;
	v63 =	vadd.f32 v7, v62  }
0x8f: {  	[tilespmem:s24+$0x2580] =	vst v60  }
0x90: {  	[tilespmem:s24+$0x2680] =	vst v63  }
.LBB2_7:
0x91: {  	s22 =	sshll.u32 s21, $0x4  }
0x92: {  	v2 =	vld [tilespmem:s22+$0x2380]  }
0x93: {  	v0 =	vld [tilespmem:s22+$0x2480]  }
0x94: {  	v1 =	vld [tilespmem:s22+$0x2580];
	_ =	sdelay $0x3  }
0x95: {  	v3 =	vbroadcast v2, $0x0;
	v5 =	vbroadcast v0, $0x0  }
0x96: {  	v6 =	vbroadcast v1, $0x0;
	v7 =	vbroadcast v2, $0x1  }
0x97: {  	v8 =	vbroadcast v0, $0x1;
	v9 =	vbroadcast v1, $0x1  }
0x98: {  	v10 =	vbroadcast v2, $0x2;
	v11 =	vbroadcast v0, $0x2  }
0x99: {  	v16 =	vbroadcast v1, $0x2;
	v17 =	vbroadcast v2, $0x3  }
0x9a: {  	v18 =	vbroadcast v0, $0x3;
	v19 =	vbroadcast v1, $0x3  }
0x9b: {  	s23 =	simm.s32 $0x0;
	v20 =	vbroadcast v2, $0x4;
	v21 =	vbroadcast v0, $0x4  }
0x9c: {  	v4 =	vld [tilespmem:s23+$0x1190];
	v22 =	vbroadcast v1, $0x4;
	v23 =	vbroadcast v2, $0x5  }
0x9d: {  	v24 =	vbroadcast v0, $0x5;
	v25 =	vbroadcast v1, $0x5  }
0x9e: {  	v38 =	vld [tilespmem:s23+$0x1180];
	v26 =	vbroadcast v2, $0x6;
	v27 =	vbroadcast v0, $0x6  }
0x9f: {  	v39 =	vld [tilespmem:s23+$0x1A90];
	v29 =	vbroadcast v1, $0x6;
	v30 =	vbroadcast v2, $0x7  }
0xa0: {  	v41 =	vld [tilespmem:s23+$0x1A80];
	v31 =	vbroadcast v0, $0x7;
	v32 =	vbroadcast v1, $0x7  }
0xa1: {  	v42 =	vld [tilespmem:s23+$0x1600];
	v34 =	vmul.f32 v4, v7;
	v37 =	vmul.f32 v4, v17  }
0xa2: {  	v40 =	vmul.f32 v4, v3;
	v35 =	vmul.f32 v4, v20  }
0xa3: {  	v44 =	vld [tilespmem:s23+$0x1610];
	v43 =	vmul.f32 v38, v23;
	v46 =	vmul.f32 v4, v10  }
0xa4: {  	v47 =	vmul.f32 v39, v16;
	v51 =	vmul.f32 v39, v19  }
0xa5: {  	v48 =	vmul.f32 v41, v6;
	v49 =	vmul.f32 v39, v6  }
0xa6: {  	[tilespmem:$0x1FF10] =	vst v0;
	v0 =	vmul.f32 v42, v5;
	v50 =	vmul.f32 v39, v9  }
0xa7: {  	[tilespmem:$0x1FF20] =	vst v1;
	v54 =	vmul.f32 v42, v11;
	v1 =	vmul.f32 v4, v30  }
0xa8: {  	v52 =	vmul.f32 v44, v8;
	v55 =	vmul.f32 v39, v25  }
0xa9: {  	v36 =	vld [tilespmem:s23+$0x1F10];
	v56 =	vmul.f32 v38, v7;
	v57 =	vmul.f32 v41, v25  }
0xaa: {  	v28 =	vld [tilespmem:s23+$0x1F00];
	[tilespmem:$0x1FF00] =	vst v2;
	v2 =	vmul.f32 v4, v23;
	v4 =	vmul.f32 v4, v26  }
0xab: {  	v58 =	vmul.f32 v42, v21;
	v59 =	vmul.f32 v44, v5  }
0xac: {  	v60 =	vmul.f32 v41, v19;
	v12 =	vmul.f32 v42, v27  }
0xad: {  	v33 =	vimm.f32 $3.000000010e+38;
	v61 =	vmul.f32 v41, v29;
	v13 =	vmul.f32 v39, v22  }
0xae: {  	v63 =	vmul.f32 v44, v11;
	v45 =	vadd.f32 v36, v34;
	v53 =	vadd.f32 v36, v35  }
0xaf: {  	[tilespmem:$0x1FF30] =	vst v6;
	v14 =	vmul.f32 v44, v27;
	v35 =	vadd.f32 v28, v43;
	v62 =	vadd.f32 v36, v37  }
0xb0: {  	[tilespmem:$0x1FF50] =	vst v5;
	v5 =	vmul.f32 v39, v29;
	v34 =	vadd.f32 v36, v40;
	v37 =	vadd.f32 v48, v0  }
0xb1: {  	[tilespmem:$0x1FF40] =	vst v7;
	v6 =	vmul.f32 v38, v30;
	v43 =	vadd.f32 v36, v1;
	v46 =	vadd.f32 v36, v46  }
0xb2: {  	[tilespmem:$0x1FF60] =	vst v11;
	v11 =	vmul.f32 v41, v22;
	v7 =	vadd.f32 v50, v52;
	v52 =	vadd.f32 v36, v2  }
0xb3: {  	v39 =	vmul.f32 v39, v32;
	v40 =	vadd.f32 v36, v4;
	v36 =	vadd.f32 v28, v56  }
0xb4: {  	v4 =	vmul.f32 v41, v32;
	v50 =	vadd.f32 v49, v59;
	v47 =	vadd.f32 v47, v63  }
0xb5: {  	v49 =	vadd.f32 v5, v14;
	v14 =	vmul.f32 v44, v31;
	v2 =	vmul.f32 v42, v8  }
0xb6: {  	[tilespmem:$0x1FF70] =	vst v8;
	v0 =	vadd.f32 v11, v58;
	v8 =	vmul.f32 v41, v16;
	v41 =	vmul.f32 v41, v9  }
0xb7: {  	[tilespmem:$0x1FF80] =	vst v9;
	v59 =	vadd.f32 v28, v6;
	v9 =	vmul.f32 v38, v20;
	v11 =	vmul.f32 v42, v24  }
0xb8: {  	v63 =	vmul.f32 v38, v3;
	v48 =	vadd.f32 v7, v45;
	v45 =	vadd.f32 v61, v12  }
0xb9: {  	v7 =	vmul.f32 v44, v21;
	v46 =	vadd.f32 v47, v46;
	v12 =	vmul.f32 v42, v31  }
0xba: {  	v56 =	vadd.f32 v39, v14;
	v42 =	vmul.f32 v42, v18;
	v54 =	vadd.f32 v8, v54  }
0xbb: {  	v61 =	vmul.f32 v38, v10;
	v1 =	vadd.f32 v13, v7;
	v13 =	vmul.f32 v44, v18  }
0xbc: {  	v14 =	vadd.f32 v28, v9;
	v44 =	vmul.f32 v44, v24;
	v4 =	vadd.f32 v4, v12  }
0xbd: {  	v39 =	vimm.f32 $3.000000010e+38;
	v12 =	vadd.f32 v41, v2;
	v51 =	vadd.f32 v51, v13  }
0xbe: {  	v41 =	vimm.f32 $3.000000010e+38;
	v44 =	vadd.f32 v55, v44;
	v55 =	vadd.f32 v60, v42;
	v42 =	vld [tilespmem:s22+$0x2680]  }
0xbf: {  	v58 =	vadd.f32 v4, v59;
	v13 =	vmul.f32 v38, v17;
	v59 =	vadd.f32 v57, v11  }
0xc0: {  	v57 =	vmul.f32 v38, v26;
	v4 =	vadd.f32 v12, v36;
	v53 =	vadd.f32 v1, v53  }
0xc1: {  	[tilespmem:$0x1FF90] =	vst v10;
	v38 =	vimm.f32 $3.000000010e+38;
	v36 =	vimm.f32 $3.000000010e+38;
	v52 =	vadd.f32 v44, v52  }
0xc2: {  	[tilespmem:$0x1FFA0] =	vst v3;
	v60 =	vadd.f32 v28, v13;
	v51 =	vadd.f32 v51, v62;
	v47 =	vmin.f32 v33, v4  }
0xc3: {  	s23 =	simm.s32 $0x80;
	v62 =	vadd.f32 v0, v14;
	v44 =	vimm.f32 $3.000000010e+38;
	[tilespmem:$0x1FFB0] =	vst v42;
	v42 =	vimm.f32 $3.000000010e+38  }
.LBB2_8:
0xc4: {  	v3 =	vld [tilespmem:$0x1FF40]  }
0xc5: {  	v35 =	vadd.f32 v59, v35;
	v15 =	vld [tilespmem:$0x1FF90]  }
0xc6: {  	s24 =	sshra.s32 s23, $0x2;
	v1 =	vmin.f32 v33, v58;
	v2 =	vadd.f32 v50, v34;
	v9 =	vld [tilespmem:$0x1FF30];
	v0 =	vadd.f32 v28, v63  }
0xc7: {  	v47 =	vmin.f32 v47, v48;
	v10 =	vadd.f32 v56, v43;
	v12 =	vadd.f32 v28, v61;
	v48 =	vld [tilespmem:s24+$0x1190]  }
0xc8: {  	v4 =	vld [tilespmem:$0x1FF50];
	v13 =	vmin.f32 v44, v62;
	v28 =	vadd.f32 v28, v57;
	v57 =	vadd.f32 v55, v60  }
0xc9: {  	v60 =	vld [tilespmem:s24+$0x1180];
	v61 =	vadd.f32 v49, v40;
	v35 =	vmin.f32 v39, v35;
	v0 =	vadd.f32 v37, v0  }
0xca: {  	v55 =	vld [tilespmem:s24+$0x1A90];
	v44 =	vmin.f32 v13, v53;
	v14 =	vadd.f32 v54, v12;
	v45 =	vadd.f32 v45, v28  }
0xcb: {  	v11 =	vld [tilespmem:s24+$0x1F00];
	v39 =	vmin.f32 v35, v52;
	v38 =	vmin.f32 v38, v57;
	v33 =	vmin.f32 v1, v10  }
0xcc: {  	v58 =	vld [tilespmem:s24+$0x1F10];
	v38 =	vmin.f32 v38, v51;
	v0 =	vmin.f32 v41, v0;
	v62 =	vmul.f32 v48, v3  }
0xcd: {  	v13 =	vld [tilespmem:$0x1FFA0];
	v59 =	vmin.f32 v42, v14;
	v63 =	vmul.f32 v48, v17;
	v7 =	vmul.f32 v48, v20  }
0xce: {  	v1 =	vld [tilespmem:s24+$0x1600];
	v42 =	vmin.f32 v59, v46;
	v8 =	vmul.f32 v60, v23;
	v46 =	vmul.f32 v48, v15  }
0xcf: {  	v41 =	vmin.f32 v0, v2;
	v0 =	vld [tilespmem:s24+$0x1A80];
	v49 =	vmul.f32 v55, v16;
	v51 =	vmul.f32 v55, v19  }
0xd0: {  	v52 =	vld [tilespmem:s24+$0x1610];
	v36 =	vmin.f32 v36, v45;
	v50 =	vmul.f32 v55, v9;
	v6 =	vmul.f32 v48, v30  }
0xd1: {  	v36 =	vmin.f32 v36, v61;
	v59 =	vmul.f32 v55, v25;
	v61 =	vmul.f32 v60, v3  }
0xd2: {  	v14 =	vld [tilespmem:$0x1FF80];
	v28 =	vmovc v11;
	v2 =	vmul.f32 v48, v26;
	v43 =	vmul.f32 v48, v13;
	v45 =	vadd.f32 v58, v62  }
0xd3: {  	v53 =	vadd.f32 v58, v7;
	v35 =	vadd.f32 v28, v8;
	v11 =	vmul.f32 v1, v4  }
0xd4: {  	v62 =	vadd.f32 v58, v63;
	v7 =	vld [tilespmem:$0x1FF60];
	v3 =	vmul.f32 v1, v21;
	v10 =	vmul.f32 v0, v9  }
0xd5: {  	v4 =	vmul.f32 v52, v4;
	v40 =	vadd.f32 v58, v2;
	v2 =	vadd.f32 v28, v61  }
0xd6: {  	v61 =	vmul.f32 v55, v22;
	v56 =	vmul.f32 v52, v27;
	v37 =	vadd.f32 v10, v11;
	v10 =	vld [tilespmem:$0x1FF70]  }
0xd7: {  	v8 =	vmul.f32 v55, v32;
	v34 =	vadd.f32 v58, v43;
	v12 =	vmul.f32 v55, v14  }
0xd8: {  	v43 =	vadd.f32 v58, v6;
	v63 =	vmul.f32 v0, v25;
	v11 =	vmul.f32 v48, v23  }
0xd9: {  	v50 =	vadd.f32 v50, v4;
	v5 =	vmul.f32 v0, v19;
	v54 =	vmul.f32 v52, v7  }
0xda: {  	v57 =	vmul.f32 v1, v7;
	v6 =	vadd.f32 v58, v11;
	v11 =	vmul.f32 v0, v29  }
0xdb: {  	v4 =	vadd.f32 v49, v54;
	v49 =	vmul.f32 v55, v29;
	v9 =	vmul.f32 v52, v10  }
0xdc: {  	v46 =	vadd.f32 v58, v46;
	v58 =	vmul.f32 v0, v32;
	v54 =	vmul.f32 v52, v31  }
0xdd: {  	v49 =	vadd.f32 v49, v56;
	v55 =	vmul.f32 v1, v10;
	v12 =	vadd.f32 v12, v9  }
0xde: {  	v46 =	vadd.f32 v4, v46;
	v10 =	vmul.f32 v0, v22;
	v9 =	vmul.f32 v1, v27  }
0xdf: {  	v56 =	vmul.f32 v52, v24;
	v48 =	vadd.f32 v12, v45;
	v12 =	vmul.f32 v60, v30  }
0xe0: {  	v3 =	vadd.f32 v10, v3;
	v45 =	vadd.f32 v11, v9;
	v9 =	vmul.f32 v52, v21  }
0xe1: {  	v11 =	vmul.f32 v1, v31;
	v7 =	vadd.f32 v28, v12;
	v12 =	vmul.f32 v52, v18  }
0xe2: {  	v4 =	vadd.f32 v61, v9;
	v61 =	vmul.f32 v0, v16;
	v0 =	vmul.f32 v0, v14  }
0xe3: {  	v11 =	vadd.f32 v58, v11;
	v9 =	vadd.f32 v59, v56;
	v14 =	vmul.f32 v1, v24  }
0xe4: {  	v56 =	vadd.f32 v8, v54;
	v1 =	vmul.f32 v1, v18;
	v10 =	vadd.f32 v51, v12  }
0xe5: {  	p0 =	sne.s32 s23, $0x1080;
	v12 =	vmul.f32 v60, v20;
	v58 =	vadd.f32 v11, v7;
	v52 =	vadd.f32 v9, v6  }
.Ltmp2:
0xe6: {  	v0 =	vadd.f32 v0, v55;
	v11 =	vmul.f32 v60, v17;
	v59 =	vadd.f32 v63, v14;
	(pc) =	sbr.rel @p0 .LBB2_8-.Ltmp2, $4  }
0xe7: {  	v54 =	vadd.f32 v61, v57;
	v55 =	vadd.f32 v5, v1;
	v57 =	vmul.f32 v60, v26  }
0xe8: {  	v61 =	vmul.f32 v60, v15;
	v0 =	vadd.f32 v0, v2;
	v14 =	vadd.f32 v28, v12  }
0xe9: {  	v63 =	vmul.f32 v60, v13;
	v53 =	vadd.f32 v4, v53;
	v60 =	vadd.f32 v28, v11  }
0xea: {  	s23 =	sadd.s32 $0x80, s23;
	v51 =	vadd.f32 v10, v62;
	v47 =	vmin.f32 v47, v0;
	v62 =	vadd.f32 v3, v14  }
0xeb: {  	v0 =	vadd.f32 v28, v63  }
0xec: {  	v1 =	vadd.f32 v56, v43;
	v3 =	vadd.f32 v28, v61  }
0xed: {  	v4 =	vadd.f32 v59, v35;
	v6 =	vadd.f32 v50, v34;
	v13 =	vld [tilespmem:$0x1FFC0]  }
0xee: {  	v2 =	vmin.f32 v33, v58;
	v8 =	vadd.f32 v28, v57;
	v0 =	vadd.f32 v37, v0  }
0xef: {  	v5 =	vmin.f32 v47, v48;
	v9 =	vadd.f32 v55, v60;
	v10 =	vadd.f32 v49, v40  }
0xf0: {  	v7 =	vmin.f32 v44, v62;
	v3 =	vadd.f32 v54, v3;
	v0 =	vmin.f32 v41, v0  }
0xf1: {  	v14 =	vld [tilespmem:$0x1FFD0];
	v4 =	vmin.f32 v39, v4;
	v9 =	vmin.f32 v38, v9;
	v0 =	vmin.f32 v0, v6  }
0xf2: {  	v3 =	vmin.f32 v42, v3;
	v6 =	vadd.f32 v45, v8;
	v8 =	vperm.xlane v0, v13  }
0xf3: {  	v7 =	vmin.f32 v7, v53;
	v1 =	vmin.f32 v2, v1;
	v3 =	vmin.f32 v3, v46  }
0xf4: {  	v15 =	vld [tilespmem:$0x1FFE0];
	v12 =	vperm.xlane v3, v13;
	v0 =	vmin.f32 v0, v8;
	v8 =	vperm.xlane v5, v13  }
0xf5: {  	v4 =	vmin.f32 v4, v52;
	v9 =	vmin.f32 v9, v51;
	v6 =	vmin.f32 v36, v6  }
0xf6: {  	v3 =	vmin.f32 v3, v12;
	v11 =	vperm.xlane v0, v14;
	v5 =	vmin.f32 v5, v8  }
0xf7: {  	v18 =	vld [tilespmem:$0x1FFF0];
	v45 =	vmin.f32 v6, v10;
	v12 =	vperm.xlane v3, v14;
	v8 =	vperm.xlane v5, v14  }
0xf8: {  	v40 =	vperm.xlane v9, v13;
	v46 =	vperm.xlane v45, v13;
	v0 =	vmin.f32 v0, v11  }
0xf9: {  	v3 =	vmin.f32 v3, v12;
	v11 =	vperm.xlane v0, v15;
	v39 =	vmin.f32 v5, v8  }
0xfa: {  	v8 =	vperm.xlane v3, v15;
	v5 =	vmin.f32 v9, v40;
	v9 =	vperm.xlane v7, v13  }
0xfb: {  	v11 =	vmin.f32 v0, v11;
	v41 =	vperm.xlane v39, v15;
	v42 =	vperm.xlane v5, v14  }
0xfc: {  	[tilespmem:$0x1FD40] =	vst v11;
	v11 =	vperm.xlane v11, v18;
	v3 =	vmin.f32 v3, v8;
	v43 =	vmin.f32 v7, v9  }
0xfd: {  	v7 =	vperm.xlane v4, v13;
	v8 =	vperm.xlane v1, v13;
	v2 =	vmin.f32 v39, v41;
	[tilespmem:$0x1FD80] =	vst v3  }
0xfe: {  	v3 =	vperm.xlane v3, v18;
	v0 =	vmin.f32 v5, v42;
	v44 =	vperm.xlane v43, v14;
	[tilespmem:$0x1FD50] =	vst v11  }
0xff: {  	[tilespmem:$0x1FD60] =	vst v2;
	v2 =	vperm.xlane v2, v18;
	v6 =	vperm.xlane v0, v15;
	v1 =	vmin.f32 v1, v8  }
0x100: {  	v4 =	vmin.f32 v4, v7;
	v11 =	vld [tilespmem:$0x1FF00];
	[tilespmem:$0x1FD90] =	vst v3;
	v3 =	vmin.f32 v45, v46;
	v50 =	vperm.xlane v1, v14  }
0x101: {  	[tilespmem:$0x1FD70] =	vst v2;
	v2 =	vmin.f32 v43, v44;
	v9 =	vmin.f32 v0, v6;
	v6 =	vperm.xlane v4, v14  }
0x102: {  	v49 =	vperm.xlane v3, v14;
	v47 =	vperm.xlane v2, v15  }
0x103: {  	v7 =	vperm.xlane v9, v18;
	v1 =	vmin.f32 v1, v50;
	v4 =	vmin.f32 v4, v6  }
0x104: {  	s23 =	simm.s32 $0x0;
	v0 =	vmin.f32 v3, v49;
	v53 =	vperm.xlane v1, v15;
	v51 =	vperm.xlane v4, v15  }
0x105: {  	v8 =	vld [tilespmem:s23+$0x1190];
	v52 =	vperm.xlane v0, v15;
	v19 =	vbroadcast v11, $0x8  }
0x106: {  	v21 =	vbroadcast v11, $0x9;
	v24 =	vbroadcast v11, $0xA  }
0x107: {  	v6 =	vld [tilespmem:$0x1FF10];
	v27 =	vbroadcast v11, $0xB;
	v30 =	vbroadcast v11, $0xC  }
0x108: {  	v48 =	vmin.f32 v2, v47;
	v33 =	vbroadcast v11, $0xD;
	v36 =	vbroadcast v11, $0xE  }
0x109: {  	v39 =	vbroadcast v11, $0xF;
	v5 =	vperm.xlane v48, v18  }
0x10a: {  	v54 =	vmul.f32 v8, v21;
	v13 =	vmul.f32 v8, v27  }
0x10b: {  	[tilespmem:$0x1FDA0] =	vst v9;
	v9 =	vld [tilespmem:s23+$0x1F10];
	v55 =	vmul.f32 v8, v19;
	v56 =	vmul.f32 v8, v30  }
0x10c: {  	[tilespmem:$0x1FDB0] =	vst v7;
	v7 =	vld [tilespmem:$0x1FF20];
	v57 =	vmul.f32 v8, v24;
	v20 =	vbroadcast v6, $0x8  }
0x10d: {  	v22 =	vbroadcast v6, $0x9;
	v25 =	vbroadcast v6, $0xA  }
0x10e: {  	v28 =	vbroadcast v6, $0xB;
	v31 =	vbroadcast v6, $0xC  }
0x10f: {  	[tilespmem:$0x1FDD0] =	vst v5;
	v5 =	vmin.f32 v1, v53;
	v34 =	vbroadcast v6, $0xD;
	v37 =	vbroadcast v6, $0xE  }
0x110: {  	v40 =	vbroadcast v6, $0xF;
	v44 =	vadd.f32 v9, v13;
	v13 =	vmul.f32 v8, v39  }
0x111: {  	v12 =	vld [tilespmem:s23+$0x1600];
	v3 =	vadd.f32 v9, v57;
	v57 =	vperm.xlane v5, v18;
	v17 =	vbroadcast v7, $0x8  }
0x112: {  	v23 =	vbroadcast v7, $0x9;
	v26 =	vbroadcast v7, $0xA  }
0x113: {  	v29 =	vbroadcast v7, $0xB;
	v32 =	vbroadcast v7, $0xC  }
0x114: {  	v10 =	vld [tilespmem:s23+$0x1A90];
	v6 =	vmin.f32 v0, v52;
	v35 =	vbroadcast v7, $0xD;
	v38 =	vbroadcast v7, $0xE  }
0x115: {  	v11 =	vld [tilespmem:s23+$0x1A80];
	v2 =	vadd.f32 v9, v56;
	v41 =	vbroadcast v7, $0xF;
	v56 =	vperm.xlane v6, v18  }
0x116: {  	v58 =	vmul.f32 v12, v20;
	v49 =	vmul.f32 v12, v25  }
0x117: {  	v1 =	vld [tilespmem:s23+$0x1610];
	v53 =	vadd.f32 v9, v13;
	v13 =	vmul.f32 v8, v33;
	v8 =	vmul.f32 v8, v36  }
0x118: {  	v7 =	vmin.f32 v4, v51;
	v42 =	vmul.f32 v12, v31;
	v62 =	vmul.f32 v12, v37  }
0x119: {  	v45 =	vadd.f32 v9, v55;
	[tilespmem:$0x1FE70] =	vst v7;
	v7 =	vperm.xlane v7, v18;
	v14 =	vmul.f32 v10, v26  }
0x11a: {  	v4 =	vadd.f32 v9, v54;
	[tilespmem:$0x1FEF0] =	vst v57;
	v15 =	vmul.f32 v10, v29;
	v16 =	vmul.f32 v11, v17  }
0x11b: {  	v57 =	vimm.f32 $3.000000010e+38;
	[tilespmem:$0x1FDE0] =	vst v17;
	v17 =	vmul.f32 v10, v17;
	v59 =	vmul.f32 v10, v23  }
0x11c: {  	v51 =	vmul.f32 v11, v23;
	[tilespmem:$0x1FED0] =	vst v56;
	v56 =	vimm.f32 $3.000000010e+38;
	v60 =	vmul.f32 v1, v22  }
0x11d: {  	v61 =	vmul.f32 v1, v20;
	v50 =	vadd.f32 v9, v13;
	v13 =	vmul.f32 v11, v38  }
0x11e: {  	[tilespmem:$0x1FDC0] =	vst v48;
	v48 =	vadd.f32 v9, v8;
	v63 =	vmul.f32 v1, v25;
	v8 =	vmul.f32 v1, v37  }
0x11f: {  	[tilespmem:$0x1FDF0] =	vst v20;
	v9 =	vmul.f32 v10, v38;
	v20 =	vmul.f32 v1, v28;
	v0 =	vadd.f32 v59, v60  }
0x120: {  	v47 =	vadd.f32 v16, v58;
	v16 =	vmul.f32 v10, v35;
	v55 =	vadd.f32 v13, v62  }
0x121: {  	v13 =	vmul.f32 v10, v32;
	v59 =	vadd.f32 v17, v61;
	v58 =	vadd.f32 v0, v4;
	v4 =	vld [tilespmem:s23+$0x1180]  }
0x122: {  	v61 =	vadd.f32 v9, v8;
	v8 =	vmul.f32 v11, v41;
	v9 =	vmul.f32 v12, v40  }
0x123: {  	v46 =	vld [tilespmem:s23+$0x1F00];
	v17 =	vmul.f32 v11, v32;
	v10 =	vmul.f32 v10, v41;
	v0 =	vadd.f32 v14, v63  }
0x124: {  	v60 =	vimm.f32 $3.000000010e+38;
	v14 =	vmul.f32 v1, v31;
	v8 =	vadd.f32 v8, v9  }
0x125: {  	v54 =	vadd.f32 v0, v3;
	v0 =	vadd.f32 v15, v20;
	v15 =	vmul.f32 v1, v34  }
0x126: {  	[tilespmem:$0x1FE00] =	vst v25;
	v25 =	vadd.f32 v13, v14;
	v14 =	vadd.f32 v17, v42;
	v13 =	vmul.f32 v4, v39  }
0x127: {  	[tilespmem:$0x1FE10] =	vst v21;
	v1 =	vmul.f32 v1, v40;
	v15 =	vadd.f32 v16, v15;
	v16 =	vmul.f32 v12, v22  }
0x128: {  	[tilespmem:$0x1FE90] =	vst v27;
	v17 =	vmul.f32 v4, v21;
	v52 =	vmul.f32 v4, v27;
	v9 =	vadd.f32 v46, v13  }
0x129: {  	[tilespmem:$0x1FEA0] =	vst v24;
	v13 =	vadd.f32 v10, v1;
	v10 =	vmul.f32 v11, v26;
	v1 =	vadd.f32 v51, v16  }
0x12a: {  	[tilespmem:$0x1FEB0] =	vst v19;
	v16 =	vadd.f32 v46, v17;
	v51 =	vimm.f32 $3.000000010e+38;
	v42 =	vadd.f32 v8, v9  }
0x12b: {  	[tilespmem:$0x1FEE0] =	vst v5;
	v8 =	vmul.f32 v11, v35;
	v9 =	vadd.f32 v15, v50;
	v15 =	vmul.f32 v12, v34  }
0x12c: {  	[tilespmem:$0x1FEC0] =	vst v6;
	v11 =	vmul.f32 v11, v29;
	v12 =	vmul.f32 v12, v28;
	v17 =	vadd.f32 v10, v49  }
0x12d: {  	[tilespmem:$0x1FE20] =	vst v22;
	v10 =	vmul.f32 v4, v33;
	v1 =	vadd.f32 v1, v16;
	v16 =	vadd.f32 v25, v2  }
0x12e: {  	[tilespmem:$0x1FE60] =	vst v28;
	v50 =	vimm.f32 $3.000000010e+38;
	v43 =	vadd.f32 v8, v15;
	v15 =	vmul.f32 v4, v30  }
0x12f: {  	[tilespmem:$0x1FE30] =	vst v23;
	v49 =	vimm.f32 $3.000000010e+38;
	v8 =	vadd.f32 v11, v12;
	v63 =	vadd.f32 v46, v10  }
0x130: {  	[tilespmem:$0x1FE40] =	vst v26;
	v12 =	vadd.f32 v0, v44;
	v10 =	vmul.f32 v4, v36;
	v11 =	vadd.f32 v46, v15  }
0x131: {  	[tilespmem:$0x1FE50] =	vst v29;
	v44 =	vmul.f32 v4, v19;
	v62 =	vmin.f32 v60, v1;
	v15 =	vmul.f32 v4, v24  }
0x132: {  	[tilespmem:$0x1FE80] =	vst v7;
	s23 =	simm.s32 $0x80;
	v14 =	vadd.f32 v14, v11;
	v11 =	vadd.f32 v46, v52;
	v52 =	vimm.f32 $3.000000010e+38  }
.LBB2_10:
0x133: {  	v6 =	vld [tilespmem:$0x1FE10]  }
0x134: {  	v28 =	vld [tilespmem:$0x1FE90]  }
0x135: {  	v24 =	vld [tilespmem:$0x1FEB0]  }
0x136: {  	v26 =	vld [tilespmem:$0x1FEA0]  }
0x137: {  	v27 =	vld [tilespmem:$0x1FE40]  }
0x138: {  	v62 =	vmin.f32 v62, v58;
	v21 =	vld [tilespmem:$0x1FE50]  }
0x139: {  	v5 =	vld [tilespmem:$0x1FDE0];
	v0 =	vadd.f32 v46, v44;
	v1 =	vmin.f32 v60, v42;
	v2 =	vadd.f32 v13, v53  }
0x13a: {  	s24 =	sshra.s32 s23, $0x2;
	v18 =	vld [tilespmem:$0x1FDF0];
	v4 =	vadd.f32 v46, v15;
	v13 =	vadd.f32 v43, v63;
	v14 =	vmin.f32 v57, v14  }
0x13b: {  	v10 =	vadd.f32 v46, v10;
	v42 =	vld [tilespmem:s24+$0x1190];
	v8 =	vadd.f32 v8, v11;
	v57 =	vmin.f32 v14, v16  }
0x13c: {  	v25 =	vld [tilespmem:$0x1FE30];
	v0 =	vadd.f32 v47, v0;
	v4 =	vadd.f32 v17, v4;
	v11 =	vmin.f32 v52, v13  }
0x13d: {  	v15 =	vld [tilespmem:s24+$0x1F10];
	v10 =	vadd.f32 v55, v10;
	v17 =	vadd.f32 v59, v45;
	v8 =	vmin.f32 v51, v8  }
0x13e: {  	v43 =	vld [tilespmem:s24+$0x1610];
	v60 =	vmin.f32 v1, v2;
	v52 =	vmin.f32 v11, v9;
	v9 =	vadd.f32 v61, v48  }
0x13f: {  	v13 =	vld [tilespmem:s24+$0x1A90];
	v51 =	vmin.f32 v8, v12;
	v0 =	vmin.f32 v50, v0;
	v4 =	vmin.f32 v56, v4  }
0x140: {  	v1 =	vld [tilespmem:s24+$0x1600];
	v44 =	vmin.f32 v49, v10;
	v45 =	vmul.f32 v42, v6;
	v8 =	vmul.f32 v42, v28  }
0x141: {  	v3 =	vld [tilespmem:s24+$0x1F00];
	v49 =	vmin.f32 v44, v9;
	v53 =	vmul.f32 v42, v24;
	v9 =	vmul.f32 v42, v30  }
0x142: {  	v50 =	vmin.f32 v0, v17;
	v10 =	vmul.f32 v42, v26;
	v61 =	vmul.f32 v42, v39  }
0x143: {  	v19 =	vld [tilespmem:$0x1FE00];
	v56 =	vmin.f32 v4, v54;
	v59 =	vmul.f32 v43, v18;
	v54 =	vmul.f32 v43, v37  }
0x144: {  	v11 =	vld [tilespmem:s24+$0x1180];
	v2 =	vadd.f32 v15, v45;
	v12 =	vmul.f32 v13, v27;
	v14 =	vmul.f32 v13, v21  }
0x145: {  	v0 =	vld [tilespmem:s24+$0x1A80];
	v16 =	vadd.f32 v15, v9;
	v4 =	vmul.f32 v13, v5;
	v17 =	vmul.f32 v1, v18  }
0x146: {  	v46 =	vmovc v3;
	v48 =	vmul.f32 v13, v25;
	v3 =	vadd.f32 v15, v10;
	v10 =	vmul.f32 v42, v33  }
0x147: {  	v20 =	vld [tilespmem:$0x1FE20];
	v45 =	vadd.f32 v15, v53;
	v42 =	vmul.f32 v42, v36;
	v7 =	vmul.f32 v1, v31  }
0x148: {  	v53 =	vadd.f32 v15, v61;
	v23 =	vmul.f32 v1, v37;
	v18 =	vmul.f32 v13, v41  }
0x149: {  	v47 =	vmul.f32 v11, v33;
	v22 =	vmul.f32 v11, v6;
	v10 =	vadd.f32 v15, v10  }
0x14a: {  	v9 =	vmul.f32 v0, v5;
	v5 =	vadd.f32 v15, v8;
	v8 =	vmul.f32 v1, v19  }
0x14b: {  	v29 =	vld [tilespmem:$0x1FE60];
	v63 =	vadd.f32 v46, v47;
	v44 =	vmul.f32 v0, v21;
	v21 =	vmul.f32 v0, v38  }
0x14c: {  	v6 =	vmul.f32 v0, v35;
	v47 =	vadd.f32 v9, v17;
	v9 =	vmul.f32 v43, v20  }
0x14d: {  	v17 =	vmul.f32 v13, v35;
	v55 =	vadd.f32 v21, v23;
	v23 =	vmul.f32 v11, v39  }
0x14e: {  	v59 =	vadd.f32 v4, v59;
	v20 =	vmul.f32 v1, v20;
	v21 =	vmul.f32 v0, v32  }
0x14f: {  	v9 =	vadd.f32 v48, v9;
	v48 =	vadd.f32 v15, v42;
	v15 =	vmul.f32 v13, v32  }
0x150: {  	v42 =	vadd.f32 v46, v23;
	v13 =	vmul.f32 v13, v38;
	v23 =	vmul.f32 v43, v29  }
0x151: {  	v58 =	vadd.f32 v9, v2;
	v2 =	vadd.f32 v46, v22;
	v22 =	vmul.f32 v43, v19  }
0x152: {  	v7 =	vadd.f32 v21, v7;
	v9 =	vmul.f32 v0, v41;
	v19 =	vmul.f32 v43, v31  }
0x153: {  	v61 =	vadd.f32 v13, v54;
	v4 =	vadd.f32 v12, v22;
	v12 =	vmul.f32 v43, v40  }
0x154: {  	v14 =	vadd.f32 v14, v23;
	v22 =	vmul.f32 v1, v40;
	v43 =	vmul.f32 v43, v34  }
0x155: {  	v54 =	vadd.f32 v4, v3;
	v3 =	vadd.f32 v15, v19;
	v15 =	vmul.f32 v0, v27  }
0x156: {  	v0 =	vmul.f32 v0, v25;
	v9 =	vadd.f32 v9, v22;
	v4 =	vadd.f32 v17, v43  }
0x157: {  	v17 =	vmul.f32 v1, v34;
	v13 =	vadd.f32 v18, v12;
	v12 =	vadd.f32 v14, v5  }
0x158: {  	p0 =	sne.s32 s23, $0x1080;
	v1 =	vmul.f32 v1, v29;
	v42 =	vadd.f32 v9, v42;
	v9 =	vadd.f32 v4, v10  }
.Ltmp3:
0x159: {  	v19 =	vmul.f32 v11, v30;
	v0 =	vadd.f32 v0, v20;
	v43 =	vadd.f32 v6, v17;
	(pc) =	sbr.rel @p0 .LBB2_10-.Ltmp3, $4  }
0x15a: {  	v25 =	vmul.f32 v11, v28;
	v17 =	vadd.f32 v15, v8;
	v8 =	vadd.f32 v44, v1  }
0x15b: {  	v10 =	vmul.f32 v11, v36;
	v27 =	vadd.f32 v46, v19;
	v0 =	vadd.f32 v0, v2  }
0x15c: {  	v15 =	vmul.f32 v11, v26;
	v44 =	vmul.f32 v11, v24;
	v11 =	vadd.f32 v46, v25  }
0x15d: {  	s23 =	sadd.s32 $0x80, s23;
	v16 =	vadd.f32 v3, v16;
	v14 =	vadd.f32 v7, v27;
	v62 =	vmin.f32 v62, v0  }
0x15e: {  	v0 =	vadd.f32 v46, v44  }
0x15f: {  	v2 =	vadd.f32 v13, v53;
	v3 =	vadd.f32 v46, v15  }
0x160: {  	v1 =	vmin.f32 v60, v42;
	v4 =	vadd.f32 v43, v63;
	v7 =	vadd.f32 v46, v10  }
0x161: {  	v5 =	vmin.f32 v62, v58;
	v8 =	vadd.f32 v8, v11;
	v53 =	vadd.f32 v59, v45  }
0x162: {  	v58 =	vld [tilespmem:$0x1FD50];
	vm0 =	vmmov $0x1;
	vm14 =	vmmov $0x3;
	vm15 =	vmmov $0x7  }
0x163: {  	v59 =	vld [tilespmem:$0x1FD60];
	vm4 =	vmmov $0xf;
	vm5 =	vmmov $0x1f;
	vm6 =	vmmov $0x3f  }
0x164: {  	v60 =	vld [tilespmem:$0x1FD70];
	vm7 =	vmmov $0x7f;
	vm8 =	vmmov $0xff;
	vm9 =	vmmov $0x1ff  }
0x165: {  	v18 =	vld [tilespmem:$0x1FFB0];
	vm10 =	vmmov $0x3ff;
	vm11 =	vmmov $0x7ff;
	vm12 =	vmmov $0xfff  }
0x166: {  	v24 =	vld [tilespmem:$0x1FFC0];
	v6 =	vmin.f32 v57, v14;
	v0 =	vadd.f32 v47, v0;
	v3 =	vadd.f32 v17, v3  }
0x167: {  	v62 =	vld [tilespmem:$0x1FD90];
	v4 =	vmin.f32 v52, v4;
	v7 =	vadd.f32 v55, v7;
	v55 =	vadd.f32 v61, v48  }
0x168: {  	v57 =	vld [tilespmem:$0x1FD40];
	v8 =	vmin.f32 v51, v8;
	v6 =	vmin.f32 v6, v16;
	v1 =	vmin.f32 v1, v2  }
0x169: {  	v63 =	vld [tilespmem:$0x1FDA0];
	v4 =	vmin.f32 v4, v9;
	v8 =	vmin.f32 v8, v12;
	v0 =	vmin.f32 v50, v0  }
0x16a: {  	v61 =	vld [tilespmem:$0x1FD80];
	v3 =	vmin.f32 v56, v3;
	v7 =	vmin.f32 v49, v7;
	v0 =	vmin.f32 v0, v53  }
0x16b: {  	v16 =	vld [tilespmem:$0x1FDB0];
	v56 =	vmin.f32 v3, v54;
	v10 =	vmin.f32 v59, v60;
	v30 =	vperm.xlane v5, v24  }
0x16c: {  	v19 =	vld [tilespmem:$0x1FDC0];
	v7 =	vmin.f32 v7, v55;
	v37 =	vperm.xlane v8, v24;
	v46 =	vperm.xlane v6, v24  }
0x16d: {  	v20 =	vld [tilespmem:$0x1FDD0];
	v49 =	vperm.xlane v4, v24;
	v52 =	vperm.xlane v1, v24;
	v3 =	vmin.f32 v57, v58  }
0x16e: {  	v28 =	vld [tilespmem:$0x1FFD0];
	v10 =	vadd.f32 v10, v18;
	v25 =	vperm.xlane v0, v24;
	v31 =	vperm.xlane v56, v24  }
0x16f: {  	v22 =	vld [tilespmem:$0x1FE70];
	v51 =	vperm.xlane v7, v24;
	v3 =	vadd.f32 v3, v18;
	v11 =	vmin.f32 v61, v62  }
0x170: {  	v23 =	vld [tilespmem:$0x1FE80];
	v12 =	vmin.f32 v63, v16;
	v5 =	vmin.f32 v5, v30;
	v8 =	vmin.f32 v8, v37  }
0x171: {  	v48 =	vmin.f32 v6, v46;
	v4 =	vmin.f32 v4, v49;
	v1 =	vmin.f32 v1, v52  }
0x172: {  	v26 =	vld [tilespmem:$0x1FEC0];
	v11 =	vadd.f32 v11, v18;
	v17 =	vadd.f32 v12, v18;
	v0 =	vmin.f32 v0, v25  }
0x173: {  	v34 =	vld [tilespmem:$0x1FFE0];
	v12 =	vperm.xlane v5, v28;
	v2 =	vmin.f32 v56, v31;
	v3 =	vsel vm0, v3, v10  }
0x174: {  	v27 =	vld [tilespmem:$0x1FED0];
	v42 =	vperm.xlane v8, v28;
	v3 =	vsel vm14, v3, v11;
	v11 =	vmin.f32 v19, v20  }
0x175: {  	v32 =	vld [tilespmem:$0x1FEE0];
	v29 =	vperm.xlane v0, v28;
	v21 =	vadd.f32 v11, v18;
	v11 =	vmin.f32 v22, v23  }
0x176: {  	v38 =	vld [tilespmem:$0x1FFF0];
	v50 =	vperm.xlane v48, v28;
	v3 =	vsel vm15, v3, v17;
	v11 =	vadd.f32 v11, v18  }
0x177: {  	v33 =	vld [tilespmem:$0x1FEF0];
	v36 =	vperm.xlane v2, v28;
	v0 =	vmin.f32 v0, v29;
	v3 =	vsel vm4, v3, v21  }
0x178: {  	v5 =	vmin.f32 v5, v12;
	v3 =	vsel vm5, v3, v11;
	v11 =	vperm.xlane v0, v34  }
0x179: {  	v53 =	vperm.xlane v4, v28;
	v10 =	vmin.f32 v26, v27;
	v40 =	vperm.xlane v5, v34  }
0x17a: {  	v10 =	vadd.f32 v10, v18;
	v2 =	vmin.f32 v2, v36;
	v0 =	vmin.f32 v0, v11  }
0x17b: {  	v41 =	vperm.xlane v2, v34;
	v5 =	vmin.f32 v5, v40;
	v39 =	vperm.xlane v0, v38  }
0x17c: {  	v43 =	vperm.xlane v5, v38;
	v3 =	vsel vm6, v3, v10;
	v10 =	vmin.f32 v32, v33  }
0x17d: {  	v2 =	vmin.f32 v2, v41;
	v35 =	vadd.f32 v10, v18;
	v0 =	vmin.f32 v0, v39  }
0x17e: {  	v7 =	vmin.f32 v7, v51;
	v9 =	vperm.xlane v2, v38;
	v0 =	vadd.f32 v0, v18  }
0x17f: {  	v56 =	vperm.xlane v1, v28;
	v44 =	vmin.f32 v5, v43;
	v3 =	vsel vm7, v3, v35  }
0x180: {  	v2 =	vmin.f32 v2, v9;
	v0 =	vsel vm8, v3, v0;
	v3 =	vadd.f32 v44, v18  }
0x181: {  	v55 =	vperm.xlane v7, v28;
	v8 =	vmin.f32 v8, v42;
	v2 =	vadd.f32 v2, v18  }
0x182: {  	v4 =	vmin.f32 v4, v53;
	v45 =	vperm.xlane v8, v34;
	v0 =	vsel vm9, v0, v3  }
0x183: {  	v1 =	vmin.f32 v1, v56;
	v0 =	vsel vm10, v0, v2;
	v2 =	vmin.f32 v48, v50  }
0x184: {  	v57 =	vperm.xlane v4, v34;
	v5 =	vmin.f32 v8, v45;
	v54 =	vperm.xlane v2, v34  }
0x185: {  	v7 =	vmin.f32 v7, v55;
	v59 =	vperm.xlane v1, v34;
	v47 =	vperm.xlane v5, v38  }
0x186: {  	v58 =	vmin.f32 v4, v57;
	v9 =	vperm.xlane v7, v34;
	v2 =	vmin.f32 v2, v54  }
0x187: {  	v1 =	vmin.f32 v1, v59;
	v3 =	vmin.f32 v5, v47;
	v8 =	vperm.xlane v2, v38  }
0x188: {  	v60 =	vperm.xlane v58, v38;
	v61 =	vmin.f32 v7, v9;
	v3 =	vadd.f32 v3, v18  }
0x189: {  	v4 =	vperm.xlane v1, v38;
	v7 =	vperm.xlane v61, v38;
	v2 =	vmin.f32 v2, v8  }
0x18a: {  	s21 =	sadd.s32 $0x1, s21;
	v0 =	vsel vm11, v0, v3;
	v3 =	vmin.f32 v58, v60;
	v2 =	vadd.f32 v2, v18  }
0x18b: {  	vm13 =	vmmov $0x1fff;
	p0 =	sne.s32 s21, $0x10;
	v63 =	vmin.f32 v61, v7;
	v62 =	vadd.f32 v3, v18  }
.Ltmp4:
0x18c: {  	v1 =	vmin.f32 v1, v4;
	v3 =	vadd.f32 v63, v18;
	v0 =	vsel vm12, v0, v2;
	(pc) =	sbr.rel @p0 .LBB2_7-.Ltmp4, $4  }
0x18d: {  	vm14 =	vmmov $0x3fff;
	v1 =	vadd.f32 v1, v18;
	v0 =	vsel vm13, v0, v62  }
0x18e: {  	vm15 =	vmmov $0x7fff;
	v0 =	vsel vm14, v0, v3  }
0x18f: {  	v0 =	vsel vm15, v0, v1  }
0x190: {  	[tilespmem:s22+$0x2780] =	vst v0  }
0x191: {  	s21 =	sshll.u32 s20, $0xD  }
0x192: {  	s20 =	sadd.s32 $0x1, s20;
	s21 =	sor.u32 s8, s21  }
0x193: {  	p0 =	sne.s32 s20, $0x6;
	s21 =	sshrl.u32 s21, $0x3  }
.Ltmp5:
0x194: {  	s21 =	sadd.s32 s7, s21;
	(pc) =	sbr.rel @p0 .LBB2_2-.Ltmp5, $4  }
0x195: {  	[hbm4b:s21+s2] =	stream.linear.scatter [tilespmem:s18], [sflag:$0x1], $0x100, $0x38;
	[tilespmem:$0x2880] =	vst v63  }
0x196: {  	_ =	swait.ge [sflag:s10], $0x100  }
0x197: {  	[sflag:s10] =	ssyncset.done $0x0  }
0x198: {  	[sflag:s10] =	ssyncadd.s32 $0xFFFFFF00  }
0x199: {  	s19 =	sadd.s32 $0x1, s19  }
0x19a: {  	p0 =	sne.s32 s19, s9  }
.Ltmp6:
0x19b: {  	_ = 	snop;
	(pc) =	sbr.rel @p0 .LBB2_1-.Ltmp6, $1  }
0x19c: {  	_ =	sdelay $0x3  }
0x19d: {  	_ =	sfence.sel $0x180000  }
0x19e: {  	[bflag:$0x0] =	sbarrier.arrive $0xFFFF  }
0x19f: {  	p0 =	sne.s32 s6, $0x0;
	_ =	strace $0x90000047  }
0x1a0: {  	s0 =	sadd.s32 @!p0 $0x100000, s0;
	[bflag:$0x2] =	sbarrier.arrive $0xFFFF  }
0x1a1: {  	[sflag:s0] =	ssyncadd.tile.s32 @!p0 $0x1;
	_ =	shalt  }
.Lfunc_end2:
_tile_overlayer_lowered:
.L_overlay_start_2:
0x1a2: {  	(tag) =	ssettag $0x2  }
0x1a3: {  	s0 =	rddreg [dreg:$0x0];
	s2 =	stileid.u32  }
0x1a4: {  	s1 =	rddreg [dreg:$0x1];
	p0 =	sne.s32 s2, $0x0  }
0x1a5: {  	s3 =	rddreg [dreg:$0x2];
	[bflag:$0x3] =	sbarrier.arrive $0xFFFF;
	s2 =	simm.s32 @!p0 $0x1C01  }
0x1a6: {  	[timem:s3], [sflag:s2] =	dma.local @!p0 [hbm:s0], s1  }
0x1a7: {  	s0 =	simm.s32 @!p0 $0x1  }
0x1a8: {  	_ =	swait.ge @!p0 [sflag:s0], s1  }
0x1a9: {  	s1 =	ssub.s32 @!p0 $0x0, s1;
	[sflag:s0] =	ssyncset.done @!p0 $0x0  }
0x1aa: {  	[sflag:s0] =	ssyncadd.s32 @!p0 s1  }
0x1ab: {  	[bflag:$0x3] =	sbarrier.arrive $0xFFFF  }
0x1ac: {  	_ =	shalt  }

</sc_bundles>
